<compile_context>
chip_gen: v7x
topology: tpu7x:2x2x1
jax: 0.10.2.dev20260603
libtpu: 0.0.44.dev20260713+nightly
codegen_flags: <defaults>
</compile_context>

<pallas_src>
import functools
from math import sqrt

import jax
import jax.numpy as jnp
from jax import lax
from jax.experimental import pallas as pl
from jax.experimental.pallas import tpu as pltpu
from jax.experimental.pallas import tpu_sc as plsc

D_MODEL = 512
SCALE = sqrt(512.0)
LANES = 16

NC = 2
NS = 16
NW = NC * NS

B = 4096 * 200
BPW = B // NW
CHUNK = 40
NCHUNK = BPW // CHUNK
NBUF = 5
DEPTH = NBUF - 1

_MESH = plsc.VectorSubcoreMesh(core_axis_name="c", subcore_axis_name="s")


def _scale_rows(rows_v):
    def row_body(i, c):
        for j in range(D_MODEL // LANES):
            sl = pl.ds(j * LANES, LANES)
            rows_v[i, sl] = rows_v[i, sl] * SCALE
        return c

    lax.fori_loop(0, CHUNK, row_body, 0, unroll=False)


@functools.partial(
    pl.kernel,
    mesh=_MESH,
    out_type=jax.ShapeDtypeStruct((B, D_MODEL), jnp.float32),
    scratch_types=(
        [pltpu.VMEM((BPW,), jnp.int32)]
        + [pltpu.VMEM((CHUNK, D_MODEL), jnp.float32)] * NBUF
        + [pltpu.SemaphoreType.DMA] * (2 * NBUF)
    ),
)
def _emb_lookup(table_hbm, idx_hbm, out_hbm, idx_v, *bufs_and_sems):
    rows = bufs_and_sems[:NBUF]
    gsems = bufs_and_sems[NBUF:2 * NBUF]
    osems = bufs_and_sems[2 * NBUF:]

    wid = lax.axis_index("s") * NC + lax.axis_index("c")
    base = wid * BPW

    pltpu.sync_copy(idx_hbm.at[pl.ds(base, BPW)], idx_v)

    def idx_chunk(g):
        return idx_v.at[pl.ds(g * CHUNK, CHUNK)]

    def step(g, carry):
        @pl.when(g < NCHUNK)
        def _():
            gb = lax.rem(g, NBUF)
            for b in range(NBUF):
                @pl.when(gb == b)
                def _():
                    @pl.when(g >= NBUF)
                    def _():
                        pltpu.make_async_copy(
                            rows[b], out_hbm.at[pl.ds(0, CHUNK)], osems[b]).wait()
                    pltpu.async_copy(table_hbm.at[idx_chunk(g)], rows[b], gsems[b])

        @pl.when(g >= DEPTH)
        def _():
            p = g - DEPTH
            pb = lax.rem(p, NBUF)
            for b in range(NBUF):
                @pl.when(pb == b)
                def _():
                    pltpu.make_async_copy(
                        table_hbm.at[idx_chunk(p)], rows[b], gsems[b]).wait()
                    _scale_rows(rows[b])
                    pltpu.async_copy(
                        rows[b], out_hbm.at[pl.ds(base + p * CHUNK, CHUNK)], osems[b])

        return carry

    lax.fori_loop(0, NCHUNK + DEPTH, step, 0, unroll=False)

    for b in range(NBUF):
        pltpu.make_async_copy(rows[b], out_hbm.at[pl.ds(0, CHUNK)], osems[b]).wait()


def kernel(x, table):
    assert x.size == B and table.shape == (100000, D_MODEL)
    idx = x.reshape(-1).astype(jnp.int32)
    out = _emb_lookup(table, idx)
    return out.reshape(x.shape + (D_MODEL,))

# --- scband reference (transcript-rebuilt; emitter-appended) ---
"""Pipeline reference for scband-embeddings-42047729828477 (READ-ONLY COPY).

The authoritative reference and input builder live on the scoring server;
editing this copy changes nothing except your own understanding.
"""

import jax, jax.numpy as jnp
import numpy as np
from math import sqrt

VOCAB = 100000
D_MODEL = 512
PADDING_IDX = 0

def setup_inputs(seed: int = 0) -> dict:
    key = jax.random.key(seed)
    k_idx, k_tab = jax.random.split(key)
    x = jax.random.randint(k_idx, (4096, 200), 0, VOCAB, dtype=jnp.int64)
    # xavier_uniform with gain = calculate_gain('relu') = sqrt(2)
    gain = sqrt(2.0)
    bound = gain * sqrt(6.0 / (VOCAB + D_MODEL))
    table = jax.random.uniform(k_tab, (VOCAB, D_MODEL), dtype=jnp.float32, minval=-bound, maxval=bound)
    table = table.at[PADDING_IDX].set(jnp.zeros((D_MODEL,), dtype=jnp.float32))
    return {"x": x, "table": table}

def reference(x, table):
    # Embeddings.forward: table[x] * sqrt(d_model)
    return jnp.take(table, x, axis=0) * sqrt(D_MODEL)

if __name__ == "__main__":
    import jax
    _d = setup_inputs()
    print(jax.jit(kernel)(*tuple(_d.values())))

</pallas_src>

<mosaic_0001>
#map = affine_map<(d0, d1) -> (0, 0)>
#map1 = affine_map<(d0, d1) -> (0)>
module attributes {stable_mosaic.version = 14 : i64} {
  func.func @_emb_lookup(%arg0: i32, %arg1: i32, %arg2: memref<100000x512xf32, #tpu.memory_space<hbm>>, %arg3: memref<819200xi32, #tpu.memory_space<hbm>>, %arg4: memref<819200x512xf32, #tpu.memory_space<hbm>>, %arg5: memref<25600xi32, #tpu.memory_space<vmem>>, %arg6: memref<40x512xf32, #tpu.memory_space<vmem>>, %arg7: memref<40x512xf32, #tpu.memory_space<vmem>>, %arg8: memref<40x512xf32, #tpu.memory_space<vmem>>, %arg9: memref<40x512xf32, #tpu.memory_space<vmem>>, %arg10: memref<40x512xf32, #tpu.memory_space<vmem>>, %arg11: memref<!tpu.dma_semaphore, #tpu.memory_space<semaphore_mem>>, %arg12: memref<!tpu.dma_semaphore, #tpu.memory_space<semaphore_mem>>, %arg13: memref<!tpu.dma_semaphore, #tpu.memory_space<semaphore_mem>>, %arg14: memref<!tpu.dma_semaphore, #tpu.memory_space<semaphore_mem>>, %arg15: memref<!tpu.dma_semaphore, #tpu.memory_space<semaphore_mem>>, %arg16: memref<!tpu.dma_semaphore, #tpu.memory_space<semaphore_mem>>, %arg17: memref<!tpu.dma_semaphore, #tpu.memory_space<semaphore_mem>>, %arg18: memref<!tpu.dma_semaphore, #tpu.memory_space<semaphore_mem>>, %arg19: memref<!tpu.dma_semaphore, #tpu.memory_space<semaphore_mem>>, %arg20: memref<!tpu.dma_semaphore, #tpu.memory_space<semaphore_mem>>) attributes {dimension_semantics = [#tpu.dimension_semantics<core_parallel>, #tpu.dimension_semantics<subcore_parallel>], iteration_bounds = array<i64: 2, 16>, scalar_prefetch = 0 : i64, scratch_operands = 16 : i64, tpu.core_type = #tpu.core_type<sc_vector_subcore>, window_params = [{transform_indices = #map}, {transform_indices = #map1}, {transform_indices = #map}]} {
    %mul3A = arith.constant 2 : i32
    %mul3A_0 = arith.muli %arg1, %mul3A : i32
    %add3A = arith.addi %mul3A_0, %arg0 : i32
    %mul3A_1 = arith.constant 25600 : i32
    %mul3A_2 = arith.muli %add3A, %mul3A_1 : i32
    "tpu.region"() ({
      %run_scoped3A = tpu.sem_alloc : memref<!tpu.dma_semaphore, #tpu.memory_space<semaphore_mem>>
      %dma_start3A = tpu.memref_slice %arg3[%mul3A_2] : memref<819200xi32, #tpu.memory_space<hbm>> -> memref<25600xi32, #tpu.memory_space<hbm>>
      %dma_start3A_37 = tpu.memref_slice %arg3[%mul3A_2] : memref<819200xi32, #tpu.memory_space<hbm>> -> memref<25600xi32, #tpu.memory_space<hbm>>
      tpu.enqueue_dma source(%dma_start3A_37 : memref<25600xi32, #tpu.memory_space<hbm>>) target(%arg5 : memref<25600xi32, #tpu.memory_space<vmem>>) target_semaphore(%run_scoped3A : memref<!tpu.dma_semaphore, #tpu.memory_space<semaphore_mem>>)
      %dma_wait3A_38 = tpu.memref_slice %arg3[%mul3A_2] : memref<819200xi32, #tpu.memory_space<hbm>> -> memref<25600xi32, #tpu.memory_space<hbm>>
      %dma_wait3A_39 = tpu.memref_slice %arg3[%mul3A_2] : memref<819200xi32, #tpu.memory_space<hbm>> -> memref<25600xi32, #tpu.memory_space<hbm>>
      tpu.wait_dma2 semaphore(%run_scoped3A : memref<!tpu.dma_semaphore, #tpu.memory_space<semaphore_mem>>) src(%dma_wait3A_39 : memref<25600xi32, #tpu.memory_space<hbm>>) dst(%arg5 : memref<25600xi32, #tpu.memory_space<vmem>>)
      tpu.yield
    }) : () -> ()
    %scan3A = arith.constant 0 : i32
    %scan3A_3 = arith.constant 0 : i32
    %scan3A_4 = arith.constant 644 : i32
    %scan3A_5 = arith.addi %scan3A_3, %scan3A_4 : i32
    %scan3A_6 = arith.constant 1 : i32
    scf.for %scan3A_37 = %scan3A_3 to %scan3A_5 step %scan3A_6  : i32 {
      %lt3A = arith.constant 640 : i32
      %lt3A_38 = arith.cmpi slt, %scan3A_37, %lt3A : i32
      %convert_element_type3A = arith.extui %lt3A_38 : i1 to i32
      %cond3A = arith.constant 0 : i32
      %cond3A_39 = arith.cmpi ne, %convert_element_type3A, %cond3A : i32
      scf.if %cond3A_39 {
        %rem3A = arith.constant 5 : i32
        %rem3A_44 = arith.remsi %scan3A_37, %rem3A : i32
        %eq3A = arith.constant 0 : i32
        %eq3A_45 = arith.cmpi eq, %rem3A_44, %eq3A : i32
        %convert_element_type3A_46 = arith.extui %eq3A_45 : i1 to i32
        %cond3A_47 = arith.constant 0 : i32
        %cond3A_48 = arith.cmpi ne, %convert_element_type3A_46, %cond3A_47 : i32
        scf.if %cond3A_48 {
          %ge3A_69 = arith.constant 5 : i32
          %ge3A_70 = arith.cmpi sge, %scan3A_37, %ge3A_69 : i32
          %convert_element_type3A_71 = arith.extui %ge3A_70 : i1 to i32
          %cond3A_72 = arith.constant 0 : i32
          %cond3A_73 = arith.cmpi ne, %convert_element_type3A_71, %cond3A_72 : i32
          scf.if %cond3A_73 {
            %dma_wait3A_79 = arith.constant 0 : i32
            %dma_wait3A_80 = arith.constant 0 : i32
            %dma_wait3A_81 = tpu.memref_slice %arg4[%dma_wait3A_79, %dma_wait3A_80] : memref<819200x512xf32, #tpu.memory_space<hbm>> -> memref<40x512xf32, #tpu.memory_space<hbm>>
            %dma_wait3A_82 = arith.constant 0 : i32
            %dma_wait3A_83 = arith.constant 0 : i32
            %dma_wait3A_84 = tpu.memref_slice %arg4[%dma_wait3A_82, %dma_wait3A_83] : memref<819200x512xf32, #tpu.memory_space<hbm>> -> memref<40x512xf32, #tpu.memory_space<hbm>>
            tpu.wait_dma2 semaphore(%arg16 : memref<!tpu.dma_semaphore, #tpu.memory_space<semaphore_mem>>) src(%arg6 : memref<40x512xf32, #tpu.memory_space<vmem>>) dst(%dma_wait3A_84 : memref<40x512xf32, #tpu.memory_space<hbm>>)
          } else {
          }
          %mul3A_74 = arith.constant 40 : i32
          %mul3A_75 = arith.muli %scan3A_37, %mul3A_74 : i32
          %dma_start3A = tpu.memref_slice %arg5[%mul3A_75] : memref<25600xi32, #tpu.memory_space<vmem>> -> memref<40xi32, #tpu.memory_space<vmem>>
          %dma_start3A_76 = arith.constant 0 : i32
          %dma_start3A_77 = arith.constant 0 : i32
          %dma_start3A_78 = tpu.memref_slice %arg2[%dma_start3A_76, %dma_start3A_77] : memref<100000x512xf32, #tpu.memory_space<hbm>> -> memref<100000x512xf32, #tpu.memory_space<hbm>>
          tpu.enqueue_indirect_dma source(%dma_start3A_78 : memref<100000x512xf32, #tpu.memory_space<hbm>>) target(%arg6 : memref<40x512xf32, #tpu.memory_space<vmem>>) offsets(%dma_start3A : memref<40xi32, #tpu.memory_space<vmem>>) semaphore(%arg11 : memref<!tpu.dma_semaphore, #tpu.memory_space<semaphore_mem>>)
        } else {
        }
        %eq3A_49 = arith.constant 1 : i32
        %eq3A_50 = arith.cmpi eq, %rem3A_44, %eq3A_49 : i32
        %convert_element_type3A_51 = arith.extui %eq3A_50 : i1 to i32
        %cond3A_52 = arith.constant 0 : i32
        %cond3A_53 = arith.cmpi ne, %convert_element_type3A_51, %cond3A_52 : i32
        scf.if %cond3A_53 {
          %ge3A_69 = arith.constant 5 : i32
          %ge3A_70 = arith.cmpi sge, %scan3A_37, %ge3A_69 : i32
          %convert_element_type3A_71 = arith.extui %ge3A_70 : i1 to i32
          %cond3A_72 = arith.constant 0 : i32
          %cond3A_73 = arith.cmpi ne, %convert_element_type3A_71, %cond3A_72 : i32
          scf.if %cond3A_73 {
            %dma_wait3A_79 = arith.constant 0 : i32
            %dma_wait3A_80 = arith.constant 0 : i32
            %dma_wait3A_81 = tpu.memref_slice %arg4[%dma_wait3A_79, %dma_wait3A_80] : memref<819200x512xf32, #tpu.memory_space<hbm>> -> memref<40x512xf32, #tpu.memory_space<hbm>>
            %dma_wait3A_82 = arith.constant 0 : i32
            %dma_wait3A_83 = arith.constant 0 : i32
            %dma_wait3A_84 = tpu.memref_slice %arg4[%dma_wait3A_82, %dma_wait3A_83] : memref<819200x512xf32, #tpu.memory_space<hbm>> -> memref<40x512xf32, #tpu.memory_space<hbm>>
            tpu.wait_dma2 semaphore(%arg17 : memref<!tpu.dma_semaphore, #tpu.memory_space<semaphore_mem>>) src(%arg7 : memref<40x512xf32, #tpu.memory_space<vmem>>) dst(%dma_wait3A_84 : memref<40x512xf32, #tpu.memory_space<hbm>>)
          } else {
          }
          %mul3A_74 = arith.constant 40 : i32
          %mul3A_75 = arith.muli %scan3A_37, %mul3A_74 : i32
          %dma_start3A = tpu.memref_slice %arg5[%mul3A_75] : memref<25600xi32, #tpu.memory_space<vmem>> -> memref<40xi32, #tpu.memory_space<vmem>>
          %dma_start3A_76 = arith.constant 0 : i32
          %dma_start3A_77 = arith.constant 0 : i32
          %dma_start3A_78 = tpu.memref_slice %arg2[%dma_start3A_76, %dma_start3A_77] : memref<100000x512xf32, #tpu.memory_space<hbm>> -> memref<100000x512xf32, #tpu.memory_space<hbm>>
          tpu.enqueue_indirect_dma source(%dma_start3A_78 : memref<100000x512xf32, #tpu.memory_space<hbm>>) target(%arg7 : memref<40x512xf32, #tpu.memory_space<vmem>>) offsets(%dma_start3A : memref<40xi32, #tpu.memory_space<vmem>>) semaphore(%arg12 : memref<!tpu.dma_semaphore, #tpu.memory_space<semaphore_mem>>)
        } else {
        }
        %eq3A_54 = arith.constant 2 : i32
        %eq3A_55 = arith.cmpi eq, %rem3A_44, %eq3A_54 : i32
        %convert_element_type3A_56 = arith.extui %eq3A_55 : i1 to i32
        %cond3A_57 = arith.constant 0 : i32
        %cond3A_58 = arith.cmpi ne, %convert_element_type3A_56, %cond3A_57 : i32
        scf.if %cond3A_58 {
          %ge3A_69 = arith.constant 5 : i32
          %ge3A_70 = arith.cmpi sge, %scan3A_37, %ge3A_69 : i32
          %convert_element_type3A_71 = arith.extui %ge3A_70 : i1 to i32
          %cond3A_72 = arith.constant 0 : i32
          %cond3A_73 = arith.cmpi ne, %convert_element_type3A_71, %cond3A_72 : i32
          scf.if %cond3A_73 {
            %dma_wait3A_79 = arith.constant 0 : i32
            %dma_wait3A_80 = arith.constant 0 : i32
            %dma_wait3A_81 = tpu.memref_slice %arg4[%dma_wait3A_79, %dma_wait3A_80] : memref<819200x512xf32, #tpu.memory_space<hbm>> -> memref<40x512xf32, #tpu.memory_space<hbm>>
            %dma_wait3A_82 = arith.constant 0 : i32
            %dma_wait3A_83 = arith.constant 0 : i32
            %dma_wait3A_84 = tpu.memref_slice %arg4[%dma_wait3A_82, %dma_wait3A_83] : memref<819200x512xf32, #tpu.memory_space<hbm>> -> memref<40x512xf32, #tpu.memory_space<hbm>>
            tpu.wait_dma2 semaphore(%arg18 : memref<!tpu.dma_semaphore, #tpu.memory_space<semaphore_mem>>) src(%arg8 : memref<40x512xf32, #tpu.memory_space<vmem>>) dst(%dma_wait3A_84 : memref<40x512xf32, #tpu.memory_space<hbm>>)
          } else {
          }
          %mul3A_74 = arith.constant 40 : i32
          %mul3A_75 = arith.muli %scan3A_37, %mul3A_74 : i32
          %dma_start3A = tpu.memref_slice %arg5[%mul3A_75] : memref<25600xi32, #tpu.memory_space<vmem>> -> memref<40xi32, #tpu.memory_space<vmem>>
          %dma_start3A_76 = arith.constant 0 : i32
          %dma_start3A_77 = arith.constant 0 : i32
          %dma_start3A_78 = tpu.memref_slice %arg2[%dma_start3A_76, %dma_start3A_77] : memref<100000x512xf32, #tpu.memory_space<hbm>> -> memref<100000x512xf32, #tpu.memory_space<hbm>>
          tpu.enqueue_indirect_dma source(%dma_start3A_78 : memref<100000x512xf32, #tpu.memory_space<hbm>>) target(%arg8 : memref<40x512xf32, #tpu.memory_space<vmem>>) offsets(%dma_start3A : memref<40xi32, #tpu.memory_space<vmem>>) semaphore(%arg13 : memref<!tpu.dma_semaphore, #tpu.memory_space<semaphore_mem>>)
        } else {
        }
        %eq3A_59 = arith.constant 3 : i32
        %eq3A_60 = arith.cmpi eq, %rem3A_44, %eq3A_59 : i32
        %convert_element_type3A_61 = arith.extui %eq3A_60 : i1 to i32
        %cond3A_62 = arith.constant 0 : i32
        %cond3A_63 = arith.cmpi ne, %convert_element_type3A_61, %cond3A_62 : i32
        scf.if %cond3A_63 {
          %ge3A_69 = arith.constant 5 : i32
          %ge3A_70 = arith.cmpi sge, %scan3A_37, %ge3A_69 : i32
          %convert_element_type3A_71 = arith.extui %ge3A_70 : i1 to i32
          %cond3A_72 = arith.constant 0 : i32
          %cond3A_73 = arith.cmpi ne, %convert_element_type3A_71, %cond3A_72 : i32
          scf.if %cond3A_73 {
            %dma_wait3A_79 = arith.constant 0 : i32
            %dma_wait3A_80 = arith.constant 0 : i32
            %dma_wait3A_81 = tpu.memref_slice %arg4[%dma_wait3A_79, %dma_wait3A_80] : memref<819200x512xf32, #tpu.memory_space<hbm>> -> memref<40x512xf32, #tpu.memory_space<hbm>>
            %dma_wait3A_82 = arith.constant 0 : i32
            %dma_wait3A_83 = arith.constant 0 : i32
            %dma_wait3A_84 = tpu.memref_slice %arg4[%dma_wait3A_82, %dma_wait3A_83] : memref<819200x512xf32, #tpu.memory_space<hbm>> -> memref<40x512xf32, #tpu.memory_space<hbm>>
            tpu.wait_dma2 semaphore(%arg19 : memref<!tpu.dma_semaphore, #tpu.memory_space<semaphore_mem>>) src(%arg9 : memref<40x512xf32, #tpu.memory_space<vmem>>) dst(%dma_wait3A_84 : memref<40x512xf32, #tpu.memory_space<hbm>>)
          } else {
          }
          %mul3A_74 = arith.constant 40 : i32
          %mul3A_75 = arith.muli %scan3A_37, %mul3A_74 : i32
          %dma_start3A = tpu.memref_slice %arg5[%mul3A_75] : memref<25600xi32, #tpu.memory_space<vmem>> -> memref<40xi32, #tpu.memory_space<vmem>>
          %dma_start3A_76 = arith.constant 0 : i32
          %dma_start3A_77 = arith.constant 0 : i32
          %dma_start3A_78 = tpu.memref_slice %arg2[%dma_start3A_76, %dma_start3A_77] : memref<100000x512xf32, #tpu.memory_space<hbm>> -> memref<100000x512xf32, #tpu.memory_space<hbm>>
          tpu.enqueue_indirect_dma source(%dma_start3A_78 : memref<100000x512xf32, #tpu.memory_space<hbm>>) target(%arg9 : memref<40x512xf32, #tpu.memory_space<vmem>>) offsets(%dma_start3A : memref<40xi32, #tpu.memory_space<vmem>>) semaphore(%arg14 : memref<!tpu.dma_semaphore, #tpu.memory_space<semaphore_mem>>)
        } else {
        }
        %eq3A_64 = arith.constant 4 : i32
        %eq3A_65 = arith.cmpi eq, %rem3A_44, %eq3A_64 : i32
        %convert_element_type3A_66 = arith.extui %eq3A_65 : i1 to i32
        %cond3A_67 = arith.constant 0 : i32
        %cond3A_68 = arith.cmpi ne, %convert_element_type3A_66, %cond3A_67 : i32
        scf.if %cond3A_68 {
          %ge3A_69 = arith.constant 5 : i32
          %ge3A_70 = arith.cmpi sge, %scan3A_37, %ge3A_69 : i32
          %convert_element_type3A_71 = arith.extui %ge3A_70 : i1 to i32
          %cond3A_72 = arith.constant 0 : i32
          %cond3A_73 = arith.cmpi ne, %convert_element_type3A_71, %cond3A_72 : i32
          scf.if %cond3A_73 {
            %dma_wait3A_79 = arith.constant 0 : i32
            %dma_wait3A_80 = arith.constant 0 : i32
            %dma_wait3A_81 = tpu.memref_slice %arg4[%dma_wait3A_79, %dma_wait3A_80] : memref<819200x512xf32, #tpu.memory_space<hbm>> -> memref<40x512xf32, #tpu.memory_space<hbm>>
            %dma_wait3A_82 = arith.constant 0 : i32
            %dma_wait3A_83 = arith.constant 0 : i32
            %dma_wait3A_84 = tpu.memref_slice %arg4[%dma_wait3A_82, %dma_wait3A_83] : memref<819200x512xf32, #tpu.memory_space<hbm>> -> memref<40x512xf32, #tpu.memory_space<hbm>>
            tpu.wait_dma2 semaphore(%arg20 : memref<!tpu.dma_semaphore, #tpu.memory_space<semaphore_mem>>) src(%arg10 : memref<40x512xf32, #tpu.memory_space<vmem>>) dst(%dma_wait3A_84 : memref<40x512xf32, #tpu.memory_space<hbm>>)
          } else {
          }
          %mul3A_74 = arith.constant 40 : i32
          %mul3A_75 = arith.muli %scan3A_37, %mul3A_74 : i32
          %dma_start3A = tpu.memref_slice %arg5[%mul3A_75] : memref<25600xi32, #tpu.memory_space<vmem>> -> memref<40xi32, #tpu.memory_space<vmem>>
          %dma_start3A_76 = arith.constant 0 : i32
          %dma_start3A_77 = arith.constant 0 : i32
          %dma_start3A_78 = tpu.memref_slice %arg2[%dma_start3A_76, %dma_start3A_77] : memref<100000x512xf32, #tpu.memory_space<hbm>> -> memref<100000x512xf32, #tpu.memory_space<hbm>>
          tpu.enqueue_indirect_dma source(%dma_start3A_78 : memref<100000x512xf32, #tpu.memory_space<hbm>>) target(%arg10 : memref<40x512xf32, #tpu.memory_space<vmem>>) offsets(%dma_start3A : memref<40xi32, #tpu.memory_space<vmem>>) semaphore(%arg15 : memref<!tpu.dma_semaphore, #tpu.memory_space<semaphore_mem>>)
        } else {
        }
      } else {
      }
      %ge3A = arith.constant 4 : i32
      %ge3A_40 = arith.cmpi sge, %scan3A_37, %ge3A : i32
      %convert_element_type3A_41 = arith.extui %ge3A_40 : i1 to i32
      %cond3A_42 = arith.constant 0 : i32
      %cond3A_43 = arith.cmpi ne, %convert_element_type3A_41, %cond3A_42 : i32
      scf.if %cond3A_43 {
        %sub3A = arith.constant 4 : i32
        %sub3A_44 = arith.subi %scan3A_37, %sub3A : i32
        %rem3A = arith.constant 5 : i32
        %rem3A_45 = arith.remsi %sub3A_44, %rem3A : i32
        %eq3A = arith.constant 0 : i32
        %eq3A_46 = arith.cmpi eq, %rem3A_45, %eq3A : i32
        %convert_element_type3A_47 = arith.extui %eq3A_46 : i1 to i32
        %cond3A_48 = arith.constant 0 : i32
        %cond3A_49 = arith.cmpi ne, %convert_element_type3A_47, %cond3A_48 : i32
        scf.if %cond3A_49 {
          %mul3A_70 = arith.constant 40 : i32
          %mul3A_71 = arith.muli %sub3A_44, %mul3A_70 : i32
          %dma_wait3A_72 = tpu.memref_slice %arg5[%mul3A_71] : memref<25600xi32, #tpu.memory_space<vmem>> -> memref<40xi32, #tpu.memory_space<vmem>>
          %dma_wait3A_73 = arith.constant 0 : i32
          %dma_wait3A_74 = arith.constant 0 : i32
          %dma_wait3A_75 = tpu.memref_slice %arg2[%dma_wait3A_73, %dma_wait3A_74] : memref<100000x512xf32, #tpu.memory_space<hbm>> -> memref<100000x512xf32, #tpu.memory_space<hbm>>
          tpu.wait_indirect_dma semaphore(%arg11 : memref<!tpu.dma_semaphore, #tpu.memory_space<semaphore_mem>>) src(%dma_wait3A_75 : memref<100000x512xf32, #tpu.memory_space<hbm>>) dst(%arg6 : memref<40x512xf32, #tpu.memory_space<vmem>>)
          %scan3A_76 = arith.constant 0 : i32
          %scan3A_77 = arith.constant 0 : i32
          %scan3A_78 = arith.constant 40 : i32
          %scan3A_79 = arith.addi %scan3A_77, %scan3A_78 : i32
          %scan3A_80 = arith.constant 1 : i32
          scf.for %scan3A_88 = %scan3A_77 to %scan3A_79 step %scan3A_80  : i32 {
            %get3A = arith.index_cast %scan3A_88 : i32 to index
            %get3A_89 = arith.constant 0 : index
            %get3A_90 = tpu.vector_load %arg6[%get3A, %get3A_89] {strides = array<i32>} : memref<40x512xf32, #tpu.memory_space<vmem>>, vector<1x16xf32>,
            %get3A_91 = vector.shape_cast %get3A_90 : vector<1x16xf32> to vector<16xf32>
            %mul3A_92 = arith.constant 22.6274166 : f32
            %mul3A_93 = vector.broadcast %mul3A_92 : f32 to vector<16xf32>
            %mul3A_94 = arith.mulf %get3A_91, %mul3A_93 : vector<16xf32>
            %swap3A = arith.index_cast %scan3A_88 : i32 to index
            %swap3A_95 = arith.constant 0 : index
            %swap3A_96 = tpu.vector_load %arg6[%swap3A, %swap3A_95] {strides = array<i32>} : memref<40x512xf32, #tpu.memory_space<vmem>>, vector<1x16xf32>,
            %swap3A_97 = vector.shape_cast %swap3A_96 : vector<1x16xf32> to vector<16xf32>
            %swap3A_98 = vector.shape_cast %mul3A_94 : vector<16xf32> to vector<1x16xf32>
            tpu.vector_store %arg6[%swap3A, %swap3A_95], %swap3A_98 {strides = array<i32>} : memref<40x512xf32, #tpu.memory_space<vmem>>, vector<1x16xf32>,
            %get3A_99 = arith.index_cast %scan3A_88 : i32 to index
            %get3A_100 = arith.constant 16 : index
            %get3A_101 = tpu.vector_load %arg6[%get3A_99, %get3A_100] {strides = array<i32>} : memref<40x512xf32, #tpu.memory_space<vmem>>, vector<1x16xf32>,
            %get3A_102 = vector.shape_cast %get3A_101 : vector<1x16xf32> to vector<16xf32>
            %mul3A_103 = arith.constant 22.6274166 : f32
            %mul3A_104 = vector.broadcast %mul3A_103 : f32 to vector<16xf32>
            %mul3A_105 = arith.mulf %get3A_102, %mul3A_104 : vector<16xf32>
            %swap3A_106 = arith.index_cast %scan3A_88 : i32 to index
            %swap3A_107 = arith.constant 16 : index
            %swap3A_108 = tpu.vector_load %arg6[%swap3A_106, %swap3A_107] {strides = array<i32>} : memref<40x512xf32, #tpu.memory_space<vmem>>, vector<1x16xf32>,
            %swap3A_109 = vector.shape_cast %swap3A_108 : vector<1x16xf32> to vector<16xf32>
            %swap3A_110 = vector.shape_cast %mul3A_105 : vector<16xf32> to vector<1x16xf32>
            tpu.vector_store %arg6[%swap3A_106, %swap3A_107], %swap3A_110 {strides = array<i32>} : memref<40x512xf32, #tpu.memory_space<vmem>>, vector<1x16xf32>,
            %get3A_111 = arith.index_cast %scan3A_88 : i32 to index
            %get3A_112 = arith.constant 32 : index
            %get3A_113 = tpu.vector_load %arg6[%get3A_111, %get3A_112] {strides = array<i32>} : memref<40x512xf32, #tpu.memory_space<vmem>>, vector<1x16xf32>,
            %get3A_114 = vector.shape_cast %get3A_113 : vector<1x16xf32> to vector<16xf32>
            %mul3A_115 = arith.constant 22.6274166 : f32
            %mul3A_116 = vector.broadcast %mul3A_115 : f32 to vector<16xf32>
            %mul3A_117 = arith.mulf %get3A_114, %mul3A_116 : vector<16xf32>
            %swap3A_118 = arith.index_cast %scan3A_88 : i32 to index
            %swap3A_119 = arith.constant 32 : index
            %swap3A_120 = tpu.vector_load %arg6[%swap3A_118, %swap3A_119] {strides = array<i32>} : memref<40x512xf32, #tpu.memory_space<vmem>>, vector<1x16xf32>,
            %swap3A_121 = vector.shape_cast %swap3A_120 : vector<1x16xf32> to vector<16xf32>
            %swap3A_122 = vector.shape_cast %mul3A_117 : vector<16xf32> to vector<1x16xf32>
            tpu.vector_store %arg6[%swap3A_118, %swap3A_119], %swap3A_122 {strides = array<i32>} : memref<40x512xf32, #tpu.memory_space<vmem>>, vector<1x16xf32>,
            %get3A_123 = arith.index_cast %scan3A_88 : i32 to index
            %get3A_124 = arith.constant 48 : index
            %get3A_125 = tpu.vector_load %arg6[%get3A_123, %get3A_124] {strides = array<i32>} : memref<40x512xf32, #tpu.memory_space<vmem>>, vector<1x16xf32>,
            %get3A_126 = vector.shape_cast %get3A_125 : vector<1x16xf32> to vector<16xf32>
            %mul3A_127 = arith.constant 22.6274166 : f32
            %mul3A_128 = vector.broadcast %mul3A_127 : f32 to vector<16xf32>
            %mul3A_129 = arith.mulf %get3A_126, %mul3A_128 : vector<16xf32>
            %swap3A_130 = arith.index_cast %scan3A_88 : i32 to index
            %swap3A_131 = arith.constant 48 : index
            %swap3A_132 = tpu.vector_load %arg6[%swap3A_130, %swap3A_131] {strides = array<i32>} : memref<40x512xf32, #tpu.memory_space<vmem>>, vector<1x16xf32>,
            %swap3A_133 = vector.shape_cast %swap3A_132 : vector<1x16xf32> to vector<16xf32>
            %swap3A_134 = vector.shape_cast %mul3A_129 : vector<16xf32> to vector<1x16xf32>
            tpu.vector_store %arg6[%swap3A_130, %swap3A_131], %swap3A_134 {strides = array<i32>} : memref<40x512xf32, #tpu.memory_space<vmem>>, vector<1x16xf32>,
            %get3A_135 = arith.index_cast %scan3A_88 : i32 to index
            %get3A_136 = arith.constant 64 : index
            %get3A_137 = tpu.vector_load %arg6[%get3A_135, %get3A_136] {strides = array<i32>} : memref<40x512xf32, #tpu.memory_space<vmem>>, vector<1x16xf32>,
            %get3A_138 = vector.shape_cast %get3A_137 : vector<1x16xf32> to vector<16xf32>
            %mul3A_139 = arith.constant 22.6274166 : f32
            %mul3A_140 = vector.broadcast %mul3A_139 : f32 to vector<16xf32>
            %mul3A_141 = arith.mulf %get3A_138, %mul3A_140 : vector<16xf32>
            %swap3A_142 = arith.index_cast %scan3A_88 : i32 to index
            %swap3A_143 = arith.constant 64 : index
            %swap3A_144 = tpu.vector_load %arg6[%swap3A_142, %swap3A_143] {strides = array<i32>} : memref<40x512xf32, #tpu.memory_space<vmem>>, vector<1x16xf32>,
            %swap3A_145 = vector.shape_cast %swap3A_144 : vector<1x16xf32> to vector<16xf32>
            %swap3A_146 = vector.shape_cast %mul3A_141 : vector<16xf32> to vector<1x16xf32>
            tpu.vector_store %arg6[%swap3A_142, %swap3A_143], %swap3A_146 {strides = array<i32>} : memref<40x512xf32, #tpu.memory_space<vmem>>, vector<1x16xf32>,
            %get3A_147 = arith.index_cast %scan3A_88 : i32 to index
            %get3A_148 = arith.constant 80 : index
            %get3A_149 = tpu.vector_load %arg6[%get3A_147, %get3A_148] {strides = array<i32>} : memref<40x512xf32, #tpu.memory_space<vmem>>, vector<1x16xf32>,
            %get3A_150 = vector.shape_cast %get3A_149 : vector<1x16xf32> to vector<16xf32>
            %mul3A_151 = arith.constant 22.6274166 : f32
            %mul3A_152 = vector.broadcast %mul3A_151 : f32 to vector<16xf32>
            %mul3A_153 = arith.mulf %get3A_150, %mul3A_152 : vector<16xf32>
            %swap3A_154 = arith.index_cast %scan3A_88 : i32 to index
            %swap3A_155 = arith.constant 80 : index
            %swap3A_156 = tpu.vector_load %arg6[%swap3A_154, %swap3A_155] {strides = array<i32>} : memref<40x512xf32, #tpu.memory_space<vmem>>, vector<1x16xf32>,
            %swap3A_157 = vector.shape_cast %swap3A_156 : vector<1x16xf32> to vector<16xf32>
            %swap3A_158 = vector.shape_cast %mul3A_153 : vector<16xf32> to vector<1x16xf32>
            tpu.vector_store %arg6[%swap3A_154, %swap3A_155], %swap3A_158 {strides = array<i32>} : memref<40x512xf32, #tpu.memory_space<vmem>>, vector<1x16xf32>,
            %get3A_159 = arith.index_cast %scan3A_88 : i32 to index
            %get3A_160 = arith.constant 96 : index
            %get3A_161 = tpu.vector_load %arg6[%get3A_159, %get3A_160] {strides = array<i32>} : memref<40x512xf32, #tpu.memory_space<vmem>>, vector<1x16xf32>,
            %get3A_162 = vector.shape_cast %get3A_161 : vector<1x16xf32> to vector<16xf32>
            %mul3A_163 = arith.constant 22.6274166 : f32
            %mul3A_164 = vector.broadcast %mul3A_163 : f32 to vector<16xf32>
            %mul3A_165 = arith.mulf %get3A_162, %mul3A_164 : vector<16xf32>
            %swap3A_166 = arith.index_cast %scan3A_88 : i32 to index
            %swap3A_167 = arith.constant 96 : index
            %swap3A_168 = tpu.vector_load %arg6[%swap3A_166, %swap3A_167] {strides = array<i32>} : memref<40x512xf32, #tpu.memory_space<vmem>>, vector<1x16xf32>,
            %swap3A_169 = vector.shape_cast %swap3A_168 : vector<1x16xf32> to vector<16xf32>
            %swap3A_170 = vector.shape_cast %mul3A_165 : vector<16xf32> to vector<1x16xf32>
            tpu.vector_store %arg6[%swap3A_166, %swap3A_167], %swap3A_170 {strides = array<i32>} : memref<40x512xf32, #tpu.memory_space<vmem>>, vector<1x16xf32>,
            %get3A_171 = arith.index_cast %scan3A_88 : i32 to index
            %get3A_172 = arith.constant 112 : index
            %get3A_173 = tpu.vector_load %arg6[%get3A_171, %get3A_172] {strides = array<i32>} : memref<40x512xf32, #tpu.memory_space<vmem>>, vector<1x16xf32>,
            %get3A_174 = vector.shape_cast %get3A_173 : vector<1x16xf32> to vector<16xf32>
            %mul3A_175 = arith.constant 22.6274166 : f32
            %mul3A_176 = vector.broadcast %mul3A_175 : f32 to vector<16xf32>
            %mul3A_177 = arith.mulf %get3A_174, %mul3A_176 : vector<16xf32>
            %swap3A_178 = arith.index_cast %scan3A_88 : i32 to index
            %swap3A_179 = arith.constant 112 : index
            %swap3A_180 = tpu.vector_load %arg6[%swap3A_178, %swap3A_179] {strides = array<i32>} : memref<40x512xf32, #tpu.memory_space<vmem>>, vector<1x16xf32>,
            %swap3A_181 = vector.shape_cast %swap3A_180 : vector<1x16xf32> to vector<16xf32>
            %swap3A_182 = vector.shape_cast %mul3A_177 : vector<16xf32> to vector<1x16xf32>
            tpu.vector_store %arg6[%swap3A_178, %swap3A_179], %swap3A_182 {strides = array<i32>} : memref<40x512xf32, #tpu.memory_space<vmem>>, vector<1x16xf32>,
            %get3A_183 = arith.index_cast %scan3A_88 : i32 to index
            %get3A_184 = arith.constant 128 : index
            %get3A_185 = tpu.vector_load %arg6[%get3A_183, %get3A_184] {strides = array<i32>} : memref<40x512xf32, #tpu.memory_space<vmem>>, vector<1x16xf32>,
            %get3A_186 = vector.shape_cast %get3A_185 : vector<1x16xf32> to vector<16xf32>
            %mul3A_187 = arith.constant 22.6274166 : f32
            %mul3A_188 = vector.broadcast %mul3A_187 : f32 to vector<16xf32>
            %mul3A_189 = arith.mulf %get3A_186, %mul3A_188 : vector<16xf32>
            %swap3A_190 = arith.index_cast %scan3A_88 : i32 to index
            %swap3A_191 = arith.constant 128 : index
            %swap3A_192 = tpu.vector_load %arg6[%swap3A_190, %swap3A_191] {strides = array<i32>} : memref<40x512xf32, #tpu.memory_space<vmem>>, vector<1x16xf32>,
            %swap3A_193 = vector.shape_cast %swap3A_192 : vector<1x16xf32> to vector<16xf32>
            %swap3A_194 = vector.shape_cast %mul3A_189 : vector<16xf32> to vector<1x16xf32>
            tpu.vector_store %arg6[%swap3A_190, %swap3A_191], %swap3A_194 {strides = array<i32>} : memref<40x512xf32, #tpu.memory_space<vmem>>, vector<1x16xf32>,
            %get3A_195 = arith.index_cast %scan3A_88 : i32 to index
            %get3A_196 = arith.constant 144 : index
            %get3A_197 = tpu.vector_load %arg6[%get3A_195, %get3A_196] {strides = array<i32>} : memref<40x512xf32, #tpu.memory_space<vmem>>, vector<1x16xf32>,
            %get3A_198 = vector.shape_cast %get3A_197 : vector<1x16xf32> to vector<16xf32>
            %mul3A_199 = arith.constant 22.6274166 : f32
            %mul3A_200 = vector.broadcast %mul3A_199 : f32 to vector<16xf32>
            %mul3A_201 = arith.mulf %get3A_198, %mul3A_200 : vector<16xf32>
            %swap3A_202 = arith.index_cast %scan3A_88 : i32 to index
            %swap3A_203 = arith.constant 144 : index
            %swap3A_204 = tpu.vector_load %arg6[%swap3A_202, %swap3A_203] {strides = array<i32>} : memref<40x512xf32, #tpu.memory_space<vmem>>, vector<1x16xf32>,
            %swap3A_205 = vector.shape_cast %swap3A_204 : vector<1x16xf32> to vector<16xf32>
            %swap3A_206 = vector.shape_cast %mul3A_201 : vector<16xf32> to vector<1x16xf32>
            tpu.vector_store %arg6[%swap3A_202, %swap3A_203], %swap3A_206 {strides = array<i32>} : memref<40x512xf32, #tpu.memory_space<vmem>>, vector<1x16xf32>,
            %get3A_207 = arith.index_cast %scan3A_88 : i32 to index
            %get3A_208 = arith.constant 160 : index
            %get3A_209 = tpu.vector_load %arg6[%get3A_207, %get3A_208] {strides = array<i32>} : memref<40x512xf32, #tpu.memory_space<vmem>>, vector<1x16xf32>,
            %get3A_210 = vector.shape_cast %get3A_209 : vector<1x16xf32> to vector<16xf32>
            %mul3A_211 = arith.constant 22.6274166 : f32
            %mul3A_212 = vector.broadcast %mul3A_211 : f32 to vector<16xf32>
            %mul3A_213 = arith.mulf %get3A_210, %mul3A_212 : vector<16xf32>
            %swap3A_214 = arith.index_cast %scan3A_88 : i32 to index
            %swap3A_215 = arith.constant 160 : index
            %swap3A_216 = tpu.vector_load %arg6[%swap3A_214, %swap3A_215] {strides = array<i32>} : memref<40x512xf32, #tpu.memory_space<vmem>>, vector<1x16xf32>,
            %swap3A_217 = vector.shape_cast %swap3A_216 : vector<1x16xf32> to vector<16xf32>
            %swap3A_218 = vector.shape_cast %mul3A_213 : vector<16xf32> to vector<1x16xf32>
            tpu.vector_store %arg6[%swap3A_214, %swap3A_215], %swap3A_218 {strides = array<i32>} : memref<40x512xf32, #tpu.memory_space<vmem>>, vector<1x16xf32>,
            %get3A_219 = arith.index_cast %scan3A_88 : i32 to index
            %get3A_220 = arith.constant 176 : index
            %get3A_221 = tpu.vector_load %arg6[%get3A_219, %get3A_220] {strides = array<i32>} : memref<40x512xf32, #tpu.memory_space<vmem>>, vector<1x16xf32>,
            %get3A_222 = vector.shape_cast %get3A_221 : vector<1x16xf32> to vector<16xf32>
            %mul3A_223 = arith.constant 22.6274166 : f32
            %mul3A_224 = vector.broadcast %mul3A_223 : f32 to vector<16xf32>
            %mul3A_225 = arith.mulf %get3A_222, %mul3A_224 : vector<16xf32>
            %swap3A_226 = arith.index_cast %scan3A_88 : i32 to index
            %swap3A_227 = arith.constant 176 : index
            %swap3A_228 = tpu.vector_load %arg6[%swap3A_226, %swap3A_227] {strides = array<i32>} : memref<40x512xf32, #tpu.memory_space<vmem>>, vector<1x16xf32>,
            %swap3A_229 = vector.shape_cast %swap3A_228 : vector<1x16xf32> to vector<16xf32>
            %swap3A_230 = vector.shape_cast %mul3A_225 : vector<16xf32> to vector<1x16xf32>
            tpu.vector_store %arg6[%swap3A_226, %swap3A_227], %swap3A_230 {strides = array<i32>} : memref<40x512xf32, #tpu.memory_space<vmem>>, vector<1x16xf32>,
            %get3A_231 = arith.index_cast %scan3A_88 : i32 to index
            %get3A_232 = arith.constant 192 : index
            %get3A_233 = tpu.vector_load %arg6[%get3A_231, %get3A_232] {strides = array<i32>} : memref<40x512xf32, #tpu.memory_space<vmem>>, vector<1x16xf32>,
            %get3A_234 = vector.shape_cast %get3A_233 : vector<1x16xf32> to vector<16xf32>
            %mul3A_235 = arith.constant 22.6274166 : f32
            %mul3A_236 = vector.broadcast %mul3A_235 : f32 to vector<16xf32>
            %mul3A_237 = arith.mulf %get3A_234, %mul3A_236 : vector<16xf32>
            %swap3A_238 = arith.index_cast %scan3A_88 : i32 to index
            %swap3A_239 = arith.constant 192 : index
            %swap3A_240 = tpu.vector_load %arg6[%swap3A_238, %swap3A_239] {strides = array<i32>} : memref<40x512xf32, #tpu.memory_space<vmem>>, vector<1x16xf32>,
            %swap3A_241 = vector.shape_cast %swap3A_240 : vector<1x16xf32> to vector<16xf32>
            %swap3A_242 = vector.shape_cast %mul3A_237 : vector<16xf32> to vector<1x16xf32>
            tpu.vector_store %arg6[%swap3A_238, %swap3A_239], %swap3A_242 {strides = array<i32>} : memref<40x512xf32, #tpu.memory_space<vmem>>, vector<1x16xf32>,
            %get3A_243 = arith.index_cast %scan3A_88 : i32 to index
            %get3A_244 = arith.constant 208 : index
            %get3A_245 = tpu.vector_load %arg6[%get3A_243, %get3A_244] {strides = array<i32>} : memref<40x512xf32, #tpu.memory_space<vmem>>, vector<1x16xf32>,
            %get3A_246 = vector.shape_cast %get3A_245 : vector<1x16xf32> to vector<16xf32>
            %mul3A_247 = arith.constant 22.6274166 : f32
            %mul3A_248 = vector.broadcast %mul3A_247 : f32 to vector<16xf32>
            %mul3A_249 = arith.mulf %get3A_246, %mul3A_248 : vector<16xf32>
            %swap3A_250 = arith.index_cast %scan3A_88 : i32 to index
            %swap3A_251 = arith.constant 208 : index
            %swap3A_252 = tpu.vector_load %arg6[%swap3A_250, %swap3A_251] {strides = array<i32>} : memref<40x512xf32, #tpu.memory_space<vmem>>, vector<1x16xf32>,
            %swap3A_253 = vector.shape_cast %swap3A_252 : vector<1x16xf32> to vector<16xf32>
            %swap3A_254 = vector.shape_cast %mul3A_249 : vector<16xf32> to vector<1x16xf32>
            tpu.vector_store %arg6[%swap3A_250, %swap3A_251], %swap3A_254 {strides = array<i32>} : memref<40x512xf32, #tpu.memory_space<vmem>>, vector<1x16xf32>,
            %get3A_255 = arith.index_cast %scan3A_88 : i32 to index
            %get3A_256 = arith.constant 224 : index
            %get3A_257 = tpu.vector_load %arg6[%get3A_255, %get3A_256] {strides = array<i32>} : memref<40x512xf32, #tpu.memory_space<vmem>>, vector<1x16xf32>,
            %get3A_258 = vector.shape_cast %get3A_257 : vector<1x16xf32> to vector<16xf32>
            %mul3A_259 = arith.constant 22.6274166 : f32
            %mul3A_260 = vector.broadcast %mul3A_259 : f32 to vector<16xf32>
            %mul3A_261 = arith.mulf %get3A_258, %mul3A_260 : vector<16xf32>
            %swap3A_262 = arith.index_cast %scan3A_88 : i32 to index
            %swap3A_263 = arith.constant 224 : index
            %swap3A_264 = tpu.vector_load %arg6[%swap3A_262, %swap3A_263] {strides = array<i32>} : memref<40x512xf32, #tpu.memory_space<vmem>>, vector<1x16xf32>,
            %swap3A_265 = vector.shape_cast %swap3A_264 : vector<1x16xf32> to vector<16xf32>
            %swap3A_266 = vector.shape_cast %mul3A_261 : vector<16xf32> to vector<1x16xf32>
            tpu.vector_store %arg6[%swap3A_262, %swap3A_263], %swap3A_266 {strides = array<i32>} : memref<40x512xf32, #tpu.memory_space<vmem>>, vector<1x16xf32>,
            %get3A_267 = arith.index_cast %scan3A_88 : i32 to index
            %get3A_268 = arith.constant 240 : index
            %get3A_269 = tpu.vector_load %arg6[%get3A_267, %get3A_268] {strides = array<i32>} : memref<40x512xf32, #tpu.memory_space<vmem>>, vector<1x16xf32>,
            %get3A_270 = vector.shape_cast %get3A_269 : vector<1x16xf32> to vector<16xf32>
            %mul3A_271 = arith.constant 22.6274166 : f32
            %mul3A_272 = vector.broadcast %mul3A_271 : f32 to vector<16xf32>
            %mul3A_273 = arith.mulf %get3A_270, %mul3A_272 : vector<16xf32>
            %swap3A_274 = arith.index_cast %scan3A_88 : i32 to index
            %swap3A_275 = arith.constant 240 : index
            %swap3A_276 = tpu.vector_load %arg6[%swap3A_274, %swap3A_275] {strides = array<i32>} : memref<40x512xf32, #tpu.memory_space<vmem>>, vector<1x16xf32>,
            %swap3A_277 = vector.shape_cast %swap3A_276 : vector<1x16xf32> to vector<16xf32>
            %swap3A_278 = vector.shape_cast %mul3A_273 : vector<16xf32> to vector<1x16xf32>
            tpu.vector_store %arg6[%swap3A_274, %swap3A_275], %swap3A_278 {strides = array<i32>} : memref<40x512xf32, #tpu.memory_space<vmem>>, vector<1x16xf32>,
            %get3A_279 = arith.index_cast %scan3A_88 : i32 to index
            %get3A_280 = arith.constant 256 : index
            %get3A_281 = tpu.vector_load %arg6[%get3A_279, %get3A_280] {strides = array<i32>} : memref<40x512xf32, #tpu.memory_space<vmem>>, vector<1x16xf32>,
            %get3A_282 = vector.shape_cast %get3A_281 : vector<1x16xf32> to vector<16xf32>
            %mul3A_283 = arith.constant 22.6274166 : f32
            %mul3A_284 = vector.broadcast %mul3A_283 : f32 to vector<16xf32>
            %mul3A_285 = arith.mulf %get3A_282, %mul3A_284 : vector<16xf32>
            %swap3A_286 = arith.index_cast %scan3A_88 : i32 to index
            %swap3A_287 = arith.constant 256 : index
            %swap3A_288 = tpu.vector_load %arg6[%swap3A_286, %swap3A_287] {strides = array<i32>} : memref<40x512xf32, #tpu.memory_space<vmem>>, vector<1x16xf32>,
            %swap3A_289 = vector.shape_cast %swap3A_288 : vector<1x16xf32> to vector<16xf32>
            %swap3A_290 = vector.shape_cast %mul3A_285 : vector<16xf32> to vector<1x16xf32>
            tpu.vector_store %arg6[%swap3A_286, %swap3A_287], %swap3A_290 {strides = array<i32>} : memref<40x512xf32, #tpu.memory_space<vmem>>, vector<1x16xf32>,
            %get3A_291 = arith.index_cast %scan3A_88 : i32 to index
            %get3A_292 = arith.constant 272 : index
            %get3A_293 = tpu.vector_load %arg6[%get3A_291, %get3A_292] {strides = array<i32>} : memref<40x512xf32, #tpu.memory_space<vmem>>, vector<1x16xf32>,
            %get3A_294 = vector.shape_cast %get3A_293 : vector<1x16xf32> to vector<16xf32>
            %mul3A_295 = arith.constant 22.6274166 : f32
            %mul3A_296 = vector.broadcast %mul3A_295 : f32 to vector<16xf32>
            %mul3A_297 = arith.mulf %get3A_294, %mul3A_296 : vector<16xf32>
            %swap3A_298 = arith.index_cast %scan3A_88 : i32 to index
            %swap3A_299 = arith.constant 272 : index
            %swap3A_300 = tpu.vector_load %arg6[%swap3A_298, %swap3A_299] {strides = array<i32>} : memref<40x512xf32, #tpu.memory_space<vmem>>, vector<1x16xf32>,
            %swap3A_301 = vector.shape_cast %swap3A_300 : vector<1x16xf32> to vector<16xf32>
            %swap3A_302 = vector.shape_cast %mul3A_297 : vector<16xf32> to vector<1x16xf32>
            tpu.vector_store %arg6[%swap3A_298, %swap3A_299], %swap3A_302 {strides = array<i32>} : memref<40x512xf32, #tpu.memory_space<vmem>>, vector<1x16xf32>,
            %get3A_303 = arith.index_cast %scan3A_88 : i32 to index
            %get3A_304 = arith.constant 288 : index
            %get3A_305 = tpu.vector_load %arg6[%get3A_303, %get3A_304] {strides = array<i32>} : memref<40x512xf32, #tpu.memory_space<vmem>>, vector<1x16xf32>,
            %get3A_306 = vector.shape_cast %get3A_305 : vector<1x16xf32> to vector<16xf32>
            %mul3A_307 = arith.constant 22.6274166 : f32
            %mul3A_308 = vector.broadcast %mul3A_307 : f32 to vector<16xf32>
            %mul3A_309 = arith.mulf %get3A_306, %mul3A_308 : vector<16xf32>
            %swap3A_310 = arith.index_cast %scan3A_88 : i32 to index
            %swap3A_311 = arith.constant 288 : index
            %swap3A_312 = tpu.vector_load %arg6[%swap3A_310, %swap3A_311] {strides = array<i32>} : memref<40x512xf32, #tpu.memory_space<vmem>>, vector<1x16xf32>,
            %swap3A_313 = vector.shape_cast %swap3A_312 : vector<1x16xf32> to vector<16xf32>
            %swap3A_314 = vector.shape_cast %mul3A_309 : vector<16xf32> to vector<1x16xf32>
            tpu.vector_store %arg6[%swap3A_310, %swap3A_311], %swap3A_314 {strides = array<i32>} : memref<40x512xf32, #tpu.memory_space<vmem>>, vector<1x16xf32>,
            %get3A_315 = arith.index_cast %scan3A_88 : i32 to index
            %get3A_316 = arith.constant 304 : index
            %get3A_317 = tpu.vector_load %arg6[%get3A_315, %get3A_316] {strides = array<i32>} : memref<40x512xf32, #tpu.memory_space<vmem>>, vector<1x16xf32>,
            %get3A_318 = vector.shape_cast %get3A_317 : vector<1x16xf32> to vector<16xf32>
            %mul3A_319 = arith.constant 22.6274166 : f32
            %mul3A_320 = vector.broadcast %mul3A_319 : f32 to vector<16xf32>
            %mul3A_321 = arith.mulf %get3A_318, %mul3A_320 : vector<16xf32>
            %swap3A_322 = arith.index_cast %scan3A_88 : i32 to index
            %swap3A_323 = arith.constant 304 : index
            %swap3A_324 = tpu.vector_load %arg6[%swap3A_322, %swap3A_323] {strides = array<i32>} : memref<40x512xf32, #tpu.memory_space<vmem>>, vector<1x16xf32>,
            %swap3A_325 = vector.shape_cast %swap3A_324 : vector<1x16xf32> to vector<16xf32>
            %swap3A_326 = vector.shape_cast %mul3A_321 : vector<16xf32> to vector<1x16xf32>
            tpu.vector_store %arg6[%swap3A_322, %swap3A_323], %swap3A_326 {strides = array<i32>} : memref<40x512xf32, #tpu.memory_space<vmem>>, vector<1x16xf32>,
            %get3A_327 = arith.index_cast %scan3A_88 : i32 to index
            %get3A_328 = arith.constant 320 : index
            %get3A_329 = tpu.vector_load %arg6[%get3A_327, %get3A_328] {strides = array<i32>} : memref<40x512xf32, #tpu.memory_space<vmem>>, vector<1x16xf32>,
            %get3A_330 = vector.shape_cast %get3A_329 : vector<1x16xf32> to vector<16xf32>
            %mul3A_331 = arith.constant 22.6274166 : f32
            %mul3A_332 = vector.broadcast %mul3A_331 : f32 to vector<16xf32>
            %mul3A_333 = arith.mulf %get3A_330, %mul3A_332 : vector<16xf32>
            %swap3A_334 = arith.index_cast %scan3A_88 : i32 to index
            %swap3A_335 = arith.constant 320 : index
            %swap3A_336 = tpu.vector_load %arg6[%swap3A_334, %swap3A_335] {strides = array<i32>} : memref<40x512xf32, #tpu.memory_space<vmem>>, vector<1x16xf32>,
            %swap3A_337 = vector.shape_cast %swap3A_336 : vector<1x16xf32> to vector<16xf32>
            %swap3A_338 = vector.shape_cast %mul3A_333 : vector<16xf32> to vector<1x16xf32>
            tpu.vector_store %arg6[%swap3A_334, %swap3A_335], %swap3A_338 {strides = array<i32>} : memref<40x512xf32, #tpu.memory_space<vmem>>, vector<1x16xf32>,
            %get3A_339 = arith.index_cast %scan3A_88 : i32 to index
            %get3A_340 = arith.constant 336 : index
            %get3A_341 = tpu.vector_load %arg6[%get3A_339, %get3A_340] {strides = array<i32>} : memref<40x512xf32, #tpu.memory_space<vmem>>, vector<1x16xf32>,
            %get3A_342 = vector.shape_cast %get3A_341 : vector<1x16xf32> to vector<16xf32>
            %mul3A_343 = arith.constant 22.6274166 : f32
            %mul3A_344 = vector.broadcast %mul3A_343 : f32 to vector<16xf32>
            %mul3A_345 = arith.mulf %get3A_342, %mul3A_344 : vector<16xf32>
            %swap3A_346 = arith.index_cast %scan3A_88 : i32 to index
            %swap3A_347 = arith.constant 336 : index
            %swap3A_348 = tpu.vector_load %arg6[%swap3A_346, %swap3A_347] {strides = array<i32>} : memref<40x512xf32, #tpu.memory_space<vmem>>, vector<1x16xf32>,
            %swap3A_349 = vector.shape_cast %swap3A_348 : vector<1x16xf32> to vector<16xf32>
            %swap3A_350 = vector.shape_cast %mul3A_345 : vector<16xf32> to vector<1x16xf32>
            tpu.vector_store %arg6[%swap3A_346, %swap3A_347], %swap3A_350 {strides = array<i32>} : memref<40x512xf32, #tpu.memory_space<vmem>>, vector<1x16xf32>,
            %get3A_351 = arith.index_cast %scan3A_88 : i32 to index
            %get3A_352 = arith.constant 352 : index
            %get3A_353 = tpu.vector_load %arg6[%get3A_351, %get3A_352] {strides = array<i32>} : memref<40x512xf32, #tpu.memory_space<vmem>>, vector<1x16xf32>,
            %get3A_354 = vector.shape_cast %get3A_353 : vector<1x16xf32> to vector<16xf32>
            %mul3A_355 = arith.constant 22.6274166 : f32
            %mul3A_356 = vector.broadcast %mul3A_355 : f32 to vector<16xf32>
            %mul3A_357 = arith.mulf %get3A_354, %mul3A_356 : vector<16xf32>
            %swap3A_358 = arith.index_cast %scan3A_88 : i32 to index
            %swap3A_359 = arith.constant 352 : index
            %swap3A_360 = tpu.vector_load %arg6[%swap3A_358, %swap3A_359] {strides = array<i32>} : memref<40x512xf32, #tpu.memory_space<vmem>>, vector<1x16xf32>,
            %swap3A_361 = vector.shape_cast %swap3A_360 : vector<1x16xf32> to vector<16xf32>
            %swap3A_362 = vector.shape_cast %mul3A_357 : vector<16xf32> to vector<1x16xf32>
            tpu.vector_store %arg6[%swap3A_358, %swap3A_359], %swap3A_362 {strides = array<i32>} : memref<40x512xf32, #tpu.memory_space<vmem>>, vector<1x16xf32>,
            %get3A_363 = arith.index_cast %scan3A_88 : i32 to index
            %get3A_364 = arith.constant 368 : index
            %get3A_365 = tpu.vector_load %arg6[%get3A_363, %get3A_364] {strides = array<i32>} : memref<40x512xf32, #tpu.memory_space<vmem>>, vector<1x16xf32>,
            %get3A_366 = vector.shape_cast %get3A_365 : vector<1x16xf32> to vector<16xf32>
            %mul3A_367 = arith.constant 22.6274166 : f32
            %mul3A_368 = vector.broadcast %mul3A_367 : f32 to vector<16xf32>
            %mul3A_369 = arith.mulf %get3A_366, %mul3A_368 : vector<16xf32>
            %swap3A_370 = arith.index_cast %scan3A_88 : i32 to index
            %swap3A_371 = arith.constant 368 : index
            %swap3A_372 = tpu.vector_load %arg6[%swap3A_370, %swap3A_371] {strides = array<i32>} : memref<40x512xf32, #tpu.memory_space<vmem>>, vector<1x16xf32>,
            %swap3A_373 = vector.shape_cast %swap3A_372 : vector<1x16xf32> to vector<16xf32>
            %swap3A_374 = vector.shape_cast %mul3A_369 : vector<16xf32> to vector<1x16xf32>
            tpu.vector_store %arg6[%swap3A_370, %swap3A_371], %swap3A_374 {strides = array<i32>} : memref<40x512xf32, #tpu.memory_space<vmem>>, vector<1x16xf32>,
            %get3A_375 = arith.index_cast %scan3A_88 : i32 to index
            %get3A_376 = arith.constant 384 : index
            %get3A_377 = tpu.vector_load %arg6[%get3A_375, %get3A_376] {strides = array<i32>} : memref<40x512xf32, #tpu.memory_space<vmem>>, vector<1x16xf32>,
            %get3A_378 = vector.shape_cast %get3A_377 : vector<1x16xf32> to vector<16xf32>
            %mul3A_379 = arith.constant 22.6274166 : f32
            %mul3A_380 = vector.broadcast %mul3A_379 : f32 to vector<16xf32>
            %mul3A_381 = arith.mulf %get3A_378, %mul3A_380 : vector<16xf32>
            %swap3A_382 = arith.index_cast %scan3A_88 : i32 to index
            %swap3A_383 = arith.constant 384 : index
            %swap3A_384 = tpu.vector_load %arg6[%swap3A_382, %swap3A_383] {strides = array<i32>} : memref<40x512xf32, #tpu.memory_space<vmem>>, vector<1x16xf32>,
            %swap3A_385 = vector.shape_cast %swap3A_384 : vector<1x16xf32> to vector<16xf32>
            %swap3A_386 = vector.shape_cast %mul3A_381 : vector<16xf32> to vector<1x16xf32>
            tpu.vector_store %arg6[%swap3A_382, %swap3A_383], %swap3A_386 {strides = array<i32>} : memref<40x512xf32, #tpu.memory_space<vmem>>, vector<1x16xf32>,
            %get3A_387 = arith.index_cast %scan3A_88 : i32 to index
            %get3A_388 = arith.constant 400 : index
            %get3A_389 = tpu.vector_load %arg6[%get3A_387, %get3A_388] {strides = array<i32>} : memref<40x512xf32, #tpu.memory_space<vmem>>, vector<1x16xf32>,
            %get3A_390 = vector.shape_cast %get3A_389 : vector<1x16xf32> to vector<16xf32>
            %mul3A_391 = arith.constant 22.6274166 : f32
            %mul3A_392 = vector.broadcast %mul3A_391 : f32 to vector<16xf32>
            %mul3A_393 = arith.mulf %get3A_390, %mul3A_392 : vector<16xf32>
            %swap3A_394 = arith.index_cast %scan3A_88 : i32 to index
            %swap3A_395 = arith.constant 400 : index
            %swap3A_396 = tpu.vector_load %arg6[%swap3A_394, %swap3A_395] {strides = array<i32>} : memref<40x512xf32, #tpu.memory_space<vmem>>, vector<1x16xf32>,
            %swap3A_397 = vector.shape_cast %swap3A_396 : vector<1x16xf32> to vector<16xf32>
            %swap3A_398 = vector.shape_cast %mul3A_393 : vector<16xf32> to vector<1x16xf32>
            tpu.vector_store %arg6[%swap3A_394, %swap3A_395], %swap3A_398 {strides = array<i32>} : memref<40x512xf32, #tpu.memory_space<vmem>>, vector<1x16xf32>,
            %get3A_399 = arith.index_cast %scan3A_88 : i32 to index
            %get3A_400 = arith.constant 416 : index
            %get3A_401 = tpu.vector_load %arg6[%get3A_399, %get3A_400] {strides = array<i32>} : memref<40x512xf32, #tpu.memory_space<vmem>>, vector<1x16xf32>,
            %get3A_402 = vector.shape_cast %get3A_401 : vector<1x16xf32> to vector<16xf32>
            %mul3A_403 = arith.constant 22.6274166 : f32
            %mul3A_404 = vector.broadcast %mul3A_403 : f32 to vector<16xf32>
            %mul3A_405 = arith.mulf %get3A_402, %mul3A_404 : vector<16xf32>
            %swap3A_406 = arith.index_cast %scan3A_88 : i32 to index
            %swap3A_407 = arith.constant 416 : index
            %swap3A_408 = tpu.vector_load %arg6[%swap3A_406, %swap3A_407] {strides = array<i32>} : memref<40x512xf32, #tpu.memory_space<vmem>>, vector<1x16xf32>,
            %swap3A_409 = vector.shape_cast %swap3A_408 : vector<1x16xf32> to vector<16xf32>
            %swap3A_410 = vector.shape_cast %mul3A_405 : vector<16xf32> to vector<1x16xf32>
            tpu.vector_store %arg6[%swap3A_406, %swap3A_407], %swap3A_410 {strides = array<i32>} : memref<40x512xf32, #tpu.memory_space<vmem>>, vector<1x16xf32>,
            %get3A_411 = arith.index_cast %scan3A_88 : i32 to index
            %get3A_412 = arith.constant 432 : index
            %get3A_413 = tpu.vector_load %arg6[%get3A_411, %get3A_412] {strides = array<i32>} : memref<40x512xf32, #tpu.memory_space<vmem>>, vector<1x16xf32>,
            %get3A_414 = vector.shape_cast %get3A_413 : vector<1x16xf32> to vector<16xf32>
            %mul3A_415 = arith.constant 22.6274166 : f32
            %mul3A_416 = vector.broadcast %mul3A_415 : f32 to vector<16xf32>
            %mul3A_417 = arith.mulf %get3A_414, %mul3A_416 : vector<16xf32>
            %swap3A_418 = arith.index_cast %scan3A_88 : i32 to index
            %swap3A_419 = arith.constant 432 : index
            %swap3A_420 = tpu.vector_load %arg6[%swap3A_418, %swap3A_419] {strides = array<i32>} : memref<40x512xf32, #tpu.memory_space<vmem>>, vector<1x16xf32>,
            %swap3A_421 = vector.shape_cast %swap3A_420 : vector<1x16xf32> to vector<16xf32>
            %swap3A_422 = vector.shape_cast %mul3A_417 : vector<16xf32> to vector<1x16xf32>
            tpu.vector_store %arg6[%swap3A_418, %swap3A_419], %swap3A_422 {strides = array<i32>} : memref<40x512xf32, #tpu.memory_space<vmem>>, vector<1x16xf32>,
            %get3A_423 = arith.index_cast %scan3A_88 : i32 to index
            %get3A_424 = arith.constant 448 : index
            %get3A_425 = tpu.vector_load %arg6[%get3A_423, %get3A_424] {strides = array<i32>} : memref<40x512xf32, #tpu.memory_space<vmem>>, vector<1x16xf32>,
            %get3A_426 = vector.shape_cast %get3A_425 : vector<1x16xf32> to vector<16xf32>
            %mul3A_427 = arith.constant 22.6274166 : f32
            %mul3A_428 = vector.broadcast %mul3A_427 : f32 to vector<16xf32>
            %mul3A_429 = arith.mulf %get3A_426, %mul3A_428 : vector<16xf32>
            %swap3A_430 = arith.index_cast %scan3A_88 : i32 to index
            %swap3A_431 = arith.constant 448 : index
            %swap3A_432 = tpu.vector_load %arg6[%swap3A_430, %swap3A_431] {strides = array<i32>} : memref<40x512xf32, #tpu.memory_space<vmem>>, vector<1x16xf32>,
            %swap3A_433 = vector.shape_cast %swap3A_432 : vector<1x16xf32> to vector<16xf32>
            %swap3A_434 = vector.shape_cast %mul3A_429 : vector<16xf32> to vector<1x16xf32>
            tpu.vector_store %arg6[%swap3A_430, %swap3A_431], %swap3A_434 {strides = array<i32>} : memref<40x512xf32, #tpu.memory_space<vmem>>, vector<1x16xf32>,
            %get3A_435 = arith.index_cast %scan3A_88 : i32 to index
            %get3A_436 = arith.constant 464 : index
            %get3A_437 = tpu.vector_load %arg6[%get3A_435, %get3A_436] {strides = array<i32>} : memref<40x512xf32, #tpu.memory_space<vmem>>, vector<1x16xf32>,
            %get3A_438 = vector.shape_cast %get3A_437 : vector<1x16xf32> to vector<16xf32>
            %mul3A_439 = arith.constant 22.6274166 : f32
            %mul3A_440 = vector.broadcast %mul3A_439 : f32 to vector<16xf32>
            %mul3A_441 = arith.mulf %get3A_438, %mul3A_440 : vector<16xf32>
            %swap3A_442 = arith.index_cast %scan3A_88 : i32 to index
            %swap3A_443 = arith.constant 464 : index
            %swap3A_444 = tpu.vector_load %arg6[%swap3A_442, %swap3A_443] {strides = array<i32>} : memref<40x512xf32, #tpu.memory_space<vmem>>, vector<1x16xf32>,
            %swap3A_445 = vector.shape_cast %swap3A_444 : vector<1x16xf32> to vector<16xf32>
            %swap3A_446 = vector.shape_cast %mul3A_441 : vector<16xf32> to vector<1x16xf32>
            tpu.vector_store %arg6[%swap3A_442, %swap3A_443], %swap3A_446 {strides = array<i32>} : memref<40x512xf32, #tpu.memory_space<vmem>>, vector<1x16xf32>,
            %get3A_447 = arith.index_cast %scan3A_88 : i32 to index
            %get3A_448 = arith.constant 480 : index
            %get3A_449 = tpu.vector_load %arg6[%get3A_447, %get3A_448] {strides = array<i32>} : memref<40x512xf32, #tpu.memory_space<vmem>>, vector<1x16xf32>,
            %get3A_450 = vector.shape_cast %get3A_449 : vector<1x16xf32> to vector<16xf32>
            %mul3A_451 = arith.constant 22.6274166 : f32
            %mul3A_452 = vector.broadcast %mul3A_451 : f32 to vector<16xf32>
            %mul3A_453 = arith.mulf %get3A_450, %mul3A_452 : vector<16xf32>
            %swap3A_454 = arith.index_cast %scan3A_88 : i32 to index
            %swap3A_455 = arith.constant 480 : index
            %swap3A_456 = tpu.vector_load %arg6[%swap3A_454, %swap3A_455] {strides = array<i32>} : memref<40x512xf32, #tpu.memory_space<vmem>>, vector<1x16xf32>,
            %swap3A_457 = vector.shape_cast %swap3A_456 : vector<1x16xf32> to vector<16xf32>
            %swap3A_458 = vector.shape_cast %mul3A_453 : vector<16xf32> to vector<1x16xf32>
            tpu.vector_store %arg6[%swap3A_454, %swap3A_455], %swap3A_458 {strides = array<i32>} : memref<40x512xf32, #tpu.memory_space<vmem>>, vector<1x16xf32>,
            %get3A_459 = arith.index_cast %scan3A_88 : i32 to index
            %get3A_460 = arith.constant 496 : index
            %get3A_461 = tpu.vector_load %arg6[%get3A_459, %get3A_460] {strides = array<i32>} : memref<40x512xf32, #tpu.memory_space<vmem>>, vector<1x16xf32>,
            %get3A_462 = vector.shape_cast %get3A_461 : vector<1x16xf32> to vector<16xf32>
            %mul3A_463 = arith.constant 22.6274166 : f32
            %mul3A_464 = vector.broadcast %mul3A_463 : f32 to vector<16xf32>
            %mul3A_465 = arith.mulf %get3A_462, %mul3A_464 : vector<16xf32>
            %swap3A_466 = arith.index_cast %scan3A_88 : i32 to index
            %swap3A_467 = arith.constant 496 : index
            %swap3A_468 = tpu.vector_load %arg6[%swap3A_466, %swap3A_467] {strides = array<i32>} : memref<40x512xf32, #tpu.memory_space<vmem>>, vector<1x16xf32>,
            %swap3A_469 = vector.shape_cast %swap3A_468 : vector<1x16xf32> to vector<16xf32>
            %swap3A_470 = vector.shape_cast %mul3A_465 : vector<16xf32> to vector<1x16xf32>
            tpu.vector_store %arg6[%swap3A_466, %swap3A_467], %swap3A_470 {strides = array<i32>} : memref<40x512xf32, #tpu.memory_space<vmem>>, vector<1x16xf32>,
          }
          %scan3A_81 = arith.constant 40 : i32
          %mul3A_82 = arith.constant 40 : i32
          %mul3A_83 = arith.muli %sub3A_44, %mul3A_82 : i32
          %add3A_84 = arith.addi %mul3A_2, %mul3A_83 : i32
          %dma_start3A = arith.constant 0 : i32
          %dma_start3A_85 = tpu.memref_slice %arg4[%add3A_84, %dma_start3A] : memref<819200x512xf32, #tpu.memory_space<hbm>> -> memref<40x512xf32, #tpu.memory_space<hbm>>
          %dma_start3A_86 = arith.constant 0 : i32
          %dma_start3A_87 = tpu.memref_slice %arg4[%add3A_84, %dma_start3A_86] : memref<819200x512xf32, #tpu.memory_space<hbm>> -> memref<40x512xf32, #tpu.memory_space<hbm>>
          tpu.enqueue_dma source(%arg6 : memref<40x512xf32, #tpu.memory_space<vmem>>) target(%dma_start3A_87 : memref<40x512xf32, #tpu.memory_space<hbm>>) target_semaphore(%arg16 : memref<!tpu.dma_semaphore, #tpu.memory_space<semaphore_mem>>)
        } else {
        }
        %eq3A_50 = arith.constant 1 : i32
        %eq3A_51 = arith.cmpi eq, %rem3A_45, %eq3A_50 : i32
        %convert_element_type3A_52 = arith.extui %eq3A_51 : i1 to i32
        %cond3A_53 = arith.constant 0 : i32
        %cond3A_54 = arith.cmpi ne, %convert_element_type3A_52, %cond3A_53 : i32
        scf.if %cond3A_54 {
          %mul3A_70 = arith.constant 40 : i32
          %mul3A_71 = arith.muli %sub3A_44, %mul3A_70 : i32
          %dma_wait3A_72 = tpu.memref_slice %arg5[%mul3A_71] : memref<25600xi32, #tpu.memory_space<vmem>> -> memref<40xi32, #tpu.memory_space<vmem>>
          %dma_wait3A_73 = arith.constant 0 : i32
          %dma_wait3A_74 = arith.constant 0 : i32
          %dma_wait3A_75 = tpu.memref_slice %arg2[%dma_wait3A_73, %dma_wait3A_74] : memref<100000x512xf32, #tpu.memory_space<hbm>> -> memref<100000x512xf32, #tpu.memory_space<hbm>>
          tpu.wait_indirect_dma semaphore(%arg12 : memref<!tpu.dma_semaphore, #tpu.memory_space<semaphore_mem>>) src(%dma_wait3A_75 : memref<100000x512xf32, #tpu.memory_space<hbm>>) dst(%arg7 : memref<40x512xf32, #tpu.memory_space<vmem>>)
          %scan3A_76 = arith.constant 0 : i32
          %scan3A_77 = arith.constant 0 : i32
          %scan3A_78 = arith.constant 40 : i32
          %scan3A_79 = arith.addi %scan3A_77, %scan3A_78 : i32
          %scan3A_80 = arith.constant 1 : i32
          scf.for %scan3A_88 = %scan3A_77 to %scan3A_79 step %scan3A_80  : i32 {
            %get3A = arith.index_cast %scan3A_88 : i32 to index
            %get3A_89 = arith.constant 0 : index
            %get3A_90 = tpu.vector_load %arg7[%get3A, %get3A_89] {strides = array<i32>} : memref<40x512xf32, #tpu.memory_space<vmem>>, vector<1x16xf32>,
            %get3A_91 = vector.shape_cast %get3A_90 : vector<1x16xf32> to vector<16xf32>
            %mul3A_92 = arith.constant 22.6274166 : f32
            %mul3A_93 = vector.broadcast %mul3A_92 : f32 to vector<16xf32>
            %mul3A_94 = arith.mulf %get3A_91, %mul3A_93 : vector<16xf32>
            %swap3A = arith.index_cast %scan3A_88 : i32 to index
            %swap3A_95 = arith.constant 0 : index
            %swap3A_96 = tpu.vector_load %arg7[%swap3A, %swap3A_95] {strides = array<i32>} : memref<40x512xf32, #tpu.memory_space<vmem>>, vector<1x16xf32>,
            %swap3A_97 = vector.shape_cast %swap3A_96 : vector<1x16xf32> to vector<16xf32>
            %swap3A_98 = vector.shape_cast %mul3A_94 : vector<16xf32> to vector<1x16xf32>
            tpu.vector_store %arg7[%swap3A, %swap3A_95], %swap3A_98 {strides = array<i32>} : memref<40x512xf32, #tpu.memory_space<vmem>>, vector<1x16xf32>,
            %get3A_99 = arith.index_cast %scan3A_88 : i32 to index
            %get3A_100 = arith.constant 16 : index
            %get3A_101 = tpu.vector_load %arg7[%get3A_99, %get3A_100] {strides = array<i32>} : memref<40x512xf32, #tpu.memory_space<vmem>>, vector<1x16xf32>,
            %get3A_102 = vector.shape_cast %get3A_101 : vector<1x16xf32> to vector<16xf32>
            %mul3A_103 = arith.constant 22.6274166 : f32
            %mul3A_104 = vector.broadcast %mul3A_103 : f32 to vector<16xf32>
            %mul3A_105 = arith.mulf %get3A_102, %mul3A_104 : vector<16xf32>
            %swap3A_106 = arith.index_cast %scan3A_88 : i32 to index
            %swap3A_107 = arith.constant 16 : index
            %swap3A_108 = tpu.vector_load %arg7[%swap3A_106, %swap3A_107] {strides = array<i32>} : memref<40x512xf32, #tpu.memory_space<vmem>>, vector<1x16xf32>,
            %swap3A_109 = vector.shape_cast %swap3A_108 : vector<1x16xf32> to vector<16xf32>
            %swap3A_110 = vector.shape_cast %mul3A_105 : vector<16xf32> to vector<1x16xf32>
            tpu.vector_store %arg7[%swap3A_106, %swap3A_107], %swap3A_110 {strides = array<i32>} : memref<40x512xf32, #tpu.memory_space<vmem>>, vector<1x16xf32>,
            %get3A_111 = arith.index_cast %scan3A_88 : i32 to index
            %get3A_112 = arith.constant 32 : index
            %get3A_113 = tpu.vector_load %arg7[%get3A_111, %get3A_112] {strides = array<i32>} : memref<40x512xf32, #tpu.memory_space<vmem>>, vector<1x16xf32>,
            %get3A_114 = vector.shape_cast %get3A_113 : vector<1x16xf32> to vector<16xf32>
            %mul3A_115 = arith.constant 22.6274166 : f32
            %mul3A_116 = vector.broadcast %mul3A_115 : f32 to vector<16xf32>
            %mul3A_117 = arith.mulf %get3A_114, %mul3A_116 : vector<16xf32>
            %swap3A_118 = arith.index_cast %scan3A_88 : i32 to index
            %swap3A_119 = arith.constant 32 : index
            %swap3A_120 = tpu.vector_load %arg7[%swap3A_118, %swap3A_119] {strides = array<i32>} : memref<40x512xf32, #tpu.memory_space<vmem>>, vector<1x16xf32>,
            %swap3A_121 = vector.shape_cast %swap3A_120 : vector<1x16xf32> to vector<16xf32>
            %swap3A_122 = vector.shape_cast %mul3A_117 : vector<16xf32> to vector<1x16xf32>
            tpu.vector_store %arg7[%swap3A_118, %swap3A_119], %swap3A_122 {strides = array<i32>} : memref<40x512xf32, #tpu.memory_space<vmem>>, vector<1x16xf32>,
            %get3A_123 = arith.index_cast %scan3A_88 : i32 to index
            %get3A_124 = arith.constant 48 : index
            %get3A_125 = tpu.vector_load %arg7[%get3A_123, %get3A_124] {strides = array<i32>} : memref<40x512xf32, #tpu.memory_space<vmem>>, vector<1x16xf32>,
            %get3A_126 = vector.shape_cast %get3A_125 : vector<1x16xf32> to vector<16xf32>
            %mul3A_127 = arith.constant 22.6274166 : f32
            %mul3A_128 = vector.broadcast %mul3A_127 : f32 to vector<16xf32>
            %mul3A_129 = arith.mulf %get3A_126, %mul3A_128 : vector<16xf32>
            %swap3A_130 = arith.index_cast %scan3A_88 : i32 to index
            %swap3A_131 = arith.constant 48 : index
            %swap3A_132 = tpu.vector_load %arg7[%swap3A_130, %swap3A_131] {strides = array<i32>} : memref<40x512xf32, #tpu.memory_space<vmem>>, vector<1x16xf32>,
            %swap3A_133 = vector.shape_cast %swap3A_132 : vector<1x16xf32> to vector<16xf32>
            %swap3A_134 = vector.shape_cast %mul3A_129 : vector<16xf32> to vector<1x16xf32>
            tpu.vector_store %arg7[%swap3A_130, %swap3A_131], %swap3A_134 {strides = array<i32>} : memref<40x512xf32, #tpu.memory_space<vmem>>, vector<1x16xf32>,
            %get3A_135 = arith.index_cast %scan3A_88 : i32 to index
            %get3A_136 = arith.constant 64 : index
            %get3A_137 = tpu.vector_load %arg7[%get3A_135, %get3A_136] {strides = array<i32>} : memref<40x512xf32, #tpu.memory_space<vmem>>, vector<1x16xf32>,
            %get3A_138 = vector.shape_cast %get3A_137 : vector<1x16xf32> to vector<16xf32>
            %mul3A_139 = arith.constant 22.6274166 : f32
            %mul3A_140 = vector.broadcast %mul3A_139 : f32 to vector<16xf32>
            %mul3A_141 = arith.mulf %get3A_138, %mul3A_140 : vector<16xf32>
            %swap3A_142 = arith.index_cast %scan3A_88 : i32 to index
            %swap3A_143 = arith.constant 64 : index
            %swap3A_144 = tpu.vector_load %arg7[%swap3A_142, %swap3A_143] {strides = array<i32>} : memref<40x512xf32, #tpu.memory_space<vmem>>, vector<1x16xf32>,
            %swap3A_145 = vector.shape_cast %swap3A_144 : vector<1x16xf32> to vector<16xf32>
            %swap3A_146 = vector.shape_cast %mul3A_141 : vector<16xf32> to vector<1x16xf32>
            tpu.vector_store %arg7[%swap3A_142, %swap3A_143], %swap3A_146 {strides = array<i32>} : memref<40x512xf32, #tpu.memory_space<vmem>>, vector<1x16xf32>,
            %get3A_147 = arith.index_cast %scan3A_88 : i32 to index
            %get3A_148 = arith.constant 80 : index
            %get3A_149 = tpu.vector_load %arg7[%get3A_147, %get3A_148] {strides = array<i32>} : memref<40x512xf32, #tpu.memory_space<vmem>>, vector<1x16xf32>,
            %get3A_150 = vector.shape_cast %get3A_149 : vector<1x16xf32> to vector<16xf32>
            %mul3A_151 = arith.constant 22.6274166 : f32
            %mul3A_152 = vector.broadcast %mul3A_151 : f32 to vector<16xf32>
            %mul3A_153 = arith.mulf %get3A_150, %mul3A_152 : vector<16xf32>
            %swap3A_154 = arith.index_cast %scan3A_88 : i32 to index
            %swap3A_155 = arith.constant 80 : index
            %swap3A_156 = tpu.vector_load %arg7[%swap3A_154, %swap3A_155] {strides = array<i32>} : memref<40x512xf32, #tpu.memory_space<vmem>>, vector<1x16xf32>,
            %swap3A_157 = vector.shape_cast %swap3A_156 : vector<1x16xf32> to vector<16xf32>
            %swap3A_158 = vector.shape_cast %mul3A_153 : vector<16xf32> to vector<1x16xf32>
            tpu.vector_store %arg7[%swap3A_154, %swap3A_155], %swap3A_158 {strides = array<i32>} : memref<40x512xf32, #tpu.memory_space<vmem>>, vector<1x16xf32>,
            %get3A_159 = arith.index_cast %scan3A_88 : i32 to index
            %get3A_160 = arith.constant 96 : index
            %get3A_161 = tpu.vector_load %arg7[%get3A_159, %get3A_160] {strides = array<i32>} : memref<40x512xf32, #tpu.memory_space<vmem>>, vector<1x16xf32>,
            %get3A_162 = vector.shape_cast %get3A_161 : vector<1x16xf32> to vector<16xf32>
            %mul3A_163 = arith.constant 22.6274166 : f32
            %mul3A_164 = vector.broadcast %mul3A_163 : f32 to vector<16xf32>
            %mul3A_165 = arith.mulf %get3A_162, %mul3A_164 : vector<16xf32>
            %swap3A_166 = arith.index_cast %scan3A_88 : i32 to index
            %swap3A_167 = arith.constant 96 : index
            %swap3A_168 = tpu.vector_load %arg7[%swap3A_166, %swap3A_167] {strides = array<i32>} : memref<40x512xf32, #tpu.memory_space<vmem>>, vector<1x16xf32>,
            %swap3A_169 = vector.shape_cast %swap3A_168 : vector<1x16xf32> to vector<16xf32>
            %swap3A_170 = vector.shape_cast %mul3A_165 : vector<16xf32> to vector<1x16xf32>
            tpu.vector_store %arg7[%swap3A_166, %swap3A_167], %swap3A_170 {strides = array<i32>} : memref<40x512xf32, #tpu.memory_space<vmem>>, vector<1x16xf32>,
            %get3A_171 = arith.index_cast %scan3A_88 : i32 to index
            %get3A_172 = arith.constant 112 : index
            %get3A_173 = tpu.vector_load %arg7[%get3A_171, %get3A_172] {strides = array<i32>} : memref<40x512xf32, #tpu.memory_space<vmem>>, vector<1x16xf32>,
            %get3A_174 = vector.shape_cast %get3A_173 : vector<1x16xf32> to vector<16xf32>
            %mul3A_175 = arith.constant 22.6274166 : f32
            %mul3A_176 = vector.broadcast %mul3A_175 : f32 to vector<16xf32>
            %mul3A_177 = arith.mulf %get3A_174, %mul3A_176 : vector<16xf32>
            %swap3A_178 = arith.index_cast %scan3A_88 : i32 to index
            %swap3A_179 = arith.constant 112 : index
            %swap3A_180 = tpu.vector_load %arg7[%swap3A_178, %swap3A_179] {strides = array<i32>} : memref<40x512xf32, #tpu.memory_space<vmem>>, vector<1x16xf32>,
            %swap3A_181 = vector.shape_cast %swap3A_180 : vector<1x16xf32> to vector<16xf32>
            %swap3A_182 = vector.shape_cast %mul3A_177 : vector<16xf32> to vector<1x16xf32>
            tpu.vector_store %arg7[%swap3A_178, %swap3A_179], %swap3A_182 {strides = array<i32>} : memref<40x512xf32, #tpu.memory_space<vmem>>, vector<1x16xf32>,
            %get3A_183 = arith.index_cast %scan3A_88 : i32 to index
            %get3A_184 = arith.constant 128 : index
            %get3A_185 = tpu.vector_load %arg7[%get3A_183, %get3A_184] {strides = array<i32>} : memref<40x512xf32, #tpu.memory_space<vmem>>, vector<1x16xf32>,
            %get3A_186 = vector.shape_cast %get3A_185 : vector<1x16xf32> to vector<16xf32>
            %mul3A_187 = arith.constant 22.6274166 : f32
            %mul3A_188 = vector.broadcast %mul3A_187 : f32 to vector<16xf32>
            %mul3A_189 = arith.mulf %get3A_186, %mul3A_188 : vector<16xf32>
            %swap3A_190 = arith.index_cast %scan3A_88 : i32 to index
            %swap3A_191 = arith.constant 128 : index
            %swap3A_192 = tpu.vector_load %arg7[%swap3A_190, %swap3A_191] {strides = array<i32>} : memref<40x512xf32, #tpu.memory_space<vmem>>, vector<1x16xf32>,
            %swap3A_193 = vector.shape_cast %swap3A_192 : vector<1x16xf32> to vector<16xf32>
            %swap3A_194 = vector.shape_cast %mul3A_189 : vector<16xf32> to vector<1x16xf32>
            tpu.vector_store %arg7[%swap3A_190, %swap3A_191], %swap3A_194 {strides = array<i32>} : memref<40x512xf32, #tpu.memory_space<vmem>>, vector<1x16xf32>,
            %get3A_195 = arith.index_cast %scan3A_88 : i32 to index
            %get3A_196 = arith.constant 144 : index
            %get3A_197 = tpu.vector_load %arg7[%get3A_195, %get3A_196] {strides = array<i32>} : memref<40x512xf32, #tpu.memory_space<vmem>>, vector<1x16xf32>,
            %get3A_198 = vector.shape_cast %get3A_197 : vector<1x16xf32> to vector<16xf32>
            %mul3A_199 = arith.constant 22.6274166 : f32
            %mul3A_200 = vector.broadcast %mul3A_199 : f32 to vector<16xf32>
            %mul3A_201 = arith.mulf %get3A_198, %mul3A_200 : vector<16xf32>
            %swap3A_202 = arith.index_cast %scan3A_88 : i32 to index
            %swap3A_203 = arith.constant 144 : index
            %swap3A_204 = tpu.vector_load %arg7[%swap3A_202, %swap3A_203] {strides = array<i32>} : memref<40x512xf32, #tpu.memory_space<vmem>>, vector<1x16xf32>,
            %swap3A_205 = vector.shape_cast %swap3A_204 : vector<1x16xf32> to vector<16xf32>
            %swap3A_206 = vector.shape_cast %mul3A_201 : vector<16xf32> to vector<1x16xf32>
            tpu.vector_store %arg7[%swap3A_202, %swap3A_203], %swap3A_206 {strides = array<i32>} : memref<40x512xf32, #tpu.memory_space<vmem>>, vector<1x16xf32>,
            %get3A_207 = arith.index_cast %scan3A_88 : i32 to index
            %get3A_208 = arith.constant 160 : index
            %get3A_209 = tpu.vector_load %arg7[%get3A_207, %get3A_208] {strides = array<i32>} : memref<40x512xf32, #tpu.memory_space<vmem>>, vector<1x16xf32>,
            %get3A_210 = vector.shape_cast %get3A_209 : vector<1x16xf32> to vector<16xf32>
            %mul3A_211 = arith.constant 22.6274166 : f32
            %mul3A_212 = vector.broadcast %mul3A_211 : f32 to vector<16xf32>
            %mul3A_213 = arith.mulf %get3A_210, %mul3A_212 : vector<16xf32>
            %swap3A_214 = arith.index_cast %scan3A_88 : i32 to index
            %swap3A_215 = arith.constant 160 : index
            %swap3A_216 = tpu.vector_load %arg7[%swap3A_214, %swap3A_215] {strides = array<i32>} : memref<40x512xf32, #tpu.memory_space<vmem>>, vector<1x16xf32>,
            %swap3A_217 = vector.shape_cast %swap3A_216 : vector<1x16xf32> to vector<16xf32>
            %swap3A_218 = vector.shape_cast %mul3A_213 : vector<16xf32> to vector<1x16xf32>
            tpu.vector_store %arg7[%swap3A_214, %swap3A_215], %swap3A_218 {strides = array<i32>} : memref<40x512xf32, #tpu.memory_space<vmem>>, vector<1x16xf32>,
            %get3A_219 = arith.index_cast %scan3A_88 : i32 to index
            %get3A_220 = arith.constant 176 : index
            %get3A_221 = tpu.vector_load %arg7[%get3A_219, %get3A_220] {strides = array<i32>} : memref<40x512xf32, #tpu.memory_space<vmem>>, vector<1x16xf32>,
            %get3A_222 = vector.shape_cast %get3A_221 : vector<1x16xf32> to vector<16xf32>
            %mul3A_223 = arith.constant 22.6274166 : f32
            %mul3A_224 = vector.broadcast %mul3A_223 : f32 to vector<16xf32>
            %mul3A_225 = arith.mulf %get3A_222, %mul3A_224 : vector<16xf32>
            %swap3A_226 = arith.index_cast %scan3A_88 : i32 to index
            %swap3A_227 = arith.constant 176 : index
            %swap3A_228 = tpu.vector_load %arg7[%swap3A_226, %swap3A_227] {strides = array<i32>} : memref<40x512xf32, #tpu.memory_space<vmem>>, vector<1x16xf32>,
            %swap3A_229 = vector.shape_cast %swap3A_228 : vector<1x16xf32> to vector<16xf32>
            %swap3A_230 = vector.shape_cast %mul3A_225 : vector<16xf32> to vector<1x16xf32>
            tpu.vector_store %arg7[%swap3A_226, %swap3A_227], %swap3A_230 {strides = array<i32>} : memref<40x512xf32, #tpu.memory_space<vmem>>, vector<1x16xf32>,
            %get3A_231 = arith.index_cast %scan3A_88 : i32 to index
            %get3A_232 = arith.constant 192 : index
            %get3A_233 = tpu.vector_load %arg7[%get3A_231, %get3A_232] {strides = array<i32>} : memref<40x512xf32, #tpu.memory_space<vmem>>, vector<1x16xf32>,
            %get3A_234 = vector.shape_cast %get3A_233 : vector<1x16xf32> to vector<16xf32>
            %mul3A_235 = arith.constant 22.6274166 : f32
            %mul3A_236 = vector.broadcast %mul3A_235 : f32 to vector<16xf32>
            %mul3A_237 = arith.mulf %get3A_234, %mul3A_236 : vector<16xf32>
            %swap3A_238 = arith.index_cast %scan3A_88 : i32 to index
            %swap3A_239 = arith.constant 192 : index
            %swap3A_240 = tpu.vector_load %arg7[%swap3A_238, %swap3A_239] {strides = array<i32>} : memref<40x512xf32, #tpu.memory_space<vmem>>, vector<1x16xf32>,
            %swap3A_241 = vector.shape_cast %swap3A_240 : vector<1x16xf32> to vector<16xf32>
            %swap3A_242 = vector.shape_cast %mul3A_237 : vector<16xf32> to vector<1x16xf32>
            tpu.vector_store %arg7[%swap3A_238, %swap3A_239], %swap3A_242 {strides = array<i32>} : memref<40x512xf32, #tpu.memory_space<vmem>>, vector<1x16xf32>,
            %get3A_243 = arith.index_cast %scan3A_88 : i32 to index
            %get3A_244 = arith.constant 208 : index
            %get3A_245 = tpu.vector_load %arg7[%get3A_243, %get3A_244] {strides = array<i32>} : memref<40x512xf32, #tpu.memory_space<vmem>>, vector<1x16xf32>,
            %get3A_246 = vector.shape_cast %get3A_245 : vector<1x16xf32> to vector<16xf32>
            %mul3A_247 = arith.constant 22.6274166 : f32
            %mul3A_248 = vector.broadcast %mul3A_247 : f32 to vector<16xf32>
            %mul3A_249 = arith.mulf %get3A_246, %mul3A_248 : vector<16xf32>
            %swap3A_250 = arith.index_cast %scan3A_88 : i32 to index
            %swap3A_251 = arith.constant 208 : index
            %swap3A_252 = tpu.vector_load %arg7[%swap3A_250, %swap3A_251] {strides = array<i32>} : memref<40x512xf32, #tpu.memory_space<vmem>>, vector<1x16xf32>,
            %swap3A_253 = vector.shape_cast %swap3A_252 : vector<1x16xf32> to vector<16xf32>
            %swap3A_254 = vector.shape_cast %mul3A_249 : vector<16xf32> to vector<1x16xf32>
            tpu.vector_store %arg7[%swap3A_250, %swap3A_251], %swap3A_254 {strides = array<i32>} : memref<40x512xf32, #tpu.memory_space<vmem>>, vector<1x16xf32>,
            %get3A_255 = arith.index_cast %scan3A_88 : i32 to index
            %get3A_256 = arith.constant 224 : index
            %get3A_257 = tpu.vector_load %arg7[%get3A_255, %get3A_256] {strides = array<i32>} : memref<40x512xf32, #tpu.memory_space<vmem>>, vector<1x16xf32>,
            %get3A_258 = vector.shape_cast %get3A_257 : vector<1x16xf32> to vector<16xf32>
            %mul3A_259 = arith.constant 22.6274166 : f32
            %mul3A_260 = vector.broadcast %mul3A_259 : f32 to vector<16xf32>
            %mul3A_261 = arith.mulf %get3A_258, %mul3A_260 : vector<16xf32>
            %swap3A_262 = arith.index_cast %scan3A_88 : i32 to index
            %swap3A_263 = arith.constant 224 : index
            %swap3A_264 = tpu.vector_load %arg7[%swap3A_262, %swap3A_263] {strides = array<i32>} : memref<40x512xf32, #tpu.memory_space<vmem>>, vector<1x16xf32>,
            %swap3A_265 = vector.shape_cast %swap3A_264 : vector<1x16xf32> to vector<16xf32>
            %swap3A_266 = vector.shape_cast %mul3A_261 : vector<16xf32> to vector<1x16xf32>
            tpu.vector_store %arg7[%swap3A_262, %swap3A_263], %swap3A_266 {strides = array<i32>} : memref<40x512xf32, #tpu.memory_space<vmem>>, vector<1x16xf32>,
            %get3A_267 = arith.index_cast %scan3A_88 : i32 to index
            %get3A_268 = arith.constant 240 : index
            %get3A_269 = tpu.vector_load %arg7[%get3A_267, %get3A_268] {strides = array<i32>} : memref<40x512xf32, #tpu.memory_space<vmem>>, vector<1x16xf32>,
            %get3A_270 = vector.shape_cast %get3A_269 : vector<1x16xf32> to vector<16xf32>
            %mul3A_271 = arith.constant 22.6274166 : f32
            %mul3A_272 = vector.broadcast %mul3A_271 : f32 to vector<16xf32>
            %mul3A_273 = arith.mulf %get3A_270, %mul3A_272 : vector<16xf32>
            %swap3A_274 = arith.index_cast %scan3A_88 : i32 to index
            %swap3A_275 = arith.constant 240 : index
            %swap3A_276 = tpu.vector_load %arg7[%swap3A_274, %swap3A_275] {strides = array<i32>} : memref<40x512xf32, #tpu.memory_space<vmem>>, vector<1x16xf32>,
            %swap3A_277 = vector.shape_cast %swap3A_276 : vector<1x16xf32> to vector<16xf32>
            %swap3A_278 = vector.shape_cast %mul3A_273 : vector<16xf32> to vector<1x16xf32>
            tpu.vector_store %arg7[%swap3A_274, %swap3A_275], %swap3A_278 {strides = array<i32>} : memref<40x512xf32, #tpu.memory_space<vmem>>, vector<1x16xf32>,
            %get3A_279 = arith.index_cast %scan3A_88 : i32 to index
            %get3A_280 = arith.constant 256 : index
            %get3A_281 = tpu.vector_load %arg7[%get3A_279, %get3A_280] {strides = array<i32>} : memref<40x512xf32, #tpu.memory_space<vmem>>, vector<1x16xf32>,
            %get3A_282 = vector.shape_cast %get3A_281 : vector<1x16xf32> to vector<16xf32>
            %mul3A_283 = arith.constant 22.6274166 : f32
            %mul3A_284 = vector.broadcast %mul3A_283 : f32 to vector<16xf32>
            %mul3A_285 = arith.mulf %get3A_282, %mul3A_284 : vector<16xf32>
            %swap3A_286 = arith.index_cast %scan3A_88 : i32 to index
            %swap3A_287 = arith.constant 256 : index
            %swap3A_288 = tpu.vector_load %arg7[%swap3A_286, %swap3A_287] {strides = array<i32>} : memref<40x512xf32, #tpu.memory_space<vmem>>, vector<1x16xf32>,
            %swap3A_289 = vector.shape_cast %swap3A_288 : vector<1x16xf32> to vector<16xf32>
            %swap3A_290 = vector.shape_cast %mul3A_285 : vector<16xf32> to vector<1x16xf32>
            tpu.vector_store %arg7[%swap3A_286, %swap3A_287], %swap3A_290 {strides = array<i32>} : memref<40x512xf32, #tpu.memory_space<vmem>>, vector<1x16xf32>,
            %get3A_291 = arith.index_cast %scan3A_88 : i32 to index
            %get3A_292 = arith.constant 272 : index
            %get3A_293 = tpu.vector_load %arg7[%get3A_291, %get3A_292] {strides = array<i32>} : memref<40x512xf32, #tpu.memory_space<vmem>>, vector<1x16xf32>,
            %get3A_294 = vector.shape_cast %get3A_293 : vector<1x16xf32> to vector<16xf32>
            %mul3A_295 = arith.constant 22.6274166 : f32
            %mul3A_296 = vector.broadcast %mul3A_295 : f32 to vector<16xf32>
            %mul3A_297 = arith.mulf %get3A_294, %mul3A_296 : vector<16xf32>
            %swap3A_298 = arith.index_cast %scan3A_88 : i32 to index
            %swap3A_299 = arith.constant 272 : index
            %swap3A_300 = tpu.vector_load %arg7[%swap3A_298, %swap3A_299] {strides = array<i32>} : memref<40x512xf32, #tpu.memory_space<vmem>>, vector<1x16xf32>,
            %swap3A_301 = vector.shape_cast %swap3A_300 : vector<1x16xf32> to vector<16xf32>
            %swap3A_302 = vector.shape_cast %mul3A_297 : vector<16xf32> to vector<1x16xf32>
            tpu.vector_store %arg7[%swap3A_298, %swap3A_299], %swap3A_302 {strides = array<i32>} : memref<40x512xf32, #tpu.memory_space<vmem>>, vector<1x16xf32>,
            %get3A_303 = arith.index_cast %scan3A_88 : i32 to index
            %get3A_304 = arith.constant 288 : index
            %get3A_305 = tpu.vector_load %arg7[%get3A_303, %get3A_304] {strides = array<i32>} : memref<40x512xf32, #tpu.memory_space<vmem>>, vector<1x16xf32>,
            %get3A_306 = vector.shape_cast %get3A_305 : vector<1x16xf32> to vector<16xf32>
            %mul3A_307 = arith.constant 22.6274166 : f32
            %mul3A_308 = vector.broadcast %mul3A_307 : f32 to vector<16xf32>
            %mul3A_309 = arith.mulf %get3A_306, %mul3A_308 : vector<16xf32>
            %swap3A_310 = arith.index_cast %scan3A_88 : i32 to index
            %swap3A_311 = arith.constant 288 : index
            %swap3A_312 = tpu.vector_load %arg7[%swap3A_310, %swap3A_311] {strides = array<i32>} : memref<40x512xf32, #tpu.memory_space<vmem>>, vector<1x16xf32>,
            %swap3A_313 = vector.shape_cast %swap3A_312 : vector<1x16xf32> to vector<16xf32>
            %swap3A_314 = vector.shape_cast %mul3A_309 : vector<16xf32> to vector<1x16xf32>
            tpu.vector_store %arg7[%swap3A_310, %swap3A_311], %swap3A_314 {strides = array<i32>} : memref<40x512xf32, #tpu.memory_space<vmem>>, vector<1x16xf32>,
            %get3A_315 = arith.index_cast %scan3A_88 : i32 to index
            %get3A_316 = arith.constant 304 : index
            %get3A_317 = tpu.vector_load %arg7[%get3A_315, %get3A_316] {strides = array<i32>} : memref<40x512xf32, #tpu.memory_space<vmem>>, vector<1x16xf32>,
            %get3A_318 = vector.shape_cast %get3A_317 : vector<1x16xf32> to vector<16xf32>
            %mul3A_319 = arith.constant 22.6274166 : f32
            %mul3A_320 = vector.broadcast %mul3A_319 : f32 to vector<16xf32>
            %mul3A_321 = arith.mulf %get3A_318, %mul3A_320 : vector<16xf32>
            %swap3A_322 = arith.index_cast %scan3A_88 : i32 to index
            %swap3A_323 = arith.constant 304 : index
            %swap3A_324 = tpu.vector_load %arg7[%swap3A_322, %swap3A_323] {strides = array<i32>} : memref<40x512xf32, #tpu.memory_space<vmem>>, vector<1x16xf32>,
            %swap3A_325 = vector.shape_cast %swap3A_324 : vector<1x16xf32> to vector<16xf32>
            %swap3A_326 = vector.shape_cast %mul3A_321 : vector<16xf32> to vector<1x16xf32>
            tpu.vector_store %arg7[%swap3A_322, %swap3A_323], %swap3A_326 {strides = array<i32>} : memref<40x512xf32, #tpu.memory_space<vmem>>, vector<1x16xf32>,
            %get3A_327 = arith.index_cast %scan3A_88 : i32 to index
            %get3A_328 = arith.constant 320 : index
            %get3A_329 = tpu.vector_load %arg7[%get3A_327, %get3A_328] {strides = array<i32>} : memref<40x512xf32, #tpu.memory_space<vmem>>, vector<1x16xf32>,
            %get3A_330 = vector.shape_cast %get3A_329 : vector<1x16xf32> to vector<16xf32>
            %mul3A_331 = arith.constant 22.6274166 : f32
            %mul3A_332 = vector.broadcast %mul3A_331 : f32 to vector<16xf32>
            %mul3A_333 = arith.mulf %get3A_330, %mul3A_332 : vector<16xf32>
            %swap3A_334 = arith.index_cast %scan3A_88 : i32 to index
            %swap3A_335 = arith.constant 320 : index
            %swap3A_336 = tpu.vector_load %arg7[%swap3A_334, %swap3A_335] {strides = array<i32>} : memref<40x512xf32, #tpu.memory_space<vmem>>, vector<1x16xf32>,
            %swap3A_337 = vector.shape_cast %swap3A_336 : vector<1x16xf32> to vector<16xf32>
            %swap3A_338 = vector.shape_cast %mul3A_333 : vector<16xf32> to vector<1x16xf32>
            tpu.vector_store %arg7[%swap3A_334, %swap3A_335], %swap3A_338 {strides = array<i32>} : memref<40x512xf32, #tpu.memory_space<vmem>>, vector<1x16xf32>,
            %get3A_339 = arith.index_cast %scan3A_88 : i32 to index
            %get3A_340 = arith.constant 336 : index
            %get3A_341 = tpu.vector_load %arg7[%get3A_339, %get3A_340] {strides = array<i32>} : memref<40x512xf32, #tpu.memory_space<vmem>>, vector<1x16xf32>,
            %get3A_342 = vector.shape_cast %get3A_341 : vector<1x16xf32> to vector<16xf32>
            %mul3A_343 = arith.constant 22.6274166 : f32
            %mul3A_344 = vector.broadcast %mul3A_343 : f32 to vector<16xf32>
            %mul3A_345 = arith.mulf %get3A_342, %mul3A_344 : vector<16xf32>
            %swap3A_346 = arith.index_cast %scan3A_88 : i32 to index
            %swap3A_347 = arith.constant 336 : index
            %swap3A_348 = tpu.vector_load %arg7[%swap3A_346, %swap3A_347] {strides = array<i32>} : memref<40x512xf32, #tpu.memory_space<vmem>>, vector<1x16xf32>,
            %swap3A_349 = vector.shape_cast %swap3A_348 : vector<1x16xf32> to vector<16xf32>
            %swap3A_350 = vector.shape_cast %mul3A_345 : vector<16xf32> to vector<1x16xf32>
            tpu.vector_store %arg7[%swap3A_346, %swap3A_347], %swap3A_350 {strides = array<i32>} : memref<40x512xf32, #tpu.memory_space<vmem>>, vector<1x16xf32>,
            %get3A_351 = arith.index_cast %scan3A_88 : i32 to index
            %get3A_352 = arith.constant 352 : index
            %get3A_353 = tpu.vector_load %arg7[%get3A_351, %get3A_352] {strides = array<i32>} : memref<40x512xf32, #tpu.memory_space<vmem>>, vector<1x16xf32>,
            %get3A_354 = vector.shape_cast %get3A_353 : vector<1x16xf32> to vector<16xf32>
            %mul3A_355 = arith.constant 22.6274166 : f32
            %mul3A_356 = vector.broadcast %mul3A_355 : f32 to vector<16xf32>
            %mul3A_357 = arith.mulf %get3A_354, %mul3A_356 : vector<16xf32>
            %swap3A_358 = arith.index_cast %scan3A_88 : i32 to index
            %swap3A_359 = arith.constant 352 : index
            %swap3A_360 = tpu.vector_load %arg7[%swap3A_358, %swap3A_359] {strides = array<i32>} : memref<40x512xf32, #tpu.memory_space<vmem>>, vector<1x16xf32>,
            %swap3A_361 = vector.shape_cast %swap3A_360 : vector<1x16xf32> to vector<16xf32>
            %swap3A_362 = vector.shape_cast %mul3A_357 : vector<16xf32> to vector<1x16xf32>
            tpu.vector_store %arg7[%swap3A_358, %swap3A_359], %swap3A_362 {strides = array<i32>} : memref<40x512xf32, #tpu.memory_space<vmem>>, vector<1x16xf32>,
            %get3A_363 = arith.index_cast %scan3A_88 : i32 to index
            %get3A_364 = arith.constant 368 : index
            %get3A_365 = tpu.vector_load %arg7[%get3A_363, %get3A_364] {strides = array<i32>} : memref<40x512xf32, #tpu.memory_space<vmem>>, vector<1x16xf32>,
            %get3A_366 = vector.shape_cast %get3A_365 : vector<1x16xf32> to vector<16xf32>
            %mul3A_367 = arith.constant 22.6274166 : f32
            %mul3A_368 = vector.broadcast %mul3A_367 : f32 to vector<16xf32>
            %mul3A_369 = arith.mulf %get3A_366, %mul3A_368 : vector<16xf32>
            %swap3A_370 = arith.index_cast %scan3A_88 : i32 to index
            %swap3A_371 = arith.constant 368 : index
            %swap3A_372 = tpu.vector_load %arg7[%swap3A_370, %swap3A_371] {strides = array<i32>} : memref<40x512xf32, #tpu.memory_space<vmem>>, vector<1x16xf32>,
            %swap3A_373 = vector.shape_cast %swap3A_372 : vector<1x16xf32> to vector<16xf32>
            %swap3A_374 = vector.shape_cast %mul3A_369 : vector<16xf32> to vector<1x16xf32>
            tpu.vector_store %arg7[%swap3A_370, %swap3A_371], %swap3A_374 {strides = array<i32>} : memref<40x512xf32, #tpu.memory_space<vmem>>, vector<1x16xf32>,
            %get3A_375 = arith.index_cast %scan3A_88 : i32 to index
            %get3A_376 = arith.constant 384 : index
            %get3A_377 = tpu.vector_load %arg7[%get3A_375, %get3A_376] {strides = array<i32>} : memref<40x512xf32, #tpu.memory_space<vmem>>, vector<1x16xf32>,
            %get3A_378 = vector.shape_cast %get3A_377 : vector<1x16xf32> to vector<16xf32>
            %mul3A_379 = arith.constant 22.6274166 : f32
            %mul3A_380 = vector.broadcast %mul3A_379 : f32 to vector<16xf32>
            %mul3A_381 = arith.mulf %get3A_378, %mul3A_380 : vector<16xf32>
            %swap3A_382 = arith.index_cast %scan3A_88 : i32 to index
            %swap3A_383 = arith.constant 384 : index
            %swap3A_384 = tpu.vector_load %arg7[%swap3A_382, %swap3A_383] {strides = array<i32>} : memref<40x512xf32, #tpu.memory_space<vmem>>, vector<1x16xf32>,
            %swap3A_385 = vector.shape_cast %swap3A_384 : vector<1x16xf32> to vector<16xf32>
            %swap3A_386 = vector.shape_cast %mul3A_381 : vector<16xf32> to vector<1x16xf32>
            tpu.vector_store %arg7[%swap3A_382, %swap3A_383], %swap3A_386 {strides = array<i32>} : memref<40x512xf32, #tpu.memory_space<vmem>>, vector<1x16xf32>,
            %get3A_387 = arith.index_cast %scan3A_88 : i32 to index
            %get3A_388 = arith.constant 400 : index
            %get3A_389 = tpu.vector_load %arg7[%get3A_387, %get3A_388] {strides = array<i32>} : memref<40x512xf32, #tpu.memory_space<vmem>>, vector<1x16xf32>,
            %get3A_390 = vector.shape_cast %get3A_389 : vector<1x16xf32> to vector<16xf32>
            %mul3A_391 = arith.constant 22.6274166 : f32
            %mul3A_392 = vector.broadcast %mul3A_391 : f32 to vector<16xf32>
            %mul3A_393 = arith.mulf %get3A_390, %mul3A_392 : vector<16xf32>
            %swap3A_394 = arith.index_cast %scan3A_88 : i32 to index
            %swap3A_395 = arith.constant 400 : index
            %swap3A_396 = tpu.vector_load %arg7[%swap3A_394, %swap3A_395] {strides = array<i32>} : memref<40x512xf32, #tpu.memory_space<vmem>>, vector<1x16xf32>,
            %swap3A_397 = vector.shape_cast %swap3A_396 : vector<1x16xf32> to vector<16xf32>
            %swap3A_398 = vector.shape_cast %mul3A_393 : vector<16xf32> to vector<1x16xf32>
            tpu.vector_store %arg7[%swap3A_394, %swap3A_395], %swap3A_398 {strides = array<i32>} : memref<40x512xf32, #tpu.memory_space<vmem>>, vector<1x16xf32>,
            %get3A_399 = arith.index_cast %scan3A_88 : i32 to index
            %get3A_400 = arith.constant 416 : index
            %get3A_401 = tpu.vector_load %arg7[%get3A_399, %get3A_400] {strides = array<i32>} : memref<40x512xf32, #tpu.memory_space<vmem>>, vector<1x16xf32>,
            %get3A_402 = vector.shape_cast %get3A_401 : vector<1x16xf32> to vector<16xf32>
            %mul3A_403 = arith.constant 22.6274166 : f32
            %mul3A_404 = vector.broadcast %mul3A_403 : f32 to vector<16xf32>
            %mul3A_405 = arith.mulf %get3A_402, %mul3A_404 : vector<16xf32>
            %swap3A_406 = arith.index_cast %scan3A_88 : i32 to index
            %swap3A_407 = arith.constant 416 : index
            %swap3A_408 = tpu.vector_load %arg7[%swap3A_406, %swap3A_407] {strides = array<i32>} : memref<40x512xf32, #tpu.memory_space<vmem>>, vector<1x16xf32>,
            %swap3A_409 = vector.shape_cast %swap3A_408 : vector<1x16xf32> to vector<16xf32>
            %swap3A_410 = vector.shape_cast %mul3A_405 : vector<16xf32> to vector<1x16xf32>
            tpu.vector_store %arg7[%swap3A_406, %swap3A_407], %swap3A_410 {strides = array<i32>} : memref<40x512xf32, #tpu.memory_space<vmem>>, vector<1x16xf32>,
            %get3A_411 = arith.index_cast %scan3A_88 : i32 to index
            %get3A_412 = arith.constant 432 : index
            %get3A_413 = tpu.vector_load %arg7[%get3A_411, %get3A_412] {strides = array<i32>} : memref<40x512xf32, #tpu.memory_space<vmem>>, vector<1x16xf32>,
            %get3A_414 = vector.shape_cast %get3A_413 : vector<1x16xf32> to vector<16xf32>
            %mul3A_415 = arith.constant 22.6274166 : f32
            %mul3A_416 = vector.broadcast %mul3A_415 : f32 to vector<16xf32>
            %mul3A_417 = arith.mulf %get3A_414, %mul3A_416 : vector<16xf32>
            %swap3A_418 = arith.index_cast %scan3A_88 : i32 to index
            %swap3A_419 = arith.constant 432 : index
            %swap3A_420 = tpu.vector_load %arg7[%swap3A_418, %swap3A_419] {strides = array<i32>} : memref<40x512xf32, #tpu.memory_space<vmem>>, vector<1x16xf32>,
            %swap3A_421 = vector.shape_cast %swap3A_420 : vector<1x16xf32> to vector<16xf32>
            %swap3A_422 = vector.shape_cast %mul3A_417 : vector<16xf32> to vector<1x16xf32>
            tpu.vector_store %arg7[%swap3A_418, %swap3A_419], %swap3A_422 {strides = array<i32>} : memref<40x512xf32, #tpu.memory_space<vmem>>, vector<1x16xf32>,
            %get3A_423 = arith.index_cast %scan3A_88 : i32 to index
            %get3A_424 = arith.constant 448 : index
            %get3A_425 = tpu.vector_load %arg7[%get3A_423, %get3A_424] {strides = array<i32>} : memref<40x512xf32, #tpu.memory_space<vmem>>, vector<1x16xf32>,
            %get3A_426 = vector.shape_cast %get3A_425 : vector<1x16xf32> to vector<16xf32>
            %mul3A_427 = arith.constant 22.6274166 : f32
            %mul3A_428 = vector.broadcast %mul3A_427 : f32 to vector<16xf32>
            %mul3A_429 = arith.mulf %get3A_426, %mul3A_428 : vector<16xf32>
            %swap3A_430 = arith.index_cast %scan3A_88 : i32 to index
            %swap3A_431 = arith.constant 448 : index
            %swap3A_432 = tpu.vector_load %arg7[%swap3A_430, %swap3A_431] {strides = array<i32>} : memref<40x512xf32, #tpu.memory_space<vmem>>, vector<1x16xf32>,
            %swap3A_433 = vector.shape_cast %swap3A_432 : vector<1x16xf32> to vector<16xf32>
            %swap3A_434 = vector.shape_cast %mul3A_429 : vector<16xf32> to vector<1x16xf32>
            tpu.vector_store %arg7[%swap3A_430, %swap3A_431], %swap3A_434 {strides = array<i32>} : memref<40x512xf32, #tpu.memory_space<vmem>>, vector<1x16xf32>,
            %get3A_435 = arith.index_cast %scan3A_88 : i32 to index
            %get3A_436 = arith.constant 464 : index
            %get3A_437 = tpu.vector_load %arg7[%get3A_435, %get3A_436] {strides = array<i32>} : memref<40x512xf32, #tpu.memory_space<vmem>>, vector<1x16xf32>,
            %get3A_438 = vector.shape_cast %get3A_437 : vector<1x16xf32> to vector<16xf32>
            %mul3A_439 = arith.constant 22.6274166 : f32
            %mul3A_440 = vector.broadcast %mul3A_439 : f32 to vector<16xf32>
            %mul3A_441 = arith.mulf %get3A_438, %mul3A_440 : vector<16xf32>
            %swap3A_442 = arith.index_cast %scan3A_88 : i32 to index
            %swap3A_443 = arith.constant 464 : index
            %swap3A_444 = tpu.vector_load %arg7[%swap3A_442, %swap3A_443] {strides = array<i32>} : memref<40x512xf32, #tpu.memory_space<vmem>>, vector<1x16xf32>,
            %swap3A_445 = vector.shape_cast %swap3A_444 : vector<1x16xf32> to vector<16xf32>
            %swap3A_446 = vector.shape_cast %mul3A_441 : vector<16xf32> to vector<1x16xf32>
            tpu.vector_store %arg7[%swap3A_442, %swap3A_443], %swap3A_446 {strides = array<i32>} : memref<40x512xf32, #tpu.memory_space<vmem>>, vector<1x16xf32>,
            %get3A_447 = arith.index_cast %scan3A_88 : i32 to index
            %get3A_448 = arith.constant 480 : index
            %get3A_449 = tpu.vector_load %arg7[%get3A_447, %get3A_448] {strides = array<i32>} : memref<40x512xf32, #tpu.memory_space<vmem>>, vector<1x16xf32>,
            %get3A_450 = vector.shape_cast %get3A_449 : vector<1x16xf32> to vector<16xf32>
            %mul3A_451 = arith.constant 22.6274166 : f32
            %mul3A_452 = vector.broadcast %mul3A_451 : f32 to vector<16xf32>
            %mul3A_453 = arith.mulf %get3A_450, %mul3A_452 : vector<16xf32>
            %swap3A_454 = arith.index_cast %scan3A_88 : i32 to index
            %swap3A_455 = arith.constant 480 : index
            %swap3A_456 = tpu.vector_load %arg7[%swap3A_454, %swap3A_455] {strides = array<i32>} : memref<40x512xf32, #tpu.memory_space<vmem>>, vector<1x16xf32>,
            %swap3A_457 = vector.shape_cast %swap3A_456 : vector<1x16xf32> to vector<16xf32>
            %swap3A_458 = vector.shape_cast %mul3A_453 : vector<16xf32> to vector<1x16xf32>
            tpu.vector_store %arg7[%swap3A_454, %swap3A_455], %swap3A_458 {strides = array<i32>} : memref<40x512xf32, #tpu.memory_space<vmem>>, vector<1x16xf32>,
            %get3A_459 = arith.index_cast %scan3A_88 : i32 to index
            %get3A_460 = arith.constant 496 : index
            %get3A_461 = tpu.vector_load %arg7[%get3A_459, %get3A_460] {strides = array<i32>} : memref<40x512xf32, #tpu.memory_space<vmem>>, vector<1x16xf32>,
            %get3A_462 = vector.shape_cast %get3A_461 : vector<1x16xf32> to vector<16xf32>
            %mul3A_463 = arith.constant 22.6274166 : f32
            %mul3A_464 = vector.broadcast %mul3A_463 : f32 to vector<16xf32>
            %mul3A_465 = arith.mulf %get3A_462, %mul3A_464 : vector<16xf32>
            %swap3A_466 = arith.index_cast %scan3A_88 : i32 to index
            %swap3A_467 = arith.constant 496 : index
            %swap3A_468 = tpu.vector_load %arg7[%swap3A_466, %swap3A_467] {strides = array<i32>} : memref<40x512xf32, #tpu.memory_space<vmem>>, vector<1x16xf32>,
            %swap3A_469 = vector.shape_cast %swap3A_468 : vector<1x16xf32> to vector<16xf32>
            %swap3A_470 = vector.shape_cast %mul3A_465 : vector<16xf32> to vector<1x16xf32>
            tpu.vector_store %arg7[%swap3A_466, %swap3A_467], %swap3A_470 {strides = array<i32>} : memref<40x512xf32, #tpu.memory_space<vmem>>, vector<1x16xf32>,
          }
          %scan3A_81 = arith.constant 40 : i32
          %mul3A_82 = arith.constant 40 : i32
          %mul3A_83 = arith.muli %sub3A_44, %mul3A_82 : i32
          %add3A_84 = arith.addi %mul3A_2, %mul3A_83 : i32
          %dma_start3A = arith.constant 0 : i32
          %dma_start3A_85 = tpu.memref_slice %arg4[%add3A_84, %dma_start3A] : memref<819200x512xf32, #tpu.memory_space<hbm>> -> memref<40x512xf32, #tpu.memory_space<hbm>>
          %dma_start3A_86 = arith.constant 0 : i32
          %dma_start3A_87 = tpu.memref_slice %arg4[%add3A_84, %dma_start3A_86] : memref<819200x512xf32, #tpu.memory_space<hbm>> -> memref<40x512xf32, #tpu.memory_space<hbm>>
          tpu.enqueue_dma source(%arg7 : memref<40x512xf32, #tpu.memory_space<vmem>>) target(%dma_start3A_87 : memref<40x512xf32, #tpu.memory_space<hbm>>) target_semaphore(%arg17 : memref<!tpu.dma_semaphore, #tpu.memory_space<semaphore_mem>>)
        } else {
        }
        %eq3A_55 = arith.constant 2 : i32
        %eq3A_56 = arith.cmpi eq, %rem3A_45, %eq3A_55 : i32
        %convert_element_type3A_57 = arith.extui %eq3A_56 : i1 to i32
        %cond3A_58 = arith.constant 0 : i32
        %cond3A_59 = arith.cmpi ne, %convert_element_type3A_57, %cond3A_58 : i32
        scf.if %cond3A_59 {
          %mul3A_70 = arith.constant 40 : i32
          %mul3A_71 = arith.muli %sub3A_44, %mul3A_70 : i32
          %dma_wait3A_72 = tpu.memref_slice %arg5[%mul3A_71] : memref<25600xi32, #tpu.memory_space<vmem>> -> memref<40xi32, #tpu.memory_space<vmem>>
          %dma_wait3A_73 = arith.constant 0 : i32
          %dma_wait3A_74 = arith.constant 0 : i32
          %dma_wait3A_75 = tpu.memref_slice %arg2[%dma_wait3A_73, %dma_wait3A_74] : memref<100000x512xf32, #tpu.memory_space<hbm>> -> memref<100000x512xf32, #tpu.memory_space<hbm>>
          tpu.wait_indirect_dma semaphore(%arg13 : memref<!tpu.dma_semaphore, #tpu.memory_space<semaphore_mem>>) src(%dma_wait3A_75 : memref<100000x512xf32, #tpu.memory_space<hbm>>) dst(%arg8 : memref<40x512xf32, #tpu.memory_space<vmem>>)
          %scan3A_76 = arith.constant 0 : i32
          %scan3A_77 = arith.constant 0 : i32
          %scan3A_78 = arith.constant 40 : i32
          %scan3A_79 = arith.addi %scan3A_77, %scan3A_78 : i32
          %scan3A_80 = arith.constant 1 : i32
          scf.for %scan3A_88 = %scan3A_77 to %scan3A_79 step %scan3A_80  : i32 {
            %get3A = arith.index_cast %scan3A_88 : i32 to index
            %get3A_89 = arith.constant 0 : index
            %get3A_90 = tpu.vector_load %arg8[%get3A, %get3A_89] {strides = array<i32>} : memref<40x512xf32, #tpu.memory_space<vmem>>, vector<1x16xf32>,
            %get3A_91 = vector.shape_cast %get3A_90 : vector<1x16xf32> to vector<16xf32>
            %mul3A_92 = arith.constant 22.6274166 : f32
            %mul3A_93 = vector.broadcast %mul3A_92 : f32 to vector<16xf32>
            %mul3A_94 = arith.mulf %get3A_91, %mul3A_93 : vector<16xf32>
            %swap3A = arith.index_cast %scan3A_88 : i32 to index
            %swap3A_95 = arith.constant 0 : index
            %swap3A_96 = tpu.vector_load %arg8[%swap3A, %swap3A_95] {strides = array<i32>} : memref<40x512xf32, #tpu.memory_space<vmem>>, vector<1x16xf32>,
            %swap3A_97 = vector.shape_cast %swap3A_96 : vector<1x16xf32> to vector<16xf32>
            %swap3A_98 = vector.shape_cast %mul3A_94 : vector<16xf32> to vector<1x16xf32>
            tpu.vector_store %arg8[%swap3A, %swap3A_95], %swap3A_98 {strides = array<i32>} : memref<40x512xf32, #tpu.memory_space<vmem>>, vector<1x16xf32>,
            %get3A_99 = arith.index_cast %scan3A_88 : i32 to index
            %get3A_100 = arith.constant 16 : index
            %get3A_101 = tpu.vector_load %arg8[%get3A_99, %get3A_100] {strides = array<i32>} : memref<40x512xf32, #tpu.memory_space<vmem>>, vector<1x16xf32>,
            %get3A_102 = vector.shape_cast %get3A_101 : vector<1x16xf32> to vector<16xf32>
            %mul3A_103 = arith.constant 22.6274166 : f32
            %mul3A_104 = vector.broadcast %mul3A_103 : f32 to vector<16xf32>
            %mul3A_105 = arith.mulf %get3A_102, %mul3A_104 : vector<16xf32>
            %swap3A_106 = arith.index_cast %scan3A_88 : i32 to index
            %swap3A_107 = arith.constant 16 : index
            %swap3A_108 = tpu.vector_load %arg8[%swap3A_106, %swap3A_107] {strides = array<i32>} : memref<40x512xf32, #tpu.memory_space<vmem>>, vector<1x16xf32>,
            %swap3A_109 = vector.shape_cast %swap3A_108 : vector<1x16xf32> to vector<16xf32>
            %swap3A_110 = vector.shape_cast %mul3A_105 : vector<16xf32> to vector<1x16xf32>
            tpu.vector_store %arg8[%swap3A_106, %swap3A_107], %swap3A_110 {strides = array<i32>} : memref<40x512xf32, #tpu.memory_space<vmem>>, vector<1x16xf32>,
            %get3A_111 = arith.index_cast %scan3A_88 : i32 to index
            %get3A_112 = arith.constant 32 : index
            %get3A_113 = tpu.vector_load %arg8[%get3A_111, %get3A_112] {strides = array<i32>} : memref<40x512xf32, #tpu.memory_space<vmem>>, vector<1x16xf32>,
            %get3A_114 = vector.shape_cast %get3A_113 : vector<1x16xf32> to vector<16xf32>
            %mul3A_115 = arith.constant 22.6274166 : f32
            %mul3A_116 = vector.broadcast %mul3A_115 : f32 to vector<16xf32>
            %mul3A_117 = arith.mulf %get3A_114, %mul3A_116 : vector<16xf32>
            %swap3A_118 = arith.index_cast %scan3A_88 : i32 to index
            %swap3A_119 = arith.constant 32 : index
            %swap3A_120 = tpu.vector_load %arg8[%swap3A_118, %swap3A_119] {strides = array<i32>} : memref<40x512xf32, #tpu.memory_space<vmem>>, vector<1x16xf32>,
            %swap3A_121 = vector.shape_cast %swap3A_120 : vector<1x16xf32> to vector<16xf32>
            %swap3A_122 = vector.shape_cast %mul3A_117 : vector<16xf32> to vector<1x16xf32>
            tpu.vector_store %arg8[%swap3A_118, %swap3A_119], %swap3A_122 {strides = array<i32>} : memref<40x512xf32, #tpu.memory_space<vmem>>, vector<1x16xf32>,
            %get3A_123 = arith.index_cast %scan3A_88 : i32 to index
            %get3A_124 = arith.constant 48 : index
            %get3A_125 = tpu.vector_load %arg8[%get3A_123, %get3A_124] {strides = array<i32>} : memref<40x512xf32, #tpu.memory_space<vmem>>, vector<1x16xf32>,
            %get3A_126 = vector.shape_cast %get3A_125 : vector<1x16xf32> to vector<16xf32>
            %mul3A_127 = arith.constant 22.6274166 : f32
            %mul3A_128 = vector.broadcast %mul3A_127 : f32 to vector<16xf32>
            %mul3A_129 = arith.mulf %get3A_126, %mul3A_128 : vector<16xf32>
            %swap3A_130 = arith.index_cast %scan3A_88 : i32 to index
            %swap3A_131 = arith.constant 48 : index
            %swap3A_132 = tpu.vector_load %arg8[%swap3A_130, %swap3A_131] {strides = array<i32>} : memref<40x512xf32, #tpu.memory_space<vmem>>, vector<1x16xf32>,
            %swap3A_133 = vector.shape_cast %swap3A_132 : vector<1x16xf32> to vector<16xf32>
            %swap3A_134 = vector.shape_cast %mul3A_129 : vector<16xf32> to vector<1x16xf32>
            tpu.vector_store %arg8[%swap3A_130, %swap3A_131], %swap3A_134 {strides = array<i32>} : memref<40x512xf32, #tpu.memory_space<vmem>>, vector<1x16xf32>,
            %get3A_135 = arith.index_cast %scan3A_88 : i32 to index
            %get3A_136 = arith.constant 64 : index
            %get3A_137 = tpu.vector_load %arg8[%get3A_135, %get3A_136] {strides = array<i32>} : memref<40x512xf32, #tpu.memory_space<vmem>>, vector<1x16xf32>,
            %get3A_138 = vector.shape_cast %get3A_137 : vector<1x16xf32> to vector<16xf32>
            %mul3A_139 = arith.constant 22.6274166 : f32
            %mul3A_140 = vector.broadcast %mul3A_139 : f32 to vector<16xf32>
            %mul3A_141 = arith.mulf %get3A_138, %mul3A_140 : vector<16xf32>
            %swap3A_142 = arith.index_cast %scan3A_88 : i32 to index
            %swap3A_143 = arith.constant 64 : index
            %swap3A_144 = tpu.vector_load %arg8[%swap3A_142, %swap3A_143] {strides = array<i32>} : memref<40x512xf32, #tpu.memory_space<vmem>>, vector<1x16xf32>,
            %swap3A_145 = vector.shape_cast %swap3A_144 : vector<1x16xf32> to vector<16xf32>
            %swap3A_146 = vector.shape_cast %mul3A_141 : vector<16xf32> to vector<1x16xf32>
            tpu.vector_store %arg8[%swap3A_142, %swap3A_143], %swap3A_146 {strides = array<i32>} : memref<40x512xf32, #tpu.memory_space<vmem>>, vector<1x16xf32>,
            %get3A_147 = arith.index_cast %scan3A_88 : i32 to index
            %get3A_148 = arith.constant 80 : index
            %get3A_149 = tpu.vector_load %arg8[%get3A_147, %get3A_148] {strides = array<i32>} : memref<40x512xf32, #tpu.memory_space<vmem>>, vector<1x16xf32>,
            %get3A_150 = vector.shape_cast %get3A_149 : vector<1x16xf32> to vector<16xf32>
            %mul3A_151 = arith.constant 22.6274166 : f32
            %mul3A_152 = vector.broadcast %mul3A_151 : f32 to vector<16xf32>
            %mul3A_153 = arith.mulf %get3A_150, %mul3A_152 : vector<16xf32>
            %swap3A_154 = arith.index_cast %scan3A_88 : i32 to index
            %swap3A_155 = arith.constant 80 : index
            %swap3A_156 = tpu.vector_load %arg8[%swap3A_154, %swap3A_155] {strides = array<i32>} : memref<40x512xf32, #tpu.memory_space<vmem>>, vector<1x16xf32>,
            %swap3A_157 = vector.shape_cast %swap3A_156 : vector<1x16xf32> to vector<16xf32>
            %swap3A_158 = vector.shape_cast %mul3A_153 : vector<16xf32> to vector<1x16xf32>
            tpu.vector_store %arg8[%swap3A_154, %swap3A_155], %swap3A_158 {strides = array<i32>} : memref<40x512xf32, #tpu.memory_space<vmem>>, vector<1x16xf32>,
            %get3A_159 = arith.index_cast %scan3A_88 : i32 to index
            %get3A_160 = arith.constant 96 : index
            %get3A_161 = tpu.vector_load %arg8[%get3A_159, %get3A_160] {strides = array<i32>} : memref<40x512xf32, #tpu.memory_space<vmem>>, vector<1x16xf32>,
            %get3A_162 = vector.shape_cast %get3A_161 : vector<1x16xf32> to vector<16xf32>
            %mul3A_163 = arith.constant 22.6274166 : f32
            %mul3A_164 = vector.broadcast %mul3A_163 : f32 to vector<16xf32>
            %mul3A_165 = arith.mulf %get3A_162, %mul3A_164 : vector<16xf32>
            %swap3A_166 = arith.index_cast %scan3A_88 : i32 to index
            %swap3A_167 = arith.constant 96 : index
            %swap3A_168 = tpu.vector_load %arg8[%swap3A_166, %swap3A_167] {strides = array<i32>} : memref<40x512xf32, #tpu.memory_space<vmem>>, vector<1x16xf32>,
            %swap3A_169 = vector.shape_cast %swap3A_168 : vector<1x16xf32> to vector<16xf32>
            %swap3A_170 = vector.shape_cast %mul3A_165 : vector<16xf32> to vector<1x16xf32>
            tpu.vector_store %arg8[%swap3A_166, %swap3A_167], %swap3A_170 {strides = array<i32>} : memref<40x512xf32, #tpu.memory_space<vmem>>, vector<1x16xf32>,
            %get3A_171 = arith.index_cast %scan3A_88 : i32 to index
            %get3A_172 = arith.constant 112 : index
            %get3A_173 = tpu.vector_load %arg8[%get3A_171, %get3A_172] {strides = array<i32>} : memref<40x512xf32, #tpu.memory_space<vmem>>, vector<1x16xf32>,
            %get3A_174 = vector.shape_cast %get3A_173 : vector<1x16xf32> to vector<16xf32>
            %mul3A_175 = arith.constant 22.6274166 : f32
            %mul3A_176 = vector.broadcast %mul3A_175 : f32 to vector<16xf32>
            %mul3A_177 = arith.mulf %get3A_174, %mul3A_176 : vector<16xf32>
            %swap3A_178 = arith.index_cast %scan3A_88 : i32 to index
            %swap3A_179 = arith.constant 112 : index
            %swap3A_180 = tpu.vector_load %arg8[%swap3A_178, %swap3A_179] {strides = array<i32>} : memref<40x512xf32, #tpu.memory_space<vmem>>, vector<1x16xf32>,
            %swap3A_181 = vector.shape_cast %swap3A_180 : vector<1x16xf32> to vector<16xf32>
            %swap3A_182 = vector.shape_cast %mul3A_177 : vector<16xf32> to vector<1x16xf32>
            tpu.vector_store %arg8[%swap3A_178, %swap3A_179], %swap3A_182 {strides = array<i32>} : memref<40x512xf32, #tpu.memory_space<vmem>>, vector<1x16xf32>,
            %get3A_183 = arith.index_cast %scan3A_88 : i32 to index
            %get3A_184 = arith.constant 128 : index
            %get3A_185 = tpu.vector_load %arg8[%get3A_183, %get3A_184] {strides = array<i32>} : memref<40x512xf32, #tpu.memory_space<vmem>>, vector<1x16xf32>,
            %get3A_186 = vector.shape_cast %get3A_185 : vector<1x16xf32> to vector<16xf32>
            %mul3A_187 = arith.constant 22.6274166 : f32
            %mul3A_188 = vector.broadcast %mul3A_187 : f32 to vector<16xf32>
            %mul3A_189 = arith.mulf %get3A_186, %mul3A_188 : vector<16xf32>
            %swap3A_190 = arith.index_cast %scan3A_88 : i32 to index
            %swap3A_191 = arith.constant 128 : index
            %swap3A_192 = tpu.vector_load %arg8[%swap3A_190, %swap3A_191] {strides = array<i32>} : memref<40x512xf32, #tpu.memory_space<vmem>>, vector<1x16xf32>,
            %swap3A_193 = vector.shape_cast %swap3A_192 : vector<1x16xf32> to vector<16xf32>
            %swap3A_194 = vector.shape_cast %mul3A_189 : vector<16xf32> to vector<1x16xf32>
            tpu.vector_store %arg8[%swap3A_190, %swap3A_191], %swap3A_194 {strides = array<i32>} : memref<40x512xf32, #tpu.memory_space<vmem>>, vector<1x16xf32>,
            %get3A_195 = arith.index_cast %scan3A_88 : i32 to index
            %get3A_196 = arith.constant 144 : index
            %get3A_197 = tpu.vector_load %arg8[%get3A_195, %get3A_196] {strides = array<i32>} : memref<40x512xf32, #tpu.memory_space<vmem>>, vector<1x16xf32>,
            %get3A_198 = vector.shape_cast %get3A_197 : vector<1x16xf32> to vector<16xf32>
            %mul3A_199 = arith.constant 22.6274166 : f32
            %mul3A_200 = vector.broadcast %mul3A_199 : f32 to vector<16xf32>
            %mul3A_201 = arith.mulf %get3A_198, %mul3A_200 : vector<16xf32>
            %swap3A_202 = arith.index_cast %scan3A_88 : i32 to index
            %swap3A_203 = arith.constant 144 : index
            %swap3A_204 = tpu.vector_load %arg8[%swap3A_202, %swap3A_203] {strides = array<i32>} : memref<40x512xf32, #tpu.memory_space<vmem>>, vector<1x16xf32>,
            %swap3A_205 = vector.shape_cast %swap3A_204 : vector<1x16xf32> to vector<16xf32>
            %swap3A_206 = vector.shape_cast %mul3A_201 : vector<16xf32> to vector<1x16xf32>
            tpu.vector_store %arg8[%swap3A_202, %swap3A_203], %swap3A_206 {strides = array<i32>} : memref<40x512xf32, #tpu.memory_space<vmem>>, vector<1x16xf32>,
            %get3A_207 = arith.index_cast %scan3A_88 : i32 to index
            %get3A_208 = arith.constant 160 : index
            %get3A_209 = tpu.vector_load %arg8[%get3A_207, %get3A_208] {strides = array<i32>} : memref<40x512xf32, #tpu.memory_space<vmem>>, vector<1x16xf32>,
            %get3A_210 = vector.shape_cast %get3A_209 : vector<1x16xf32> to vector<16xf32>
            %mul3A_211 = arith.constant 22.6274166 : f32
            %mul3A_212 = vector.broadcast %mul3A_211 : f32 to vector<16xf32>
            %mul3A_213 = arith.mulf %get3A_210, %mul3A_212 : vector<16xf32>
            %swap3A_214 = arith.index_cast %scan3A_88 : i32 to index
            %swap3A_215 = arith.constant 160 : index
            %swap3A_216 = tpu.vector_load %arg8[%swap3A_214, %swap3A_215] {strides = array<i32>} : memref<40x512xf32, #tpu.memory_space<vmem>>, vector<1x16xf32>,
            %swap3A_217 = vector.shape_cast %swap3A_216 : vector<1x16xf32> to vector<16xf32>
            %swap3A_218 = vector.shape_cast %mul3A_213 : vector<16xf32> to vector<1x16xf32>
            tpu.vector_store %arg8[%swap3A_214, %swap3A_215], %swap3A_218 {strides = array<i32>} : memref<40x512xf32, #tpu.memory_space<vmem>>, vector<1x16xf32>,
            %get3A_219 = arith.index_cast %scan3A_88 : i32 to index
            %get3A_220 = arith.constant 176 : index
            %get3A_221 = tpu.vector_load %arg8[%get3A_219, %get3A_220] {strides = array<i32>} : memref<40x512xf32, #tpu.memory_space<vmem>>, vector<1x16xf32>,
            %get3A_222 = vector.shape_cast %get3A_221 : vector<1x16xf32> to vector<16xf32>
            %mul3A_223 = arith.constant 22.6274166 : f32
            %mul3A_224 = vector.broadcast %mul3A_223 : f32 to vector<16xf32>
            %mul3A_225 = arith.mulf %get3A_222, %mul3A_224 : vector<16xf32>
            %swap3A_226 = arith.index_cast %scan3A_88 : i32 to index
            %swap3A_227 = arith.constant 176 : index
            %swap3A_228 = tpu.vector_load %arg8[%swap3A_226, %swap3A_227] {strides = array<i32>} : memref<40x512xf32, #tpu.memory_space<vmem>>, vector<1x16xf32>,
            %swap3A_229 = vector.shape_cast %swap3A_228 : vector<1x16xf32> to vector<16xf32>
            %swap3A_230 = vector.shape_cast %mul3A_225 : vector<16xf32> to vector<1x16xf32>
            tpu.vector_store %arg8[%swap3A_226, %swap3A_227], %swap3A_230 {strides = array<i32>} : memref<40x512xf32, #tpu.memory_space<vmem>>, vector<1x16xf32>,
            %get3A_231 = arith.index_cast %scan3A_88 : i32 to index
            %get3A_232 = arith.constant 192 : index
            %get3A_233 = tpu.vector_load %arg8[%get3A_231, %get3A_232] {strides = array<i32>} : memref<40x512xf32, #tpu.memory_space<vmem>>, vector<1x16xf32>,
            %get3A_234 = vector.shape_cast %get3A_233 : vector<1x16xf32> to vector<16xf32>
            %mul3A_235 = arith.constant 22.6274166 : f32
            %mul3A_236 = vector.broadcast %mul3A_235 : f32 to vector<16xf32>
            %mul3A_237 = arith.mulf %get3A_234, %mul3A_236 : vector<16xf32>
            %swap3A_238 = arith.index_cast %scan3A_88 : i32 to index
            %swap3A_239 = arith.constant 192 : index
            %swap3A_240 = tpu.vector_load %arg8[%swap3A_238, %swap3A_239] {strides = array<i32>} : memref<40x512xf32, #tpu.memory_space<vmem>>, vector<1x16xf32>,
            %swap3A_241 = vector.shape_cast %swap3A_240 : vector<1x16xf32> to vector<16xf32>
            %swap3A_242 = vector.shape_cast %mul3A_237 : vector<16xf32> to vector<1x16xf32>
            tpu.vector_store %arg8[%swap3A_238, %swap3A_239], %swap3A_242 {strides = array<i32>} : memref<40x512xf32, #tpu.memory_space<vmem>>, vector<1x16xf32>,
            %get3A_243 = arith.index_cast %scan3A_88 : i32 to index
            %get3A_244 = arith.constant 208 : index
            %get3A_245 = tpu.vector_load %arg8[%get3A_243, %get3A_244] {strides = array<i32>} : memref<40x512xf32, #tpu.memory_space<vmem>>, vector<1x16xf32>,
            %get3A_246 = vector.shape_cast %get3A_245 : vector<1x16xf32> to vector<16xf32>
            %mul3A_247 = arith.constant 22.6274166 : f32
            %mul3A_248 = vector.broadcast %mul3A_247 : f32 to vector<16xf32>
            %mul3A_249 = arith.mulf %get3A_246, %mul3A_248 : vector<16xf32>
            %swap3A_250 = arith.index_cast %scan3A_88 : i32 to index
            %swap3A_251 = arith.constant 208 : index
            %swap3A_252 = tpu.vector_load %arg8[%swap3A_250, %swap3A_251] {strides = array<i32>} : memref<40x512xf32, #tpu.memory_space<vmem>>, vector<1x16xf32>,
            %swap3A_253 = vector.shape_cast %swap3A_252 : vector<1x16xf32> to vector<16xf32>
            %swap3A_254 = vector.shape_cast %mul3A_249 : vector<16xf32> to vector<1x16xf32>
            tpu.vector_store %arg8[%swap3A_250, %swap3A_251], %swap3A_254 {strides = array<i32>} : memref<40x512xf32, #tpu.memory_space<vmem>>, vector<1x16xf32>,
            %get3A_255 = arith.index_cast %scan3A_88 : i32 to index
            %get3A_256 = arith.constant 224 : index
            %get3A_257 = tpu.vector_load %arg8[%get3A_255, %get3A_256] {strides = array<i32>} : memref<40x512xf32, #tpu.memory_space<vmem>>, vector<1x16xf32>,
            %get3A_258 = vector.shape_cast %get3A_257 : vector<1x16xf32> to vector<16xf32>
            %mul3A_259 = arith.constant 22.6274166 : f32
            %mul3A_260 = vector.broadcast %mul3A_259 : f32 to vector<16xf32>
            %mul3A_261 = arith.mulf %get3A_258, %mul3A_260 : vector<16xf32>
            %swap3A_262 = arith.index_cast %scan3A_88 : i32 to index
            %swap3A_263 = arith.constant 224 : index
            %swap3A_264 = tpu.vector_load %arg8[%swap3A_262, %swap3A_263] {strides = array<i32>} : memref<40x512xf32, #tpu.memory_space<vmem>>, vector<1x16xf32>,
            %swap3A_265 = vector.shape_cast %swap3A_264 : vector<1x16xf32> to vector<16xf32>
            %swap3A_266 = vector.shape_cast %mul3A_261 : vector<16xf32> to vector<1x16xf32>
            tpu.vector_store %arg8[%swap3A_262, %swap3A_263], %swap3A_266 {strides = array<i32>} : memref<40x512xf32, #tpu.memory_space<vmem>>, vector<1x16xf32>,
            %get3A_267 = arith.index_cast %scan3A_88 : i32 to index
            %get3A_268 = arith.constant 240 : index
            %get3A_269 = tpu.vector_load %arg8[%get3A_267, %get3A_268] {strides = array<i32>} : memref<40x512xf32, #tpu.memory_space<vmem>>, vector<1x16xf32>,
            %get3A_270 = vector.shape_cast %get3A_269 : vector<1x16xf32> to vector<16xf32>
            %mul3A_271 = arith.constant 22.6274166 : f32
            %mul3A_272 = vector.broadcast %mul3A_271 : f32 to vector<16xf32>
            %mul3A_273 = arith.mulf %get3A_270, %mul3A_272 : vector<16xf32>
            %swap3A_274 = arith.index_cast %scan3A_88 : i32 to index
            %swap3A_275 = arith.constant 240 : index
            %swap3A_276 = tpu.vector_load %arg8[%swap3A_274, %swap3A_275] {strides = array<i32>} : memref<40x512xf32, #tpu.memory_space<vmem>>, vector<1x16xf32>,
            %swap3A_277 = vector.shape_cast %swap3A_276 : vector<1x16xf32> to vector<16xf32>
            %swap3A_278 = vector.shape_cast %mul3A_273 : vector<16xf32> to vector<1x16xf32>
            tpu.vector_store %arg8[%swap3A_274, %swap3A_275], %swap3A_278 {strides = array<i32>} : memref<40x512xf32, #tpu.memory_space<vmem>>, vector<1x16xf32>,
            %get3A_279 = arith.index_cast %scan3A_88 : i32 to index
            %get3A_280 = arith.constant 256 : index
            %get3A_281 = tpu.vector_load %arg8[%get3A_279, %get3A_280] {strides = array<i32>} : memref<40x512xf32, #tpu.memory_space<vmem>>, vector<1x16xf32>,
            %get3A_282 = vector.shape_cast %get3A_281 : vector<1x16xf32> to vector<16xf32>
            %mul3A_283 = arith.constant 22.6274166 : f32
            %mul3A_284 = vector.broadcast %mul3A_283 : f32 to vector<16xf32>
            %mul3A_285 = arith.mulf %get3A_282, %mul3A_284 : vector<16xf32>
            %swap3A_286 = arith.index_cast %scan3A_88 : i32 to index
            %swap3A_287 = arith.constant 256 : index
            %swap3A_288 = tpu.vector_load %arg8[%swap3A_286, %swap3A_287] {strides = array<i32>} : memref<40x512xf32, #tpu.memory_space<vmem>>, vector<1x16xf32>,
            %swap3A_289 = vector.shape_cast %swap3A_288 : vector<1x16xf32> to vector<16xf32>
            %swap3A_290 = vector.shape_cast %mul3A_285 : vector<16xf32> to vector<1x16xf32>
            tpu.vector_store %arg8[%swap3A_286, %swap3A_287], %swap3A_290 {strides = array<i32>} : memref<40x512xf32, #tpu.memory_space<vmem>>, vector<1x16xf32>,
            %get3A_291 = arith.index_cast %scan3A_88 : i32 to index
            %get3A_292 = arith.constant 272 : index
            %get3A_293 = tpu.vector_load %arg8[%get3A_291, %get3A_292] {strides = array<i32>} : memref<40x512xf32, #tpu.memory_space<vmem>>, vector<1x16xf32>,
            %get3A_294 = vector.shape_cast %get3A_293 : vector<1x16xf32> to vector<16xf32>
            %mul3A_295 = arith.constant 22.6274166 : f32
            %mul3A_296 = vector.broadcast %mul3A_295 : f32 to vector<16xf32>
            %mul3A_297 = arith.mulf %get3A_294, %mul3A_296 : vector<16xf32>
            %swap3A_298 = arith.index_cast %scan3A_88 : i32 to index
            %swap3A_299 = arith.constant 272 : index
            %swap3A_300 = tpu.vector_load %arg8[%swap3A_298, %swap3A_299] {strides = array<i32>} : memref<40x512xf32, #tpu.memory_space<vmem>>, vector<1x16xf32>,
            %swap3A_301 = vector.shape_cast %swap3A_300 : vector<1x16xf32> to vector<16xf32>
            %swap3A_302 = vector.shape_cast %mul3A_297 : vector<16xf32> to vector<1x16xf32>
            tpu.vector_store %arg8[%swap3A_298, %swap3A_299], %swap3A_302 {strides = array<i32>} : memref<40x512xf32, #tpu.memory_space<vmem>>, vector<1x16xf32>,
            %get3A_303 = arith.index_cast %scan3A_88 : i32 to index
            %get3A_304 = arith.constant 288 : index
            %get3A_305 = tpu.vector_load %arg8[%get3A_303, %get3A_304] {strides = array<i32>} : memref<40x512xf32, #tpu.memory_space<vmem>>, vector<1x16xf32>,
            %get3A_306 = vector.shape_cast %get3A_305 : vector<1x16xf32> to vector<16xf32>
            %mul3A_307 = arith.constant 22.6274166 : f32
            %mul3A_308 = vector.broadcast %mul3A_307 : f32 to vector<16xf32>
            %mul3A_309 = arith.mulf %get3A_306, %mul3A_308 : vector<16xf32>
            %swap3A_310 = arith.index_cast %scan3A_88 : i32 to index
            %swap3A_311 = arith.constant 288 : index
            %swap3A_312 = tpu.vector_load %arg8[%swap3A_310, %swap3A_311] {strides = array<i32>} : memref<40x512xf32, #tpu.memory_space<vmem>>, vector<1x16xf32>,
            %swap3A_313 = vector.shape_cast %swap3A_312 : vector<1x16xf32> to vector<16xf32>
            %swap3A_314 = vector.shape_cast %mul3A_309 : vector<16xf32> to vector<1x16xf32>
            tpu.vector_store %arg8[%swap3A_310, %swap3A_311], %swap3A_314 {strides = array<i32>} : memref<40x512xf32, #tpu.memory_space<vmem>>, vector<1x16xf32>,
            %get3A_315 = arith.index_cast %scan3A_88 : i32 to index
            %get3A_316 = arith.constant 304 : index
            %get3A_317 = tpu.vector_load %arg8[%get3A_315, %get3A_316] {strides = array<i32>} : memref<40x512xf32, #tpu.memory_space<vmem>>, vector<1x16xf32>,
            %get3A_318 = vector.shape_cast %get3A_317 : vector<1x16xf32> to vector<16xf32>
            %mul3A_319 = arith.constant 22.6274166 : f32
            %mul3A_320 = vector.broadcast %mul3A_319 : f32 to vector<16xf32>
            %mul3A_321 = arith.mulf %get3A_318, %mul3A_320 : vector<16xf32>
            %swap3A_322 = arith.index_cast %scan3A_88 : i32 to index
            %swap3A_323 = arith.constant 304 : index
            %swap3A_324 = tpu.vector_load %arg8[%swap3A_322, %swap3A_323] {strides = array<i32>} : memref<40x512xf32, #tpu.memory_space<vmem>>, vector<1x16xf32>,
            %swap3A_325 = vector.shape_cast %swap3A_324 : vector<1x16xf32> to vector<16xf32>
            %swap3A_326 = vector.shape_cast %mul3A_321 : vector<16xf32> to vector<1x16xf32>
            tpu.vector_store %arg8[%swap3A_322, %swap3A_323], %swap3A_326 {strides = array<i32>} : memref<40x512xf32, #tpu.memory_space<vmem>>, vector<1x16xf32>,
            %get3A_327 = arith.index_cast %scan3A_88 : i32 to index
            %get3A_328 = arith.constant 320 : index
            %get3A_329 = tpu.vector_load %arg8[%get3A_327, %get3A_328] {strides = array<i32>} : memref<40x512xf32, #tpu.memory_space<vmem>>, vector<1x16xf32>,
            %get3A_330 = vector.shape_cast %get3A_329 : vector<1x16xf32> to vector<16xf32>
            %mul3A_331 = arith.constant 22.6274166 : f32
            %mul3A_332 = vector.broadcast %mul3A_331 : f32 to vector<16xf32>
            %mul3A_333 = arith.mulf %get3A_330, %mul3A_332 : vector<16xf32>
            %swap3A_334 = arith.index_cast %scan3A_88 : i32 to index
            %swap3A_335 = arith.constant 320 : index
            %swap3A_336 = tpu.vector_load %arg8[%swap3A_334, %swap3A_335] {strides = array<i32>} : memref<40x512xf32, #tpu.memory_space<vmem>>, vector<1x16xf32>,
            %swap3A_337 = vector.shape_cast %swap3A_336 : vector<1x16xf32> to vector<16xf32>
            %swap3A_338 = vector.shape_cast %mul3A_333 : vector<16xf32> to vector<1x16xf32>
            tpu.vector_store %arg8[%swap3A_334, %swap3A_335], %swap3A_338 {strides = array<i32>} : memref<40x512xf32, #tpu.memory_space<vmem>>, vector<1x16xf32>,
            %get3A_339 = arith.index_cast %scan3A_88 : i32 to index
            %get3A_340 = arith.constant 336 : index
            %get3A_341 = tpu.vector_load %arg8[%get3A_339, %get3A_340] {strides = array<i32>} : memref<40x512xf32, #tpu.memory_space<vmem>>, vector<1x16xf32>,
            %get3A_342 = vector.shape_cast %get3A_341 : vector<1x16xf32> to vector<16xf32>
            %mul3A_343 = arith.constant 22.6274166 : f32
            %mul3A_344 = vector.broadcast %mul3A_343 : f32 to vector<16xf32>
            %mul3A_345 = arith.mulf %get3A_342, %mul3A_344 : vector<16xf32>
            %swap3A_346 = arith.index_cast %scan3A_88 : i32 to index
            %swap3A_347 = arith.constant 336 : index
            %swap3A_348 = tpu.vector_load %arg8[%swap3A_346, %swap3A_347] {strides = array<i32>} : memref<40x512xf32, #tpu.memory_space<vmem>>, vector<1x16xf32>,
            %swap3A_349 = vector.shape_cast %swap3A_348 : vector<1x16xf32> to vector<16xf32>
            %swap3A_350 = vector.shape_cast %mul3A_345 : vector<16xf32> to vector<1x16xf32>
            tpu.vector_store %arg8[%swap3A_346, %swap3A_347], %swap3A_350 {strides = array<i32>} : memref<40x512xf32, #tpu.memory_space<vmem>>, vector<1x16xf32>,
            %get3A_351 = arith.index_cast %scan3A_88 : i32 to index
            %get3A_352 = arith.constant 352 : index
            %get3A_353 = tpu.vector_load %arg8[%get3A_351, %get3A_352] {strides = array<i32>} : memref<40x512xf32, #tpu.memory_space<vmem>>, vector<1x16xf32>,
            %get3A_354 = vector.shape_cast %get3A_353 : vector<1x16xf32> to vector<16xf32>
            %mul3A_355 = arith.constant 22.6274166 : f32
            %mul3A_356 = vector.broadcast %mul3A_355 : f32 to vector<16xf32>
            %mul3A_357 = arith.mulf %get3A_354, %mul3A_356 : vector<16xf32>
            %swap3A_358 = arith.index_cast %scan3A_88 : i32 to index
            %swap3A_359 = arith.constant 352 : index
            %swap3A_360 = tpu.vector_load %arg8[%swap3A_358, %swap3A_359] {strides = array<i32>} : memref<40x512xf32, #tpu.memory_space<vmem>>, vector<1x16xf32>,
            %swap3A_361 = vector.shape_cast %swap3A_360 : vector<1x16xf32> to vector<16xf32>
            %swap3A_362 = vector.shape_cast %mul3A_357 : vector<16xf32> to vector<1x16xf32>
            tpu.vector_store %arg8[%swap3A_358, %swap3A_359], %swap3A_362 {strides = array<i32>} : memref<40x512xf32, #tpu.memory_space<vmem>>, vector<1x16xf32>,
            %get3A_363 = arith.index_cast %scan3A_88 : i32 to index
            %get3A_364 = arith.constant 368 : index
            %get3A_365 = tpu.vector_load %arg8[%get3A_363, %get3A_364] {strides = array<i32>} : memref<40x512xf32, #tpu.memory_space<vmem>>, vector<1x16xf32>,
            %get3A_366 = vector.shape_cast %get3A_365 : vector<1x16xf32> to vector<16xf32>
            %mul3A_367 = arith.constant 22.6274166 : f32
            %mul3A_368 = vector.broadcast %mul3A_367 : f32 to vector<16xf32>
            %mul3A_369 = arith.mulf %get3A_366, %mul3A_368 : vector<16xf32>
            %swap3A_370 = arith.index_cast %scan3A_88 : i32 to index
            %swap3A_371 = arith.constant 368 : index
            %swap3A_372 = tpu.vector_load %arg8[%swap3A_370, %swap3A_371] {strides = array<i32>} : memref<40x512xf32, #tpu.memory_space<vmem>>, vector<1x16xf32>,
            %swap3A_373 = vector.shape_cast %swap3A_372 : vector<1x16xf32> to vector<16xf32>
            %swap3A_374 = vector.shape_cast %mul3A_369 : vector<16xf32> to vector<1x16xf32>
            tpu.vector_store %arg8[%swap3A_370, %swap3A_371], %swap3A_374 {strides = array<i32>} : memref<40x512xf32, #tpu.memory_space<vmem>>, vector<1x16xf32>,
            %get3A_375 = arith.index_cast %scan3A_88 : i32 to index
            %get3A_376 = arith.constant 384 : index
            %get3A_377 = tpu.vector_load %arg8[%get3A_375, %get3A_376] {strides = array<i32>} : memref<40x512xf32, #tpu.memory_space<vmem>>, vector<1x16xf32>,
            %get3A_378 = vector.shape_cast %get3A_377 : vector<1x16xf32> to vector<16xf32>
            %mul3A_379 = arith.constant 22.6274166 : f32
            %mul3A_380 = vector.broadcast %mul3A_379 : f32 to vector<16xf32>
            %mul3A_381 = arith.mulf %get3A_378, %mul3A_380 : vector<16xf32>
            %swap3A_382 = arith.index_cast %scan3A_88 : i32 to index
            %swap3A_383 = arith.constant 384 : index
            %swap3A_384 = tpu.vector_load %arg8[%swap3A_382, %swap3A_383] {strides = array<i32>} : memref<40x512xf32, #tpu.memory_space<vmem>>, vector<1x16xf32>,
            %swap3A_385 = vector.shape_cast %swap3A_384 : vector<1x16xf32> to vector<16xf32>
            %swap3A_386 = vector.shape_cast %mul3A_381 : vector<16xf32> to vector<1x16xf32>
            tpu.vector_store %arg8[%swap3A_382, %swap3A_383], %swap3A_386 {strides = array<i32>} : memref<40x512xf32, #tpu.memory_space<vmem>>, vector<1x16xf32>,
            %get3A_387 = arith.index_cast %scan3A_88 : i32 to index
            %get3A_388 = arith.constant 400 : index
            %get3A_389 = tpu.vector_load %arg8[%get3A_387, %get3A_388] {strides = array<i32>} : memref<40x512xf32, #tpu.memory_space<vmem>>, vector<1x16xf32>,
            %get3A_390 = vector.shape_cast %get3A_389 : vector<1x16xf32> to vector<16xf32>
            %mul3A_391 = arith.constant 22.6274166 : f32
            %mul3A_392 = vector.broadcast %mul3A_391 : f32 to vector<16xf32>
            %mul3A_393 = arith.mulf %get3A_390, %mul3A_392 : vector<16xf32>
            %swap3A_394 = arith.index_cast %scan3A_88 : i32 to index
            %swap3A_395 = arith.constant 400 : index
            %swap3A_396 = tpu.vector_load %arg8[%swap3A_394, %swap3A_395] {strides = array<i32>} : memref<40x512xf32, #tpu.memory_space<vmem>>, vector<1x16xf32>,
            %swap3A_397 = vector.shape_cast %swap3A_396 : vector<1x16xf32> to vector<16xf32>
            %swap3A_398 = vector.shape_cast %mul3A_393 : vector<16xf32> to vector<1x16xf32>
            tpu.vector_store %arg8[%swap3A_394, %swap3A_395], %swap3A_398 {strides = array<i32>} : memref<40x512xf32, #tpu.memory_space<vmem>>, vector<1x16xf32>,
            %get3A_399 = arith.index_cast %scan3A_88 : i32 to index
            %get3A_400 = arith.constant 416 : index
            %get3A_401 = tpu.vector_load %arg8[%get3A_399, %get3A_400] {strides = array<i32>} : memref<40x512xf32, #tpu.memory_space<vmem>>, vector<1x16xf32>,
            %get3A_402 = vector.shape_cast %get3A_401 : vector<1x16xf32> to vector<16xf32>
            %mul3A_403 = arith.constant 22.6274166 : f32
            %mul3A_404 = vector.broadcast %mul3A_403 : f32 to vector<16xf32>
            %mul3A_405 = arith.mulf %get3A_402, %mul3A_404 : vector<16xf32>
            %swap3A_406 = arith.index_cast %scan3A_88 : i32 to index
            %swap3A_407 = arith.constant 416 : index
            %swap3A_408 = tpu.vector_load %arg8[%swap3A_406, %swap3A_407] {strides = array<i32>} : memref<40x512xf32, #tpu.memory_space<vmem>>, vector<1x16xf32>,
            %swap3A_409 = vector.shape_cast %swap3A_408 : vector<1x16xf32> to vector<16xf32>
            %swap3A_410 = vector.shape_cast %mul3A_405 : vector<16xf32> to vector<1x16xf32>
            tpu.vector_store %arg8[%swap3A_406, %swap3A_407], %swap3A_410 {strides = array<i32>} : memref<40x512xf32, #tpu.memory_space<vmem>>, vector<1x16xf32>,
            %get3A_411 = arith.index_cast %scan3A_88 : i32 to index
            %get3A_412 = arith.constant 432 : index
            %get3A_413 = tpu.vector_load %arg8[%get3A_411, %get3A_412] {strides = array<i32>} : memref<40x512xf32, #tpu.memory_space<vmem>>, vector<1x16xf32>,
            %get3A_414 = vector.shape_cast %get3A_413 : vector<1x16xf32> to vector<16xf32>
            %mul3A_415 = arith.constant 22.6274166 : f32
            %mul3A_416 = vector.broadcast %mul3A_415 : f32 to vector<16xf32>
            %mul3A_417 = arith.mulf %get3A_414, %mul3A_416 : vector<16xf32>
            %swap3A_418 = arith.index_cast %scan3A_88 : i32 to index
            %swap3A_419 = arith.constant 432 : index
            %swap3A_420 = tpu.vector_load %arg8[%swap3A_418, %swap3A_419] {strides = array<i32>} : memref<40x512xf32, #tpu.memory_space<vmem>>, vector<1x16xf32>,
            %swap3A_421 = vector.shape_cast %swap3A_420 : vector<1x16xf32> to vector<16xf32>
            %swap3A_422 = vector.shape_cast %mul3A_417 : vector<16xf32> to vector<1x16xf32>
            tpu.vector_store %arg8[%swap3A_418, %swap3A_419], %swap3A_422 {strides = array<i32>} : memref<40x512xf32, #tpu.memory_space<vmem>>, vector<1x16xf32>,
            %get3A_423 = arith.index_cast %scan3A_88 : i32 to index
            %get3A_424 = arith.constant 448 : index
            %get3A_425 = tpu.vector_load %arg8[%get3A_423, %get3A_424] {strides = array<i32>} : memref<40x512xf32, #tpu.memory_space<vmem>>, vector<1x16xf32>,
            %get3A_426 = vector.shape_cast %get3A_425 : vector<1x16xf32> to vector<16xf32>
            %mul3A_427 = arith.constant 22.6274166 : f32
            %mul3A_428 = vector.broadcast %mul3A_427 : f32 to vector<16xf32>
            %mul3A_429 = arith.mulf %get3A_426, %mul3A_428 : vector<16xf32>
            %swap3A_430 = arith.index_cast %scan3A_88 : i32 to index
            %swap3A_431 = arith.constant 448 : index
            %swap3A_432 = tpu.vector_load %arg8[%swap3A_430, %swap3A_431] {strides = array<i32>} : memref<40x512xf32, #tpu.memory_space<vmem>>, vector<1x16xf32>,
            %swap3A_433 = vector.shape_cast %swap3A_432 : vector<1x16xf32> to vector<16xf32>
            %swap3A_434 = vector.shape_cast %mul3A_429 : vector<16xf32> to vector<1x16xf32>
            tpu.vector_store %arg8[%swap3A_430, %swap3A_431], %swap3A_434 {strides = array<i32>} : memref<40x512xf32, #tpu.memory_space<vmem>>, vector<1x16xf32>,
            %get3A_435 = arith.index_cast %scan3A_88 : i32 to index
            %get3A_436 = arith.constant 464 : index
            %get3A_437 = tpu.vector_load %arg8[%get3A_435, %get3A_436] {strides = array<i32>} : memref<40x512xf32, #tpu.memory_space<vmem>>, vector<1x16xf32>,
            %get3A_438 = vector.shape_cast %get3A_437 : vector<1x16xf32> to vector<16xf32>
            %mul3A_439 = arith.constant 22.6274166 : f32
            %mul3A_440 = vector.broadcast %mul3A_439 : f32 to vector<16xf32>
            %mul3A_441 = arith.mulf %get3A_438, %mul3A_440 : vector<16xf32>
            %swap3A_442 = arith.index_cast %scan3A_88 : i32 to index
            %swap3A_443 = arith.constant 464 : index
            %swap3A_444 = tpu.vector_load %arg8[%swap3A_442, %swap3A_443] {strides = array<i32>} : memref<40x512xf32, #tpu.memory_space<vmem>>, vector<1x16xf32>,
            %swap3A_445 = vector.shape_cast %swap3A_444 : vector<1x16xf32> to vector<16xf32>
            %swap3A_446 = vector.shape_cast %mul3A_441 : vector<16xf32> to vector<1x16xf32>
            tpu.vector_store %arg8[%swap3A_442, %swap3A_443], %swap3A_446 {strides = array<i32>} : memref<40x512xf32, #tpu.memory_space<vmem>>, vector<1x16xf32>,
            %get3A_447 = arith.index_cast %scan3A_88 : i32 to index
            %get3A_448 = arith.constant 480 : index
            %get3A_449 = tpu.vector_load %arg8[%get3A_447, %get3A_448] {strides = array<i32>} : memref<40x512xf32, #tpu.memory_space<vmem>>, vector<1x16xf32>,
            %get3A_450 = vector.shape_cast %get3A_449 : vector<1x16xf32> to vector<16xf32>
            %mul3A_451 = arith.constant 22.6274166 : f32
            %mul3A_452 = vector.broadcast %mul3A_451 : f32 to vector<16xf32>
            %mul3A_453 = arith.mulf %get3A_450, %mul3A_452 : vector<16xf32>
            %swap3A_454 = arith.index_cast %scan3A_88 : i32 to index
            %swap3A_455 = arith.constant 480 : index
            %swap3A_456 = tpu.vector_load %arg8[%swap3A_454, %swap3A_455] {strides = array<i32>} : memref<40x512xf32, #tpu.memory_space<vmem>>, vector<1x16xf32>,
            %swap3A_457 = vector.shape_cast %swap3A_456 : vector<1x16xf32> to vector<16xf32>
            %swap3A_458 = vector.shape_cast %mul3A_453 : vector<16xf32> to vector<1x16xf32>
            tpu.vector_store %arg8[%swap3A_454, %swap3A_455], %swap3A_458 {strides = array<i32>} : memref<40x512xf32, #tpu.memory_space<vmem>>, vector<1x16xf32>,
            %get3A_459 = arith.index_cast %scan3A_88 : i32 to index
            %get3A_460 = arith.constant 496 : index
            %get3A_461 = tpu.vector_load %arg8[%get3A_459, %get3A_460] {strides = array<i32>} : memref<40x512xf32, #tpu.memory_space<vmem>>, vector<1x16xf32>,
            %get3A_462 = vector.shape_cast %get3A_461 : vector<1x16xf32> to vector<16xf32>
            %mul3A_463 = arith.constant 22.6274166 : f32
            %mul3A_464 = vector.broadcast %mul3A_463 : f32 to vector<16xf32>
            %mul3A_465 = arith.mulf %get3A_462, %mul3A_464 : vector<16xf32>
            %swap3A_466 = arith.index_cast %scan3A_88 : i32 to index
            %swap3A_467 = arith.constant 496 : index
            %swap3A_468 = tpu.vector_load %arg8[%swap3A_466, %swap3A_467] {strides = array<i32>} : memref<40x512xf32, #tpu.memory_space<vmem>>, vector<1x16xf32>,
            %swap3A_469 = vector.shape_cast %swap3A_468 : vector<1x16xf32> to vector<16xf32>
            %swap3A_470 = vector.shape_cast %mul3A_465 : vector<16xf32> to vector<1x16xf32>
            tpu.vector_store %arg8[%swap3A_466, %swap3A_467], %swap3A_470 {strides = array<i32>} : memref<40x512xf32, #tpu.memory_space<vmem>>, vector<1x16xf32>,
          }
          %scan3A_81 = arith.constant 40 : i32
          %mul3A_82 = arith.constant 40 : i32
          %mul3A_83 = arith.muli %sub3A_44, %mul3A_82 : i32
          %add3A_84 = arith.addi %mul3A_2, %mul3A_83 : i32
          %dma_start3A = arith.constant 0 : i32
          %dma_start3A_85 = tpu.memref_slice %arg4[%add3A_84, %dma_start3A] : memref<819200x512xf32, #tpu.memory_space<hbm>> -> memref<40x512xf32, #tpu.memory_space<hbm>>
          %dma_start3A_86 = arith.constant 0 : i32
          %dma_start3A_87 = tpu.memref_slice %arg4[%add3A_84, %dma_start3A_86] : memref<819200x512xf32, #tpu.memory_space<hbm>> -> memref<40x512xf32, #tpu.memory_space<hbm>>
          tpu.enqueue_dma source(%arg8 : memref<40x512xf32, #tpu.memory_space<vmem>>) target(%dma_start3A_87 : memref<40x512xf32, #tpu.memory_space<hbm>>) target_semaphore(%arg18 : memref<!tpu.dma_semaphore, #tpu.memory_space<semaphore_mem>>)
        } else {
        }
        %eq3A_60 = arith.constant 3 : i32
        %eq3A_61 = arith.cmpi eq, %rem3A_45, %eq3A_60 : i32
        %convert_element_type3A_62 = arith.extui %eq3A_61 : i1 to i32
        %cond3A_63 = arith.constant 0 : i32
        %cond3A_64 = arith.cmpi ne, %convert_element_type3A_62, %cond3A_63 : i32
        scf.if %cond3A_64 {
          %mul3A_70 = arith.constant 40 : i32
          %mul3A_71 = arith.muli %sub3A_44, %mul3A_70 : i32
          %dma_wait3A_72 = tpu.memref_slice %arg5[%mul3A_71] : memref<25600xi32, #tpu.memory_space<vmem>> -> memref<40xi32, #tpu.memory_space<vmem>>
          %dma_wait3A_73 = arith.constant 0 : i32
          %dma_wait3A_74 = arith.constant 0 : i32
          %dma_wait3A_75 = tpu.memref_slice %arg2[%dma_wait3A_73, %dma_wait3A_74] : memref<100000x512xf32, #tpu.memory_space<hbm>> -> memref<100000x512xf32, #tpu.memory_space<hbm>>
          tpu.wait_indirect_dma semaphore(%arg14 : memref<!tpu.dma_semaphore, #tpu.memory_space<semaphore_mem>>) src(%dma_wait3A_75 : memref<100000x512xf32, #tpu.memory_space<hbm>>) dst(%arg9 : memref<40x512xf32, #tpu.memory_space<vmem>>)
          %scan3A_76 = arith.constant 0 : i32
          %scan3A_77 = arith.constant 0 : i32
          %scan3A_78 = arith.constant 40 : i32
          %scan3A_79 = arith.addi %scan3A_77, %scan3A_78 : i32
          %scan3A_80 = arith.constant 1 : i32
          scf.for %scan3A_88 = %scan3A_77 to %scan3A_79 step %scan3A_80  : i32 {
            %get3A = arith.index_cast %scan3A_88 : i32 to index
            %get3A_89 = arith.constant 0 : index
            %get3A_90 = tpu.vector_load %arg9[%get3A, %get3A_89] {strides = array<i32>} : memref<40x512xf32, #tpu.memory_space<vmem>>, vector<1x16xf32>,
            %get3A_91 = vector.shape_cast %get3A_90 : vector<1x16xf32> to vector<16xf32>
            %mul3A_92 = arith.constant 22.6274166 : f32
            %mul3A_93 = vector.broadcast %mul3A_92 : f32 to vector<16xf32>
            %mul3A_94 = arith.mulf %get3A_91, %mul3A_93 : vector<16xf32>
            %swap3A = arith.index_cast %scan3A_88 : i32 to index
            %swap3A_95 = arith.constant 0 : index
            %swap3A_96 = tpu.vector_load %arg9[%swap3A, %swap3A_95] {strides = array<i32>} : memref<40x512xf32, #tpu.memory_space<vmem>>, vector<1x16xf32>,
            %swap3A_97 = vector.shape_cast %swap3A_96 : vector<1x16xf32> to vector<16xf32>
            %swap3A_98 = vector.shape_cast %mul3A_94 : vector<16xf32> to vector<1x16xf32>
            tpu.vector_store %arg9[%swap3A, %swap3A_95], %swap3A_98 {strides = array<i32>} : memref<40x512xf32, #tpu.memory_space<vmem>>, vector<1x16xf32>,
            %get3A_99 = arith.index_cast %scan3A_88 : i32 to index
            %get3A_100 = arith.constant 16 : index
            %get3A_101 = tpu.vector_load %arg9[%get3A_99, %get3A_100] {strides = array<i32>} : memref<40x512xf32, #tpu.memory_space<vmem>>, vector<1x16xf32>,
            %get3A_102 = vector.shape_cast %get3A_101 : vector<1x16xf32> to vector<16xf32>
            %mul3A_103 = arith.constant 22.6274166 : f32
            %mul3A_104 = vector.broadcast %mul3A_103 : f32 to vector<16xf32>
            %mul3A_105 = arith.mulf %get3A_102, %mul3A_104 : vector<16xf32>
            %swap3A_106 = arith.index_cast %scan3A_88 : i32 to index
            %swap3A_107 = arith.constant 16 : index
            %swap3A_108 = tpu.vector_load %arg9[%swap3A_106, %swap3A_107] {strides = array<i32>} : memref<40x512xf32, #tpu.memory_space<vmem>>, vector<1x16xf32>,
            %swap3A_109 = vector.shape_cast %swap3A_108 : vector<1x16xf32> to vector<16xf32>
            %swap3A_110 = vector.shape_cast %mul3A_105 : vector<16xf32> to vector<1x16xf32>
            tpu.vector_store %arg9[%swap3A_106, %swap3A_107], %swap3A_110 {strides = array<i32>} : memref<40x512xf32, #tpu.memory_space<vmem>>, vector<1x16xf32>,
            %get3A_111 = arith.index_cast %scan3A_88 : i32 to index
            %get3A_112 = arith.constant 32 : index
            %get3A_113 = tpu.vector_load %arg9[%get3A_111, %get3A_112] {strides = array<i32>} : memref<40x512xf32, #tpu.memory_space<vmem>>, vector<1x16xf32>,
            %get3A_114 = vector.shape_cast %get3A_113 : vector<1x16xf32> to vector<16xf32>
            %mul3A_115 = arith.constant 22.6274166 : f32
            %mul3A_116 = vector.broadcast %mul3A_115 : f32 to vector<16xf32>
            %mul3A_117 = arith.mulf %get3A_114, %mul3A_116 : vector<16xf32>
            %swap3A_118 = arith.index_cast %scan3A_88 : i32 to index
            %swap3A_119 = arith.constant 32 : index
            %swap3A_120 = tpu.vector_load %arg9[%swap3A_118, %swap3A_119] {strides = array<i32>} : memref<40x512xf32, #tpu.memory_space<vmem>>, vector<1x16xf32>,
            %swap3A_121 = vector.shape_cast %swap3A_120 : vector<1x16xf32> to vector<16xf32>
            %swap3A_122 = vector.shape_cast %mul3A_117 : vector<16xf32> to vector<1x16xf32>
            tpu.vector_store %arg9[%swap3A_118, %swap3A_119], %swap3A_122 {strides = array<i32>} : memref<40x512xf32, #tpu.memory_space<vmem>>, vector<1x16xf32>,
            %get3A_123 = arith.index_cast %scan3A_88 : i32 to index
            %get3A_124 = arith.constant 48 : index
            %get3A_125 = tpu.vector_load %arg9[%get3A_123, %get3A_124] {strides = array<i32>} : memref<40x512xf32, #tpu.memory_space<vmem>>, vector<1x16xf32>,
            %get3A_126 = vector.shape_cast %get3A_125 : vector<1x16xf32> to vector<16xf32>
            %mul3A_127 = arith.constant 22.6274166 : f32
            %mul3A_128 = vector.broadcast %mul3A_127 : f32 to vector<16xf32>
            %mul3A_129 = arith.mulf %get3A_126, %mul3A_128 : vector<16xf32>
            %swap3A_130 = arith.index_cast %scan3A_88 : i32 to index
            %swap3A_131 = arith.constant 48 : index
            %swap3A_132 = tpu.vector_load %arg9[%swap3A_130, %swap3A_131] {strides = array<i32>} : memref<40x512xf32, #tpu.memory_space<vmem>>, vector<1x16xf32>,
            %swap3A_133 = vector.shape_cast %swap3A_132 : vector<1x16xf32> to vector<16xf32>
            %swap3A_134 = vector.shape_cast %mul3A_129 : vector<16xf32> to vector<1x16xf32>
            tpu.vector_store %arg9[%swap3A_130, %swap3A_131], %swap3A_134 {strides = array<i32>} : memref<40x512xf32, #tpu.memory_space<vmem>>, vector<1x16xf32>,
            %get3A_135 = arith.index_cast %scan3A_88 : i32 to index
            %get3A_136 = arith.constant 64 : index
            %get3A_137 = tpu.vector_load %arg9[%get3A_135, %get3A_136] {strides = array<i32>} : memref<40x512xf32, #tpu.memory_space<vmem>>, vector<1x16xf32>,
            %get3A_138 = vector.shape_cast %get3A_137 : vector<1x16xf32> to vector<16xf32>
            %mul3A_139 = arith.constant 22.6274166 : f32
            %mul3A_140 = vector.broadcast %mul3A_139 : f32 to vector<16xf32>
            %mul3A_141 = arith.mulf %get3A_138, %mul3A_140 : vector<16xf32>
            %swap3A_142 = arith.index_cast %scan3A_88 : i32 to index
            %swap3A_143 = arith.constant 64 : index
            %swap3A_144 = tpu.vector_load %arg9[%swap3A_142, %swap3A_143] {strides = array<i32>} : memref<40x512xf32, #tpu.memory_space<vmem>>, vector<1x16xf32>,
            %swap3A_145 = vector.shape_cast %swap3A_144 : vector<1x16xf32> to vector<16xf32>
            %swap3A_146 = vector.shape_cast %mul3A_141 : vector<16xf32> to vector<1x16xf32>
            tpu.vector_store %arg9[%swap3A_142, %swap3A_143], %swap3A_146 {strides = array<i32>} : memref<40x512xf32, #tpu.memory_space<vmem>>, vector<1x16xf32>,
            %get3A_147 = arith.index_cast %scan3A_88 : i32 to index
            %get3A_148 = arith.constant 80 : index
            %get3A_149 = tpu.vector_load %arg9[%get3A_147, %get3A_148] {strides = array<i32>} : memref<40x512xf32, #tpu.memory_space<vmem>>, vector<1x16xf32>,
            %get3A_150 = vector.shape_cast %get3A_149 : vector<1x16xf32> to vector<16xf32>
            %mul3A_151 = arith.constant 22.6274166 : f32
            %mul3A_152 = vector.broadcast %mul3A_151 : f32 to vector<16xf32>
            %mul3A_153 = arith.mulf %get3A_150, %mul3A_152 : vector<16xf32>
            %swap3A_154 = arith.index_cast %scan3A_88 : i32 to index
            %swap3A_155 = arith.constant 80 : index
            %swap3A_156 = tpu.vector_load %arg9[%swap3A_154, %swap3A_155] {strides = array<i32>} : memref<40x512xf32, #tpu.memory_space<vmem>>, vector<1x16xf32>,
            %swap3A_157 = vector.shape_cast %swap3A_156 : vector<1x16xf32> to vector<16xf32>
            %swap3A_158 = vector.shape_cast %mul3A_153 : vector<16xf32> to vector<1x16xf32>
            tpu.vector_store %arg9[%swap3A_154, %swap3A_155], %swap3A_158 {strides = array<i32>} : memref<40x512xf32, #tpu.memory_space<vmem>>, vector<1x16xf32>,
            %get3A_159 = arith.index_cast %scan3A_88 : i32 to index
            %get3A_160 = arith.constant 96 : index
            %get3A_161 = tpu.vector_load %arg9[%get3A_159, %get3A_160] {strides = array<i32>} : memref<40x512xf32, #tpu.memory_space<vmem>>, vector<1x16xf32>,
            %get3A_162 = vector.shape_cast %get3A_161 : vector<1x16xf32> to vector<16xf32>
            %mul3A_163 = arith.constant 22.6274166 : f32
            %mul3A_164 = vector.broadcast %mul3A_163 : f32 to vector<16xf32>
            %mul3A_165 = arith.mulf %get3A_162, %mul3A_164 : vector<16xf32>
            %swap3A_166 = arith.index_cast %scan3A_88 : i32 to index
            %swap3A_167 = arith.constant 96 : index
            %swap3A_168 = tpu.vector_load %arg9[%swap3A_166, %swap3A_167] {strides = array<i32>} : memref<40x512xf32, #tpu.memory_space<vmem>>, vector<1x16xf32>,
            %swap3A_169 = vector.shape_cast %swap3A_168 : vector<1x16xf32> to vector<16xf32>
            %swap3A_170 = vector.shape_cast %mul3A_165 : vector<16xf32> to vector<1x16xf32>
            tpu.vector_store %arg9[%swap3A_166, %swap3A_167], %swap3A_170 {strides = array<i32>} : memref<40x512xf32, #tpu.memory_space<vmem>>, vector<1x16xf32>,
            %get3A_171 = arith.index_cast %scan3A_88 : i32 to index
            %get3A_172 = arith.constant 112 : index
            %get3A_173 = tpu.vector_load %arg9[%get3A_171, %get3A_172] {strides = array<i32>} : memref<40x512xf32, #tpu.memory_space<vmem>>, vector<1x16xf32>,
            %get3A_174 = vector.shape_cast %get3A_173 : vector<1x16xf32> to vector<16xf32>
            %mul3A_175 = arith.constant 22.6274166 : f32
            %mul3A_176 = vector.broadcast %mul3A_175 : f32 to vector<16xf32>
            %mul3A_177 = arith.mulf %get3A_174, %mul3A_176 : vector<16xf32>
            %swap3A_178 = arith.index_cast %scan3A_88 : i32 to index
            %swap3A_179 = arith.constant 112 : index
            %swap3A_180 = tpu.vector_load %arg9[%swap3A_178, %swap3A_179] {strides = array<i32>} : memref<40x512xf32, #tpu.memory_space<vmem>>, vector<1x16xf32>,
            %swap3A_181 = vector.shape_cast %swap3A_180 : vector<1x16xf32> to vector<16xf32>
            %swap3A_182 = vector.shape_cast %mul3A_177 : vector<16xf32> to vector<1x16xf32>
            tpu.vector_store %arg9[%swap3A_178, %swap3A_179], %swap3A_182 {strides = array<i32>} : memref<40x512xf32, #tpu.memory_space<vmem>>, vector<1x16xf32>,
            %get3A_183 = arith.index_cast %scan3A_88 : i32 to index
            %get3A_184 = arith.constant 128 : index
            %get3A_185 = tpu.vector_load %arg9[%get3A_183, %get3A_184] {strides = array<i32>} : memref<40x512xf32, #tpu.memory_space<vmem>>, vector<1x16xf32>,
            %get3A_186 = vector.shape_cast %get3A_185 : vector<1x16xf32> to vector<16xf32>
            %mul3A_187 = arith.constant 22.6274166 : f32
            %mul3A_188 = vector.broadcast %mul3A_187 : f32 to vector<16xf32>
            %mul3A_189 = arith.mulf %get3A_186, %mul3A_188 : vector<16xf32>
            %swap3A_190 = arith.index_cast %scan3A_88 : i32 to index
            %swap3A_191 = arith.constant 128 : index
            %swap3A_192 = tpu.vector_load %arg9[%swap3A_190, %swap3A_191] {strides = array<i32>} : memref<40x512xf32, #tpu.memory_space<vmem>>, vector<1x16xf32>,
            %swap3A_193 = vector.shape_cast %swap3A_192 : vector<1x16xf32> to vector<16xf32>
            %swap3A_194 = vector.shape_cast %mul3A_189 : vector<16xf32> to vector<1x16xf32>
            tpu.vector_store %arg9[%swap3A_190, %swap3A_191], %swap3A_194 {strides = array<i32>} : memref<40x512xf32, #tpu.memory_space<vmem>>, vector<1x16xf32>,
            %get3A_195 = arith.index_cast %scan3A_88 : i32 to index
            %get3A_196 = arith.constant 144 : index
            %get3A_197 = tpu.vector_load %arg9[%get3A_195, %get3A_196] {strides = array<i32>} : memref<40x512xf32, #tpu.memory_space<vmem>>, vector<1x16xf32>,
            %get3A_198 = vector.shape_cast %get3A_197 : vector<1x16xf32> to vector<16xf32>
            %mul3A_199 = arith.constant 22.6274166 : f32
            %mul3A_200 = vector.broadcast %mul3A_199 : f32 to vector<16xf32>
            %mul3A_201 = arith.mulf %get3A_198, %mul3A_200 : vector<16xf32>
            %swap3A_202 = arith.index_cast %scan3A_88 : i32 to index
            %swap3A_203 = arith.constant 144 : index
            %swap3A_204 = tpu.vector_load %arg9[%swap3A_202, %swap3A_203] {strides = array<i32>} : memref<40x512xf32, #tpu.memory_space<vmem>>, vector<1x16xf32>,
            %swap3A_205 = vector.shape_cast %swap3A_204 : vector<1x16xf32> to vector<16xf32>
            %swap3A_206 = vector.shape_cast %mul3A_201 : vector<16xf32> to vector<1x16xf32>
            tpu.vector_store %arg9[%swap3A_202, %swap3A_203], %swap3A_206 {strides = array<i32>} : memref<40x512xf32, #tpu.memory_space<vmem>>, vector<1x16xf32>,
            %get3A_207 = arith.index_cast %scan3A_88 : i32 to index
            %get3A_208 = arith.constant 160 : index
            %get3A_209 = tpu.vector_load %arg9[%get3A_207, %get3A_208] {strides = array<i32>} : memref<40x512xf32, #tpu.memory_space<vmem>>, vector<1x16xf32>,
            %get3A_210 = vector.shape_cast %get3A_209 : vector<1x16xf32> to vector<16xf32>
            %mul3A_211 = arith.constant 22.6274166 : f32
            %mul3A_212 = vector.broadcast %mul3A_211 : f32 to vector<16xf32>
            %mul3A_213 = arith.mulf %get3A_210, %mul3A_212 : vector<16xf32>
            %swap3A_214 = arith.index_cast %scan3A_88 : i32 to index
            %swap3A_215 = arith.constant 160 : index
            %swap3A_216 = tpu.vector_load %arg9[%swap3A_214, %swap3A_215] {strides = array<i32>} : memref<40x512xf32, #tpu.memory_space<vmem>>, vector<1x16xf32>,
            %swap3A_217 = vector.shape_cast %swap3A_216 : vector<1x16xf32> to vector<16xf32>
            %swap3A_218 = vector.shape_cast %mul3A_213 : vector<16xf32> to vector<1x16xf32>
            tpu.vector_store %arg9[%swap3A_214, %swap3A_215], %swap3A_218 {strides = array<i32>} : memref<40x512xf32, #tpu.memory_space<vmem>>, vector<1x16xf32>,
            %get3A_219 = arith.index_cast %scan3A_88 : i32 to index
            %get3A_220 = arith.constant 176 : index
            %get3A_221 = tpu.vector_load %arg9[%get3A_219, %get3A_220] {strides = array<i32>} : memref<40x512xf32, #tpu.memory_space<vmem>>, vector<1x16xf32>,
            %get3A_222 = vector.shape_cast %get3A_221 : vector<1x16xf32> to vector<16xf32>
            %mul3A_223 = arith.constant 22.6274166 : f32
            %mul3A_224 = vector.broadcast %mul3A_223 : f32 to vector<16xf32>
            %mul3A_225 = arith.mulf %get3A_222, %mul3A_224 : vector<16xf32>
            %swap3A_226 = arith.index_cast %scan3A_88 : i32 to index
            %swap3A_227 = arith.constant 176 : index
            %swap3A_228 = tpu.vector_load %arg9[%swap3A_226, %swap3A_227] {strides = array<i32>} : memref<40x512xf32, #tpu.memory_space<vmem>>, vector<1x16xf32>,
            %swap3A_229 = vector.shape_cast %swap3A_228 : vector<1x16xf32> to vector<16xf32>
            %swap3A_230 = vector.shape_cast %mul3A_225 : vector<16xf32> to vector<1x16xf32>
            tpu.vector_store %arg9[%swap3A_226, %swap3A_227], %swap3A_230 {strides = array<i32>} : memref<40x512xf32, #tpu.memory_space<vmem>>, vector<1x16xf32>,
            %get3A_231 = arith.index_cast %scan3A_88 : i32 to index
            %get3A_232 = arith.constant 192 : index
            %get3A_233 = tpu.vector_load %arg9[%get3A_231, %get3A_232] {strides = array<i32>} : memref<40x512xf32, #tpu.memory_space<vmem>>, vector<1x16xf32>,
            %get3A_234 = vector.shape_cast %get3A_233 : vector<1x16xf32> to vector<16xf32>
            %mul3A_235 = arith.constant 22.6274166 : f32
            %mul3A_236 = vector.broadcast %mul3A_235 : f32 to vector<16xf32>
            %mul3A_237 = arith.mulf %get3A_234, %mul3A_236 : vector<16xf32>
            %swap3A_238 = arith.index_cast %scan3A_88 : i32 to index
            %swap3A_239 = arith.constant 192 : index
            %swap3A_240 = tpu.vector_load %arg9[%swap3A_238, %swap3A_239] {strides = array<i32>} : memref<40x512xf32, #tpu.memory_space<vmem>>, vector<1x16xf32>,
            %swap3A_241 = vector.shape_cast %swap3A_240 : vector<1x16xf32> to vector<16xf32>
            %swap3A_242 = vector.shape_cast %mul3A_237 : vector<16xf32> to vector<1x16xf32>
            tpu.vector_store %arg9[%swap3A_238, %swap3A_239], %swap3A_242 {strides = array<i32>} : memref<40x512xf32, #tpu.memory_space<vmem>>, vector<1x16xf32>,
            %get3A_243 = arith.index_cast %scan3A_88 : i32 to index
            %get3A_244 = arith.constant 208 : index
            %get3A_245 = tpu.vector_load %arg9[%get3A_243, %get3A_244] {strides = array<i32>} : memref<40x512xf32, #tpu.memory_space<vmem>>, vector<1x16xf32>,
            %get3A_246 = vector.shape_cast %get3A_245 : vector<1x16xf32> to vector<16xf32>
            %mul3A_247 = arith.constant 22.6274166 : f32
            %mul3A_248 = vector.broadcast %mul3A_247 : f32 to vector<16xf32>
            %mul3A_249 = arith.mulf %get3A_246, %mul3A_248 : vector<16xf32>
            %swap3A_250 = arith.index_cast %scan3A_88 : i32 to index
            %swap3A_251 = arith.constant 208 : index
            %swap3A_252 = tpu.vector_load %arg9[%swap3A_250, %swap3A_251] {strides = array<i32>} : memref<40x512xf32, #tpu.memory_space<vmem>>, vector<1x16xf32>,
            %swap3A_253 = vector.shape_cast %swap3A_252 : vector<1x16xf32> to vector<16xf32>
            %swap3A_254 = vector.shape_cast %mul3A_249 : vector<16xf32> to vector<1x16xf32>
            tpu.vector_store %arg9[%swap3A_250, %swap3A_251], %swap3A_254 {strides = array<i32>} : memref<40x512xf32, #tpu.memory_space<vmem>>, vector<1x16xf32>,
            %get3A_255 = arith.index_cast %scan3A_88 : i32 to index
            %get3A_256 = arith.constant 224 : index
            %get3A_257 = tpu.vector_load %arg9[%get3A_255, %get3A_256] {strides = array<i32>} : memref<40x512xf32, #tpu.memory_space<vmem>>, vector<1x16xf32>,
            %get3A_258 = vector.shape_cast %get3A_257 : vector<1x16xf32> to vector<16xf32>
            %mul3A_259 = arith.constant 22.6274166 : f32
            %mul3A_260 = vector.broadcast %mul3A_259 : f32 to vector<16xf32>
            %mul3A_261 = arith.mulf %get3A_258, %mul3A_260 : vector<16xf32>
            %swap3A_262 = arith.index_cast %scan3A_88 : i32 to index
            %swap3A_263 = arith.constant 224 : index
            %swap3A_264 = tpu.vector_load %arg9[%swap3A_262, %swap3A_263] {strides = array<i32>} : memref<40x512xf32, #tpu.memory_space<vmem>>, vector<1x16xf32>,
            %swap3A_265 = vector.shape_cast %swap3A_264 : vector<1x16xf32> to vector<16xf32>
            %swap3A_266 = vector.shape_cast %mul3A_261 : vector<16xf32> to vector<1x16xf32>
            tpu.vector_store %arg9[%swap3A_262, %swap3A_263], %swap3A_266 {strides = array<i32>} : memref<40x512xf32, #tpu.memory_space<vmem>>, vector<1x16xf32>,
            %get3A_267 = arith.index_cast %scan3A_88 : i32 to index
            %get3A_268 = arith.constant 240 : index
            %get3A_269 = tpu.vector_load %arg9[%get3A_267, %get3A_268] {strides = array<i32>} : memref<40x512xf32, #tpu.memory_space<vmem>>, vector<1x16xf32>,
            %get3A_270 = vector.shape_cast %get3A_269 : vector<1x16xf32> to vector<16xf32>
            %mul3A_271 = arith.constant 22.6274166 : f32
            %mul3A_272 = vector.broadcast %mul3A_271 : f32 to vector<16xf32>
            %mul3A_273 = arith.mulf %get3A_270, %mul3A_272 : vector<16xf32>
            %swap3A_274 = arith.index_cast %scan3A_88 : i32 to index
            %swap3A_275 = arith.constant 240 : index
            %swap3A_276 = tpu.vector_load %arg9[%swap3A_274, %swap3A_275] {strides = array<i32>} : memref<40x512xf32, #tpu.memory_space<vmem>>, vector<1x16xf32>,
            %swap3A_277 = vector.shape_cast %swap3A_276 : vector<1x16xf32> to vector<16xf32>
            %swap3A_278 = vector.shape_cast %mul3A_273 : vector<16xf32> to vector<1x16xf32>
            tpu.vector_store %arg9[%swap3A_274, %swap3A_275], %swap3A_278 {strides = array<i32>} : memref<40x512xf32, #tpu.memory_space<vmem>>, vector<1x16xf32>,
            %get3A_279 = arith.index_cast %scan3A_88 : i32 to index
            %get3A_280 = arith.constant 256 : index
            %get3A_281 = tpu.vector_load %arg9[%get3A_279, %get3A_280] {strides = array<i32>} : memref<40x512xf32, #tpu.memory_space<vmem>>, vector<1x16xf32>,
            %get3A_282 = vector.shape_cast %get3A_281 : vector<1x16xf32> to vector<16xf32>
            %mul3A_283 = arith.constant 22.6274166 : f32
            %mul3A_284 = vector.broadcast %mul3A_283 : f32 to vector<16xf32>
            %mul3A_285 = arith.mulf %get3A_282, %mul3A_284 : vector<16xf32>
            %swap3A_286 = arith.index_cast %scan3A_88 : i32 to index
            %swap3A_287 = arith.constant 256 : index
            %swap3A_288 = tpu.vector_load %arg9[%swap3A_286, %swap3A_287] {strides = array<i32>} : memref<40x512xf32, #tpu.memory_space<vmem>>, vector<1x16xf32>,
            %swap3A_289 = vector.shape_cast %swap3A_288 : vector<1x16xf32> to vector<16xf32>
            %swap3A_290 = vector.shape_cast %mul3A_285 : vector<16xf32> to vector<1x16xf32>
            tpu.vector_store %arg9[%swap3A_286, %swap3A_287], %swap3A_290 {strides = array<i32>} : memref<40x512xf32, #tpu.memory_space<vmem>>, vector<1x16xf32>,
            %get3A_291 = arith.index_cast %scan3A_88 : i32 to index
            %get3A_292 = arith.constant 272 : index
            %get3A_293 = tpu.vector_load %arg9[%get3A_291, %get3A_292] {strides = array<i32>} : memref<40x512xf32, #tpu.memory_space<vmem>>, vector<1x16xf32>,
            %get3A_294 = vector.shape_cast %get3A_293 : vector<1x16xf32> to vector<16xf32>
            %mul3A_295 = arith.constant 22.6274166 : f32
            %mul3A_296 = vector.broadcast %mul3A_295 : f32 to vector<16xf32>
            %mul3A_297 = arith.mulf %get3A_294, %mul3A_296 : vector<16xf32>
            %swap3A_298 = arith.index_cast %scan3A_88 : i32 to index
            %swap3A_299 = arith.constant 272 : index
            %swap3A_300 = tpu.vector_load %arg9[%swap3A_298, %swap3A_299] {strides = array<i32>} : memref<40x512xf32, #tpu.memory_space<vmem>>, vector<1x16xf32>,
            %swap3A_301 = vector.shape_cast %swap3A_300 : vector<1x16xf32> to vector<16xf32>
            %swap3A_302 = vector.shape_cast %mul3A_297 : vector<16xf32> to vector<1x16xf32>
            tpu.vector_store %arg9[%swap3A_298, %swap3A_299], %swap3A_302 {strides = array<i32>} : memref<40x512xf32, #tpu.memory_space<vmem>>, vector<1x16xf32>,
            %get3A_303 = arith.index_cast %scan3A_88 : i32 to index
            %get3A_304 = arith.constant 288 : index
            %get3A_305 = tpu.vector_load %arg9[%get3A_303, %get3A_304] {strides = array<i32>} : memref<40x512xf32, #tpu.memory_space<vmem>>, vector<1x16xf32>,
            %get3A_306 = vector.shape_cast %get3A_305 : vector<1x16xf32> to vector<16xf32>
            %mul3A_307 = arith.constant 22.6274166 : f32
            %mul3A_308 = vector.broadcast %mul3A_307 : f32 to vector<16xf32>
            %mul3A_309 = arith.mulf %get3A_306, %mul3A_308 : vector<16xf32>
            %swap3A_310 = arith.index_cast %scan3A_88 : i32 to index
            %swap3A_311 = arith.constant 288 : index
            %swap3A_312 = tpu.vector_load %arg9[%swap3A_310, %swap3A_311] {strides = array<i32>} : memref<40x512xf32, #tpu.memory_space<vmem>>, vector<1x16xf32>,
            %swap3A_313 = vector.shape_cast %swap3A_312 : vector<1x16xf32> to vector<16xf32>
            %swap3A_314 = vector.shape_cast %mul3A_309 : vector<16xf32> to vector<1x16xf32>
            tpu.vector_store %arg9[%swap3A_310, %swap3A_311], %swap3A_314 {strides = array<i32>} : memref<40x512xf32, #tpu.memory_space<vmem>>, vector<1x16xf32>,
            %get3A_315 = arith.index_cast %scan3A_88 : i32 to index
            %get3A_316 = arith.constant 304 : index
            %get3A_317 = tpu.vector_load %arg9[%get3A_315, %get3A_316] {strides = array<i32>} : memref<40x512xf32, #tpu.memory_space<vmem>>, vector<1x16xf32>,
            %get3A_318 = vector.shape_cast %get3A_317 : vector<1x16xf32> to vector<16xf32>
            %mul3A_319 = arith.constant 22.6274166 : f32
            %mul3A_320 = vector.broadcast %mul3A_319 : f32 to vector<16xf32>
            %mul3A_321 = arith.mulf %get3A_318, %mul3A_320 : vector<16xf32>
            %swap3A_322 = arith.index_cast %scan3A_88 : i32 to index
            %swap3A_323 = arith.constant 304 : index
            %swap3A_324 = tpu.vector_load %arg9[%swap3A_322, %swap3A_323] {strides = array<i32>} : memref<40x512xf32, #tpu.memory_space<vmem>>, vector<1x16xf32>,
            %swap3A_325 = vector.shape_cast %swap3A_324 : vector<1x16xf32> to vector<16xf32>
            %swap3A_326 = vector.shape_cast %mul3A_321 : vector<16xf32> to vector<1x16xf32>
            tpu.vector_store %arg9[%swap3A_322, %swap3A_323], %swap3A_326 {strides = array<i32>} : memref<40x512xf32, #tpu.memory_space<vmem>>, vector<1x16xf32>,
            %get3A_327 = arith.index_cast %scan3A_88 : i32 to index
            %get3A_328 = arith.constant 320 : index
            %get3A_329 = tpu.vector_load %arg9[%get3A_327, %get3A_328] {strides = array<i32>} : memref<40x512xf32, #tpu.memory_space<vmem>>, vector<1x16xf32>,
            %get3A_330 = vector.shape_cast %get3A_329 : vector<1x16xf32> to vector<16xf32>
            %mul3A_331 = arith.constant 22.6274166 : f32
            %mul3A_332 = vector.broadcast %mul3A_331 : f32 to vector<16xf32>
            %mul3A_333 = arith.mulf %get3A_330, %mul3A_332 : vector<16xf32>
            %swap3A_334 = arith.index_cast %scan3A_88 : i32 to index
            %swap3A_335 = arith.constant 320 : index
            %swap3A_336 = tpu.vector_load %arg9[%swap3A_334, %swap3A_335] {strides = array<i32>} : memref<40x512xf32, #tpu.memory_space<vmem>>, vector<1x16xf32>,
            %swap3A_337 = vector.shape_cast %swap3A_336 : vector<1x16xf32> to vector<16xf32>
            %swap3A_338 = vector.shape_cast %mul3A_333 : vector<16xf32> to vector<1x16xf32>
            tpu.vector_store %arg9[%swap3A_334, %swap3A_335], %swap3A_338 {strides = array<i32>} : memref<40x512xf32, #tpu.memory_space<vmem>>, vector<1x16xf32>,
            %get3A_339 = arith.index_cast %scan3A_88 : i32 to index
            %get3A_340 = arith.constant 336 : index
            %get3A_341 = tpu.vector_load %arg9[%get3A_339, %get3A_340] {strides = array<i32>} : memref<40x512xf32, #tpu.memory_space<vmem>>, vector<1x16xf32>,
            %get3A_342 = vector.shape_cast %get3A_341 : vector<1x16xf32> to vector<16xf32>
            %mul3A_343 = arith.constant 22.6274166 : f32
            %mul3A_344 = vector.broadcast %mul3A_343 : f32 to vector<16xf32>
            %mul3A_345 = arith.mulf %get3A_342, %mul3A_344 : vector<16xf32>
            %swap3A_346 = arith.index_cast %scan3A_88 : i32 to index
            %swap3A_347 = arith.constant 336 : index
            %swap3A_348 = tpu.vector_load %arg9[%swap3A_346, %swap3A_347] {strides = array<i32>} : memref<40x512xf32, #tpu.memory_space<vmem>>, vector<1x16xf32>,
            %swap3A_349 = vector.shape_cast %swap3A_348 : vector<1x16xf32> to vector<16xf32>
            %swap3A_350 = vector.shape_cast %mul3A_345 : vector<16xf32> to vector<1x16xf32>
            tpu.vector_store %arg9[%swap3A_346, %swap3A_347], %swap3A_350 {strides = array<i32>} : memref<40x512xf32, #tpu.memory_space<vmem>>, vector<1x16xf32>,
            %get3A_351 = arith.index_cast %scan3A_88 : i32 to index
            %get3A_352 = arith.constant 352 : index
            %get3A_353 = tpu.vector_load %arg9[%get3A_351, %get3A_352] {strides = array<i32>} : memref<40x512xf32, #tpu.memory_space<vmem>>, vector<1x16xf32>,
            %get3A_354 = vector.shape_cast %get3A_353 : vector<1x16xf32> to vector<16xf32>
            %mul3A_355 = arith.constant 22.6274166 : f32
            %mul3A_356 = vector.broadcast %mul3A_355 : f32 to vector<16xf32>
            %mul3A_357 = arith.mulf %get3A_354, %mul3A_356 : vector<16xf32>
            %swap3A_358 = arith.index_cast %scan3A_88 : i32 to index
            %swap3A_359 = arith.constant 352 : index
            %swap3A_360 = tpu.vector_load %arg9[%swap3A_358, %swap3A_359] {strides = array<i32>} : memref<40x512xf32, #tpu.memory_space<vmem>>, vector<1x16xf32>,
            %swap3A_361 = vector.shape_cast %swap3A_360 : vector<1x16xf32> to vector<16xf32>
            %swap3A_362 = vector.shape_cast %mul3A_357 : vector<16xf32> to vector<1x16xf32>
            tpu.vector_store %arg9[%swap3A_358, %swap3A_359], %swap3A_362 {strides = array<i32>} : memref<40x512xf32, #tpu.memory_space<vmem>>, vector<1x16xf32>,
            %get3A_363 = arith.index_cast %scan3A_88 : i32 to index
            %get3A_364 = arith.constant 368 : index
            %get3A_365 = tpu.vector_load %arg9[%get3A_363, %get3A_364] {strides = array<i32>} : memref<40x512xf32, #tpu.memory_space<vmem>>, vector<1x16xf32>,
            %get3A_366 = vector.shape_cast %get3A_365 : vector<1x16xf32> to vector<16xf32>
            %mul3A_367 = arith.constant 22.6274166 : f32
            %mul3A_368 = vector.broadcast %mul3A_367 : f32 to vector<16xf32>
            %mul3A_369 = arith.mulf %get3A_366, %mul3A_368 : vector<16xf32>
            %swap3A_370 = arith.index_cast %scan3A_88 : i32 to index
            %swap3A_371 = arith.constant 368 : index
            %swap3A_372 = tpu.vector_load %arg9[%swap3A_370, %swap3A_371] {strides = array<i32>} : memref<40x512xf32, #tpu.memory_space<vmem>>, vector<1x16xf32>,
            %swap3A_373 = vector.shape_cast %swap3A_372 : vector<1x16xf32> to vector<16xf32>
            %swap3A_374 = vector.shape_cast %mul3A_369 : vector<16xf32> to vector<1x16xf32>
            tpu.vector_store %arg9[%swap3A_370, %swap3A_371], %swap3A_374 {strides = array<i32>} : memref<40x512xf32, #tpu.memory_space<vmem>>, vector<1x16xf32>,
            %get3A_375 = arith.index_cast %scan3A_88 : i32 to index
            %get3A_376 = arith.constant 384 : index
            %get3A_377 = tpu.vector_load %arg9[%get3A_375, %get3A_376] {strides = array<i32>} : memref<40x512xf32, #tpu.memory_space<vmem>>, vector<1x16xf32>,
            %get3A_378 = vector.shape_cast %get3A_377 : vector<1x16xf32> to vector<16xf32>
            %mul3A_379 = arith.constant 22.6274166 : f32
            %mul3A_380 = vector.broadcast %mul3A_379 : f32 to vector<16xf32>
            %mul3A_381 = arith.mulf %get3A_378, %mul3A_380 : vector<16xf32>
            %swap3A_382 = arith.index_cast %scan3A_88 : i32 to index
            %swap3A_383 = arith.constant 384 : index
            %swap3A_384 = tpu.vector_load %arg9[%swap3A_382, %swap3A_383] {strides = array<i32>} : memref<40x512xf32, #tpu.memory_space<vmem>>, vector<1x16xf32>,
            %swap3A_385 = vector.shape_cast %swap3A_384 : vector<1x16xf32> to vector<16xf32>
            %swap3A_386 = vector.shape_cast %mul3A_381 : vector<16xf32> to vector<1x16xf32>
            tpu.vector_store %arg9[%swap3A_382, %swap3A_383], %swap3A_386 {strides = array<i32>} : memref<40x512xf32, #tpu.memory_space<vmem>>, vector<1x16xf32>,
            %get3A_387 = arith.index_cast %scan3A_88 : i32 to index
            %get3A_388 = arith.constant 400 : index
            %get3A_389 = tpu.vector_load %arg9[%get3A_387, %get3A_388] {strides = array<i32>} : memref<40x512xf32, #tpu.memory_space<vmem>>, vector<1x16xf32>,
            %get3A_390 = vector.shape_cast %get3A_389 : vector<1x16xf32> to vector<16xf32>
            %mul3A_391 = arith.constant 22.6274166 : f32
            %mul3A_392 = vector.broadcast %mul3A_391 : f32 to vector<16xf32>
            %mul3A_393 = arith.mulf %get3A_390, %mul3A_392 : vector<16xf32>
            %swap3A_394 = arith.index_cast %scan3A_88 : i32 to index
            %swap3A_395 = arith.constant 400 : index
            %swap3A_396 = tpu.vector_load %arg9[%swap3A_394, %swap3A_395] {strides = array<i32>} : memref<40x512xf32, #tpu.memory_space<vmem>>, vector<1x16xf32>,
            %swap3A_397 = vector.shape_cast %swap3A_396 : vector<1x16xf32> to vector<16xf32>
            %swap3A_398 = vector.shape_cast %mul3A_393 : vector<16xf32> to vector<1x16xf32>
            tpu.vector_store %arg9[%swap3A_394, %swap3A_395], %swap3A_398 {strides = array<i32>} : memref<40x512xf32, #tpu.memory_space<vmem>>, vector<1x16xf32>,
            %get3A_399 = arith.index_cast %scan3A_88 : i32 to index
            %get3A_400 = arith.constant 416 : index
            %get3A_401 = tpu.vector_load %arg9[%get3A_399, %get3A_400] {strides = array<i32>} : memref<40x512xf32, #tpu.memory_space<vmem>>, vector<1x16xf32>,
            %get3A_402 = vector.shape_cast %get3A_401 : vector<1x16xf32> to vector<16xf32>
            %mul3A_403 = arith.constant 22.6274166 : f32
            %mul3A_404 = vector.broadcast %mul3A_403 : f32 to vector<16xf32>
            %mul3A_405 = arith.mulf %get3A_402, %mul3A_404 : vector<16xf32>
            %swap3A_406 = arith.index_cast %scan3A_88 : i32 to index
            %swap3A_407 = arith.constant 416 : index
            %swap3A_408 = tpu.vector_load %arg9[%swap3A_406, %swap3A_407] {strides = array<i32>} : memref<40x512xf32, #tpu.memory_space<vmem>>, vector<1x16xf32>,
            %swap3A_409 = vector.shape_cast %swap3A_408 : vector<1x16xf32> to vector<16xf32>
            %swap3A_410 = vector.shape_cast %mul3A_405 : vector<16xf32> to vector<1x16xf32>
            tpu.vector_store %arg9[%swap3A_406, %swap3A_407], %swap3A_410 {strides = array<i32>} : memref<40x512xf32, #tpu.memory_space<vmem>>, vector<1x16xf32>,
            %get3A_411 = arith.index_cast %scan3A_88 : i32 to index
            %get3A_412 = arith.constant 432 : index
            %get3A_413 = tpu.vector_load %arg9[%get3A_411, %get3A_412] {strides = array<i32>} : memref<40x512xf32, #tpu.memory_space<vmem>>, vector<1x16xf32>,
            %get3A_414 = vector.shape_cast %get3A_413 : vector<1x16xf32> to vector<16xf32>
            %mul3A_415 = arith.constant 22.6274166 : f32
            %mul3A_416 = vector.broadcast %mul3A_415 : f32 to vector<16xf32>
            %mul3A_417 = arith.mulf %get3A_414, %mul3A_416 : vector<16xf32>
            %swap3A_418 = arith.index_cast %scan3A_88 : i32 to index
            %swap3A_419 = arith.constant 432 : index
            %swap3A_420 = tpu.vector_load %arg9[%swap3A_418, %swap3A_419] {strides = array<i32>} : memref<40x512xf32, #tpu.memory_space<vmem>>, vector<1x16xf32>,
            %swap3A_421 = vector.shape_cast %swap3A_420 : vector<1x16xf32> to vector<16xf32>
            %swap3A_422 = vector.shape_cast %mul3A_417 : vector<16xf32> to vector<1x16xf32>
            tpu.vector_store %arg9[%swap3A_418, %swap3A_419], %swap3A_422 {strides = array<i32>} : memref<40x512xf32, #tpu.memory_space<vmem>>, vector<1x16xf32>,
            %get3A_423 = arith.index_cast %scan3A_88 : i32 to index
            %get3A_424 = arith.constant 448 : index
            %get3A_425 = tpu.vector_load %arg9[%get3A_423, %get3A_424] {strides = array<i32>} : memref<40x512xf32, #tpu.memory_space<vmem>>, vector<1x16xf32>,
            %get3A_426 = vector.shape_cast %get3A_425 : vector<1x16xf32> to vector<16xf32>
            %mul3A_427 = arith.constant 22.6274166 : f32
            %mul3A_428 = vector.broadcast %mul3A_427 : f32 to vector<16xf32>
            %mul3A_429 = arith.mulf %get3A_426, %mul3A_428 : vector<16xf32>
            %swap3A_430 = arith.index_cast %scan3A_88 : i32 to index
            %swap3A_431 = arith.constant 448 : index
            %swap3A_432 = tpu.vector_load %arg9[%swap3A_430, %swap3A_431] {strides = array<i32>} : memref<40x512xf32, #tpu.memory_space<vmem>>, vector<1x16xf32>,
            %swap3A_433 = vector.shape_cast %swap3A_432 : vector<1x16xf32> to vector<16xf32>
            %swap3A_434 = vector.shape_cast %mul3A_429 : vector<16xf32> to vector<1x16xf32>
            tpu.vector_store %arg9[%swap3A_430, %swap3A_431], %swap3A_434 {strides = array<i32>} : memref<40x512xf32, #tpu.memory_space<vmem>>, vector<1x16xf32>,
            %get3A_435 = arith.index_cast %scan3A_88 : i32 to index
            %get3A_436 = arith.constant 464 : index
            %get3A_437 = tpu.vector_load %arg9[%get3A_435, %get3A_436] {strides = array<i32>} : memref<40x512xf32, #tpu.memory_space<vmem>>, vector<1x16xf32>,
            %get3A_438 = vector.shape_cast %get3A_437 : vector<1x16xf32> to vector<16xf32>
            %mul3A_439 = arith.constant 22.6274166 : f32
            %mul3A_440 = vector.broadcast %mul3A_439 : f32 to vector<16xf32>
            %mul3A_441 = arith.mulf %get3A_438, %mul3A_440 : vector<16xf32>
            %swap3A_442 = arith.index_cast %scan3A_88 : i32 to index
            %swap3A_443 = arith.constant 464 : index
            %swap3A_444 = tpu.vector_load %arg9[%swap3A_442, %swap3A_443] {strides = array<i32>} : memref<40x512xf32, #tpu.memory_space<vmem>>, vector<1x16xf32>,
            %swap3A_445 = vector.shape_cast %swap3A_444 : vector<1x16xf32> to vector<16xf32>
            %swap3A_446 = vector.shape_cast %mul3A_441 : vector<16xf32> to vector<1x16xf32>
            tpu.vector_store %arg9[%swap3A_442, %swap3A_443], %swap3A_446 {strides = array<i32>} : memref<40x512xf32, #tpu.memory_space<vmem>>, vector<1x16xf32>,
            %get3A_447 = arith.index_cast %scan3A_88 : i32 to index
            %get3A_448 = arith.constant 480 : index
            %get3A_449 = tpu.vector_load %arg9[%get3A_447, %get3A_448] {strides = array<i32>} : memref<40x512xf32, #tpu.memory_space<vmem>>, vector<1x16xf32>,
            %get3A_450 = vector.shape_cast %get3A_449 : vector<1x16xf32> to vector<16xf32>
            %mul3A_451 = arith.constant 22.6274166 : f32
            %mul3A_452 = vector.broadcast %mul3A_451 : f32 to vector<16xf32>
            %mul3A_453 = arith.mulf %get3A_450, %mul3A_452 : vector<16xf32>
            %swap3A_454 = arith.index_cast %scan3A_88 : i32 to index
            %swap3A_455 = arith.constant 480 : index
            %swap3A_456 = tpu.vector_load %arg9[%swap3A_454, %swap3A_455] {strides = array<i32>} : memref<40x512xf32, #tpu.memory_space<vmem>>, vector<1x16xf32>,
            %swap3A_457 = vector.shape_cast %swap3A_456 : vector<1x16xf32> to vector<16xf32>
            %swap3A_458 = vector.shape_cast %mul3A_453 : vector<16xf32> to vector<1x16xf32>
            tpu.vector_store %arg9[%swap3A_454, %swap3A_455], %swap3A_458 {strides = array<i32>} : memref<40x512xf32, #tpu.memory_space<vmem>>, vector<1x16xf32>,
            %get3A_459 = arith.index_cast %scan3A_88 : i32 to index
            %get3A_460 = arith.constant 496 : index
            %get3A_461 = tpu.vector_load %arg9[%get3A_459, %get3A_460] {strides = array<i32>} : memref<40x512xf32, #tpu.memory_space<vmem>>, vector<1x16xf32>,
            %get3A_462 = vector.shape_cast %get3A_461 : vector<1x16xf32> to vector<16xf32>
            %mul3A_463 = arith.constant 22.6274166 : f32
            %mul3A_464 = vector.broadcast %mul3A_463 : f32 to vector<16xf32>
            %mul3A_465 = arith.mulf %get3A_462, %mul3A_464 : vector<16xf32>
            %swap3A_466 = arith.index_cast %scan3A_88 : i32 to index
            %swap3A_467 = arith.constant 496 : index
            %swap3A_468 = tpu.vector_load %arg9[%swap3A_466, %swap3A_467] {strides = array<i32>} : memref<40x512xf32, #tpu.memory_space<vmem>>, vector<1x16xf32>,
            %swap3A_469 = vector.shape_cast %swap3A_468 : vector<1x16xf32> to vector<16xf32>
            %swap3A_470 = vector.shape_cast %mul3A_465 : vector<16xf32> to vector<1x16xf32>
            tpu.vector_store %arg9[%swap3A_466, %swap3A_467], %swap3A_470 {strides = array<i32>} : memref<40x512xf32, #tpu.memory_space<vmem>>, vector<1x16xf32>,
          }
          %scan3A_81 = arith.constant 40 : i32
          %mul3A_82 = arith.constant 40 : i32
          %mul3A_83 = arith.muli %sub3A_44, %mul3A_82 : i32
          %add3A_84 = arith.addi %mul3A_2, %mul3A_83 : i32
          %dma_start3A = arith.constant 0 : i32
          %dma_start3A_85 = tpu.memref_slice %arg4[%add3A_84, %dma_start3A] : memref<819200x512xf32, #tpu.memory_space<hbm>> -> memref<40x512xf32, #tpu.memory_space<hbm>>
          %dma_start3A_86 = arith.constant 0 : i32
          %dma_start3A_87 = tpu.memref_slice %arg4[%add3A_84, %dma_start3A_86] : memref<819200x512xf32, #tpu.memory_space<hbm>> -> memref<40x512xf32, #tpu.memory_space<hbm>>
          tpu.enqueue_dma source(%arg9 : memref<40x512xf32, #tpu.memory_space<vmem>>) target(%dma_start3A_87 : memref<40x512xf32, #tpu.memory_space<hbm>>) target_semaphore(%arg19 : memref<!tpu.dma_semaphore, #tpu.memory_space<semaphore_mem>>)
        } else {
        }
        %eq3A_65 = arith.constant 4 : i32
        %eq3A_66 = arith.cmpi eq, %rem3A_45, %eq3A_65 : i32
        %convert_element_type3A_67 = arith.extui %eq3A_66 : i1 to i32
        %cond3A_68 = arith.constant 0 : i32
        %cond3A_69 = arith.cmpi ne, %convert_element_type3A_67, %cond3A_68 : i32
        scf.if %cond3A_69 {
          %mul3A_70 = arith.constant 40 : i32
          %mul3A_71 = arith.muli %sub3A_44, %mul3A_70 : i32
          %dma_wait3A_72 = tpu.memref_slice %arg5[%mul3A_71] : memref<25600xi32, #tpu.memory_space<vmem>> -> memref<40xi32, #tpu.memory_space<vmem>>
          %dma_wait3A_73 = arith.constant 0 : i32
          %dma_wait3A_74 = arith.constant 0 : i32
          %dma_wait3A_75 = tpu.memref_slice %arg2[%dma_wait3A_73, %dma_wait3A_74] : memref<100000x512xf32, #tpu.memory_space<hbm>> -> memref<100000x512xf32, #tpu.memory_space<hbm>>
          tpu.wait_indirect_dma semaphore(%arg15 : memref<!tpu.dma_semaphore, #tpu.memory_space<semaphore_mem>>) src(%dma_wait3A_75 : memref<100000x512xf32, #tpu.memory_space<hbm>>) dst(%arg10 : memref<40x512xf32, #tpu.memory_space<vmem>>)
          %scan3A_76 = arith.constant 0 : i32
          %scan3A_77 = arith.constant 0 : i32
          %scan3A_78 = arith.constant 40 : i32
          %scan3A_79 = arith.addi %scan3A_77, %scan3A_78 : i32
          %scan3A_80 = arith.constant 1 : i32
          scf.for %scan3A_88 = %scan3A_77 to %scan3A_79 step %scan3A_80  : i32 {
            %get3A = arith.index_cast %scan3A_88 : i32 to index
            %get3A_89 = arith.constant 0 : index
            %get3A_90 = tpu.vector_load %arg10[%get3A, %get3A_89] {strides = array<i32>} : memref<40x512xf32, #tpu.memory_space<vmem>>, vector<1x16xf32>,
            %get3A_91 = vector.shape_cast %get3A_90 : vector<1x16xf32> to vector<16xf32>
            %mul3A_92 = arith.constant 22.6274166 : f32
            %mul3A_93 = vector.broadcast %mul3A_92 : f32 to vector<16xf32>
            %mul3A_94 = arith.mulf %get3A_91, %mul3A_93 : vector<16xf32>
            %swap3A = arith.index_cast %scan3A_88 : i32 to index
            %swap3A_95 = arith.constant 0 : index
            %swap3A_96 = tpu.vector_load %arg10[%swap3A, %swap3A_95] {strides = array<i32>} : memref<40x512xf32, #tpu.memory_space<vmem>>, vector<1x16xf32>,
            %swap3A_97 = vector.shape_cast %swap3A_96 : vector<1x16xf32> to vector<16xf32>
            %swap3A_98 = vector.shape_cast %mul3A_94 : vector<16xf32> to vector<1x16xf32>
            tpu.vector_store %arg10[%swap3A, %swap3A_95], %swap3A_98 {strides = array<i32>} : memref<40x512xf32, #tpu.memory_space<vmem>>, vector<1x16xf32>,
            %get3A_99 = arith.index_cast %scan3A_88 : i32 to index
            %get3A_100 = arith.constant 16 : index
            %get3A_101 = tpu.vector_load %arg10[%get3A_99, %get3A_100] {strides = array<i32>} : memref<40x512xf32, #tpu.memory_space<vmem>>, vector<1x16xf32>,
            %get3A_102 = vector.shape_cast %get3A_101 : vector<1x16xf32> to vector<16xf32>
            %mul3A_103 = arith.constant 22.6274166 : f32
            %mul3A_104 = vector.broadcast %mul3A_103 : f32 to vector<16xf32>
            %mul3A_105 = arith.mulf %get3A_102, %mul3A_104 : vector<16xf32>
            %swap3A_106 = arith.index_cast %scan3A_88 : i32 to index
            %swap3A_107 = arith.constant 16 : index
            %swap3A_108 = tpu.vector_load %arg10[%swap3A_106, %swap3A_107] {strides = array<i32>} : memref<40x512xf32, #tpu.memory_space<vmem>>, vector<1x16xf32>,
            %swap3A_109 = vector.shape_cast %swap3A_108 : vector<1x16xf32> to vector<16xf32>
            %swap3A_110 = vector.shape_cast %mul3A_105 : vector<16xf32> to vector<1x16xf32>
            tpu.vector_store %arg10[%swap3A_106, %swap3A_107], %swap3A_110 {strides = array<i32>} : memref<40x512xf32, #tpu.memory_space<vmem>>, vector<1x16xf32>,
            %get3A_111 = arith.index_cast %scan3A_88 : i32 to index
            %get3A_112 = arith.constant 32 : index
            %get3A_113 = tpu.vector_load %arg10[%get3A_111, %get3A_112] {strides = array<i32>} : memref<40x512xf32, #tpu.memory_space<vmem>>, vector<1x16xf32>,
            %get3A_114 = vector.shape_cast %get3A_113 : vector<1x16xf32> to vector<16xf32>
            %mul3A_115 = arith.constant 22.6274166 : f32
            %mul3A_116 = vector.broadcast %mul3A_115 : f32 to vector<16xf32>
            %mul3A_117 = arith.mulf %get3A_114, %mul3A_116 : vector<16xf32>
            %swap3A_118 = arith.index_cast %scan3A_88 : i32 to index
            %swap3A_119 = arith.constant 32 : index
            %swap3A_120 = tpu.vector_load %arg10[%swap3A_118, %swap3A_119] {strides = array<i32>} : memref<40x512xf32, #tpu.memory_space<vmem>>, vector<1x16xf32>,
            %swap3A_121 = vector.shape_cast %swap3A_120 : vector<1x16xf32> to vector<16xf32>
            %swap3A_122 = vector.shape_cast %mul3A_117 : vector<16xf32> to vector<1x16xf32>
            tpu.vector_store %arg10[%swap3A_118, %swap3A_119], %swap3A_122 {strides = array<i32>} : memref<40x512xf32, #tpu.memory_space<vmem>>, vector<1x16xf32>,
            %get3A_123 = arith.index_cast %scan3A_88 : i32 to index
            %get3A_124 = arith.constant 48 : index
            %get3A_125 = tpu.vector_load %arg10[%get3A_123, %get3A_124] {strides = array<i32>} : memref<40x512xf32, #tpu.memory_space<vmem>>, vector<1x16xf32>,
            %get3A_126 = vector.shape_cast %get3A_125 : vector<1x16xf32> to vector<16xf32>
            %mul3A_127 = arith.constant 22.6274166 : f32
            %mul3A_128 = vector.broadcast %mul3A_127 : f32 to vector<16xf32>
            %mul3A_129 = arith.mulf %get3A_126, %mul3A_128 : vector<16xf32>
            %swap3A_130 = arith.index_cast %scan3A_88 : i32 to index
            %swap3A_131 = arith.constant 48 : index
            %swap3A_132 = tpu.vector_load %arg10[%swap3A_130, %swap3A_131] {strides = array<i32>} : memref<40x512xf32, #tpu.memory_space<vmem>>, vector<1x16xf32>,
            %swap3A_133 = vector.shape_cast %swap3A_132 : vector<1x16xf32> to vector<16xf32>
            %swap3A_134 = vector.shape_cast %mul3A_129 : vector<16xf32> to vector<1x16xf32>
            tpu.vector_store %arg10[%swap3A_130, %swap3A_131], %swap3A_134 {strides = array<i32>} : memref<40x512xf32, #tpu.memory_space<vmem>>, vector<1x16xf32>,
            %get3A_135 = arith.index_cast %scan3A_88 : i32 to index
            %get3A_136 = arith.constant 64 : index
            %get3A_137 = tpu.vector_load %arg10[%get3A_135, %get3A_136] {strides = array<i32>} : memref<40x512xf32, #tpu.memory_space<vmem>>, vector<1x16xf32>,
            %get3A_138 = vector.shape_cast %get3A_137 : vector<1x16xf32> to vector<16xf32>
            %mul3A_139 = arith.constant 22.6274166 : f32
            %mul3A_140 = vector.broadcast %mul3A_139 : f32 to vector<16xf32>
            %mul3A_141 = arith.mulf %get3A_138, %mul3A_140 : vector<16xf32>
            %swap3A_142 = arith.index_cast %scan3A_88 : i32 to index
            %swap3A_143 = arith.constant 64 : index
            %swap3A_144 = tpu.vector_load %arg10[%swap3A_142, %swap3A_143] {strides = array<i32>} : memref<40x512xf32, #tpu.memory_space<vmem>>, vector<1x16xf32>,
            %swap3A_145 = vector.shape_cast %swap3A_144 : vector<1x16xf32> to vector<16xf32>
            %swap3A_146 = vector.shape_cast %mul3A_141 : vector<16xf32> to vector<1x16xf32>
            tpu.vector_store %arg10[%swap3A_142, %swap3A_143], %swap3A_146 {strides = array<i32>} : memref<40x512xf32, #tpu.memory_space<vmem>>, vector<1x16xf32>,
            %get3A_147 = arith.index_cast %scan3A_88 : i32 to index
            %get3A_148 = arith.constant 80 : index
            %get3A_149 = tpu.vector_load %arg10[%get3A_147, %get3A_148] {strides = array<i32>} : memref<40x512xf32, #tpu.memory_space<vmem>>, vector<1x16xf32>,
            %get3A_150 = vector.shape_cast %get3A_149 : vector<1x16xf32> to vector<16xf32>
            %mul3A_151 = arith.constant 22.6274166 : f32
            %mul3A_152 = vector.broadcast %mul3A_151 : f32 to vector<16xf32>
            %mul3A_153 = arith.mulf %get3A_150, %mul3A_152 : vector<16xf32>
            %swap3A_154 = arith.index_cast %scan3A_88 : i32 to index
            %swap3A_155 = arith.constant 80 : index
            %swap3A_156 = tpu.vector_load %arg10[%swap3A_154, %swap3A_155] {strides = array<i32>} : memref<40x512xf32, #tpu.memory_space<vmem>>, vector<1x16xf32>,
            %swap3A_157 = vector.shape_cast %swap3A_156 : vector<1x16xf32> to vector<16xf32>
            %swap3A_158 = vector.shape_cast %mul3A_153 : vector<16xf32> to vector<1x16xf32>
            tpu.vector_store %arg10[%swap3A_154, %swap3A_155], %swap3A_158 {strides = array<i32>} : memref<40x512xf32, #tpu.memory_space<vmem>>, vector<1x16xf32>,
            %get3A_159 = arith.index_cast %scan3A_88 : i32 to index
            %get3A_160 = arith.constant 96 : index
            %get3A_161 = tpu.vector_load %arg10[%get3A_159, %get3A_160] {strides = array<i32>} : memref<40x512xf32, #tpu.memory_space<vmem>>, vector<1x16xf32>,
            %get3A_162 = vector.shape_cast %get3A_161 : vector<1x16xf32> to vector<16xf32>
            %mul3A_163 = arith.constant 22.6274166 : f32
            %mul3A_164 = vector.broadcast %mul3A_163 : f32 to vector<16xf32>
            %mul3A_165 = arith.mulf %get3A_162, %mul3A_164 : vector<16xf32>
            %swap3A_166 = arith.index_cast %scan3A_88 : i32 to index
            %swap3A_167 = arith.constant 96 : index
            %swap3A_168 = tpu.vector_load %arg10[%swap3A_166, %swap3A_167] {strides = array<i32>} : memref<40x512xf32, #tpu.memory_space<vmem>>, vector<1x16xf32>,
            %swap3A_169 = vector.shape_cast %swap3A_168 : vector<1x16xf32> to vector<16xf32>
            %swap3A_170 = vector.shape_cast %mul3A_165 : vector<16xf32> to vector<1x16xf32>
            tpu.vector_store %arg10[%swap3A_166, %swap3A_167], %swap3A_170 {strides = array<i32>} : memref<40x512xf32, #tpu.memory_space<vmem>>, vector<1x16xf32>,
            %get3A_171 = arith.index_cast %scan3A_88 : i32 to index
            %get3A_172 = arith.constant 112 : index
            %get3A_173 = tpu.vector_load %arg10[%get3A_171, %get3A_172] {strides = array<i32>} : memref<40x512xf32, #tpu.memory_space<vmem>>, vector<1x16xf32>,
            %get3A_174 = vector.shape_cast %get3A_173 : vector<1x16xf32> to vector<16xf32>
            %mul3A_175 = arith.constant 22.6274166 : f32
            %mul3A_176 = vector.broadcast %mul3A_175 : f32 to vector<16xf32>
            %mul3A_177 = arith.mulf %get3A_174, %mul3A_176 : vector<16xf32>
            %swap3A_178 = arith.index_cast %scan3A_88 : i32 to index
            %swap3A_179 = arith.constant 112 : index
            %swap3A_180 = tpu.vector_load %arg10[%swap3A_178, %swap3A_179] {strides = array<i32>} : memref<40x512xf32, #tpu.memory_space<vmem>>, vector<1x16xf32>,
            %swap3A_181 = vector.shape_cast %swap3A_180 : vector<1x16xf32> to vector<16xf32>
            %swap3A_182 = vector.shape_cast %mul3A_177 : vector<16xf32> to vector<1x16xf32>
            tpu.vector_store %arg10[%swap3A_178, %swap3A_179], %swap3A_182 {strides = array<i32>} : memref<40x512xf32, #tpu.memory_space<vmem>>, vector<1x16xf32>,
            %get3A_183 = arith.index_cast %scan3A_88 : i32 to index
            %get3A_184 = arith.constant 128 : index
            %get3A_185 = tpu.vector_load %arg10[%get3A_183, %get3A_184] {strides = array<i32>} : memref<40x512xf32, #tpu.memory_space<vmem>>, vector<1x16xf32>,
            %get3A_186 = vector.shape_cast %get3A_185 : vector<1x16xf32> to vector<16xf32>
            %mul3A_187 = arith.constant 22.6274166 : f32
            %mul3A_188 = vector.broadcast %mul3A_187 : f32 to vector<16xf32>
            %mul3A_189 = arith.mulf %get3A_186, %mul3A_188 : vector<16xf32>
            %swap3A_190 = arith.index_cast %scan3A_88 : i32 to index
            %swap3A_191 = arith.constant 128 : index
            %swap3A_192 = tpu.vector_load %arg10[%swap3A_190, %swap3A_191] {strides = array<i32>} : memref<40x512xf32, #tpu.memory_space<vmem>>, vector<1x16xf32>,
            %swap3A_193 = vector.shape_cast %swap3A_192 : vector<1x16xf32> to vector<16xf32>
            %swap3A_194 = vector.shape_cast %mul3A_189 : vector<16xf32> to vector<1x16xf32>
            tpu.vector_store %arg10[%swap3A_190, %swap3A_191], %swap3A_194 {strides = array<i32>} : memref<40x512xf32, #tpu.memory_space<vmem>>, vector<1x16xf32>,
            %get3A_195 = arith.index_cast %scan3A_88 : i32 to index
            %get3A_196 = arith.constant 144 : index
            %get3A_197 = tpu.vector_load %arg10[%get3A_195, %get3A_196] {strides = array<i32>} : memref<40x512xf32, #tpu.memory_space<vmem>>, vector<1x16xf32>,
            %get3A_198 = vector.shape_cast %get3A_197 : vector<1x16xf32> to vector<16xf32>
            %mul3A_199 = arith.constant 22.6274166 : f32
            %mul3A_200 = vector.broadcast %mul3A_199 : f32 to vector<16xf32>
            %mul3A_201 = arith.mulf %get3A_198, %mul3A_200 : vector<16xf32>
            %swap3A_202 = arith.index_cast %scan3A_88 : i32 to index
            %swap3A_203 = arith.constant 144 : index
            %swap3A_204 = tpu.vector_load %arg10[%swap3A_202, %swap3A_203] {strides = array<i32>} : memref<40x512xf32, #tpu.memory_space<vmem>>, vector<1x16xf32>,
            %swap3A_205 = vector.shape_cast %swap3A_204 : vector<1x16xf32> to vector<16xf32>
            %swap3A_206 = vector.shape_cast %mul3A_201 : vector<16xf32> to vector<1x16xf32>
            tpu.vector_store %arg10[%swap3A_202, %swap3A_203], %swap3A_206 {strides = array<i32>} : memref<40x512xf32, #tpu.memory_space<vmem>>, vector<1x16xf32>,
            %get3A_207 = arith.index_cast %scan3A_88 : i32 to index
            %get3A_208 = arith.constant 160 : index
            %get3A_209 = tpu.vector_load %arg10[%get3A_207, %get3A_208] {strides = array<i32>} : memref<40x512xf32, #tpu.memory_space<vmem>>, vector<1x16xf32>,
            %get3A_210 = vector.shape_cast %get3A_209 : vector<1x16xf32> to vector<16xf32>
            %mul3A_211 = arith.constant 22.6274166 : f32
            %mul3A_212 = vector.broadcast %mul3A_211 : f32 to vector<16xf32>
            %mul3A_213 = arith.mulf %get3A_210, %mul3A_212 : vector<16xf32>
            %swap3A_214 = arith.index_cast %scan3A_88 : i32 to index
            %swap3A_215 = arith.constant 160 : index
            %swap3A_216 = tpu.vector_load %arg10[%swap3A_214, %swap3A_215] {strides = array<i32>} : memref<40x512xf32, #tpu.memory_space<vmem>>, vector<1x16xf32>,
            %swap3A_217 = vector.shape_cast %swap3A_216 : vector<1x16xf32> to vector<16xf32>
            %swap3A_218 = vector.shape_cast %mul3A_213 : vector<16xf32> to vector<1x16xf32>
            tpu.vector_store %arg10[%swap3A_214, %swap3A_215], %swap3A_218 {strides = array<i32>} : memref<40x512xf32, #tpu.memory_space<vmem>>, vector<1x16xf32>,
            %get3A_219 = arith.index_cast %scan3A_88 : i32 to index
            %get3A_220 = arith.constant 176 : index
            %get3A_221 = tpu.vector_load %arg10[%get3A_219, %get3A_220] {strides = array<i32>} : memref<40x512xf32, #tpu.memory_space<vmem>>, vector<1x16xf32>,
            %get3A_222 = vector.shape_cast %get3A_221 : vector<1x16xf32> to vector<16xf32>
            %mul3A_223 = arith.constant 22.6274166 : f32
            %mul3A_224 = vector.broadcast %mul3A_223 : f32 to vector<16xf32>
            %mul3A_225 = arith.mulf %get3A_222, %mul3A_224 : vector<16xf32>
            %swap3A_226 = arith.index_cast %scan3A_88 : i32 to index
            %swap3A_227 = arith.constant 176 : index
            %swap3A_228 = tpu.vector_load %arg10[%swap3A_226, %swap3A_227] {strides = array<i32>} : memref<40x512xf32, #tpu.memory_space<vmem>>, vector<1x16xf32>,
            %swap3A_229 = vector.shape_cast %swap3A_228 : vector<1x16xf32> to vector<16xf32>
            %swap3A_230 = vector.shape_cast %mul3A_225 : vector<16xf32> to vector<1x16xf32>
            tpu.vector_store %arg10[%swap3A_226, %swap3A_227], %swap3A_230 {strides = array<i32>} : memref<40x512xf32, #tpu.memory_space<vmem>>, vector<1x16xf32>,
            %get3A_231 = arith.index_cast %scan3A_88 : i32 to index
            %get3A_232 = arith.constant 192 : index
            %get3A_233 = tpu.vector_load %arg10[%get3A_231, %get3A_232] {strides = array<i32>} : memref<40x512xf32, #tpu.memory_space<vmem>>, vector<1x16xf32>,
            %get3A_234 = vector.shape_cast %get3A_233 : vector<1x16xf32> to vector<16xf32>
            %mul3A_235 = arith.constant 22.6274166 : f32
            %mul3A_236 = vector.broadcast %mul3A_235 : f32 to vector<16xf32>
            %mul3A_237 = arith.mulf %get3A_234, %mul3A_236 : vector<16xf32>
            %swap3A_238 = arith.index_cast %scan3A_88 : i32 to index
            %swap3A_239 = arith.constant 192 : index
            %swap3A_240 = tpu.vector_load %arg10[%swap3A_238, %swap3A_239] {strides = array<i32>} : memref<40x512xf32, #tpu.memory_space<vmem>>, vector<1x16xf32>,
            %swap3A_241 = vector.shape_cast %swap3A_240 : vector<1x16xf32> to vector<16xf32>
            %swap3A_242 = vector.shape_cast %mul3A_237 : vector<16xf32> to vector<1x16xf32>
            tpu.vector_store %arg10[%swap3A_238, %swap3A_239], %swap3A_242 {strides = array<i32>} : memref<40x512xf32, #tpu.memory_space<vmem>>, vector<1x16xf32>,
            %get3A_243 = arith.index_cast %scan3A_88 : i32 to index
            %get3A_244 = arith.constant 208 : index
            %get3A_245 = tpu.vector_load %arg10[%get3A_243, %get3A_244] {strides = array<i32>} : memref<40x512xf32, #tpu.memory_space<vmem>>, vector<1x16xf32>,
            %get3A_246 = vector.shape_cast %get3A_245 : vector<1x16xf32> to vector<16xf32>
            %mul3A_247 = arith.constant 22.6274166 : f32
            %mul3A_248 = vector.broadcast %mul3A_247 : f32 to vector<16xf32>
            %mul3A_249 = arith.mulf %get3A_246, %mul3A_248 : vector<16xf32>
            %swap3A_250 = arith.index_cast %scan3A_88 : i32 to index
            %swap3A_251 = arith.constant 208 : index
            %swap3A_252 = tpu.vector_load %arg10[%swap3A_250, %swap3A_251] {strides = array<i32>} : memref<40x512xf32, #tpu.memory_space<vmem>>, vector<1x16xf32>,
            %swap3A_253 = vector.shape_cast %swap3A_252 : vector<1x16xf32> to vector<16xf32>
            %swap3A_254 = vector.shape_cast %mul3A_249 : vector<16xf32> to vector<1x16xf32>
            tpu.vector_store %arg10[%swap3A_250, %swap3A_251], %swap3A_254 {strides = array<i32>} : memref<40x512xf32, #tpu.memory_space<vmem>>, vector<1x16xf32>,
            %get3A_255 = arith.index_cast %scan3A_88 : i32 to index
            %get3A_256 = arith.constant 224 : index
            %get3A_257 = tpu.vector_load %arg10[%get3A_255, %get3A_256] {strides = array<i32>} : memref<40x512xf32, #tpu.memory_space<vmem>>, vector<1x16xf32>,
            %get3A_258 = vector.shape_cast %get3A_257 : vector<1x16xf32> to vector<16xf32>
            %mul3A_259 = arith.constant 22.6274166 : f32
            %mul3A_260 = vector.broadcast %mul3A_259 : f32 to vector<16xf32>
            %mul3A_261 = arith.mulf %get3A_258, %mul3A_260 : vector<16xf32>
            %swap3A_262 = arith.index_cast %scan3A_88 : i32 to index
            %swap3A_263 = arith.constant 224 : index
            %swap3A_264 = tpu.vector_load %arg10[%swap3A_262, %swap3A_263] {strides = array<i32>} : memref<40x512xf32, #tpu.memory_space<vmem>>, vector<1x16xf32>,
            %swap3A_265 = vector.shape_cast %swap3A_264 : vector<1x16xf32> to vector<16xf32>
            %swap3A_266 = vector.shape_cast %mul3A_261 : vector<16xf32> to vector<1x16xf32>
            tpu.vector_store %arg10[%swap3A_262, %swap3A_263], %swap3A_266 {strides = array<i32>} : memref<40x512xf32, #tpu.memory_space<vmem>>, vector<1x16xf32>,
            %get3A_267 = arith.index_cast %scan3A_88 : i32 to index
            %get3A_268 = arith.constant 240 : index
            %get3A_269 = tpu.vector_load %arg10[%get3A_267, %get3A_268] {strides = array<i32>} : memref<40x512xf32, #tpu.memory_space<vmem>>, vector<1x16xf32>,
            %get3A_270 = vector.shape_cast %get3A_269 : vector<1x16xf32> to vector<16xf32>
            %mul3A_271 = arith.constant 22.6274166 : f32
            %mul3A_272 = vector.broadcast %mul3A_271 : f32 to vector<16xf32>
            %mul3A_273 = arith.mulf %get3A_270, %mul3A_272 : vector<16xf32>
            %swap3A_274 = arith.index_cast %scan3A_88 : i32 to index
            %swap3A_275 = arith.constant 240 : index
            %swap3A_276 = tpu.vector_load %arg10[%swap3A_274, %swap3A_275] {strides = array<i32>} : memref<40x512xf32, #tpu.memory_space<vmem>>, vector<1x16xf32>,
            %swap3A_277 = vector.shape_cast %swap3A_276 : vector<1x16xf32> to vector<16xf32>
            %swap3A_278 = vector.shape_cast %mul3A_273 : vector<16xf32> to vector<1x16xf32>
            tpu.vector_store %arg10[%swap3A_274, %swap3A_275], %swap3A_278 {strides = array<i32>} : memref<40x512xf32, #tpu.memory_space<vmem>>, vector<1x16xf32>,
            %get3A_279 = arith.index_cast %scan3A_88 : i32 to index
            %get3A_280 = arith.constant 256 : index
            %get3A_281 = tpu.vector_load %arg10[%get3A_279, %get3A_280] {strides = array<i32>} : memref<40x512xf32, #tpu.memory_space<vmem>>, vector<1x16xf32>,
            %get3A_282 = vector.shape_cast %get3A_281 : vector<1x16xf32> to vector<16xf32>
            %mul3A_283 = arith.constant 22.6274166 : f32
            %mul3A_284 = vector.broadcast %mul3A_283 : f32 to vector<16xf32>
            %mul3A_285 = arith.mulf %get3A_282, %mul3A_284 : vector<16xf32>
            %swap3A_286 = arith.index_cast %scan3A_88 : i32 to index
            %swap3A_287 = arith.constant 256 : index
            %swap3A_288 = tpu.vector_load %arg10[%swap3A_286, %swap3A_287] {strides = array<i32>} : memref<40x512xf32, #tpu.memory_space<vmem>>, vector<1x16xf32>,
            %swap3A_289 = vector.shape_cast %swap3A_288 : vector<1x16xf32> to vector<16xf32>
            %swap3A_290 = vector.shape_cast %mul3A_285 : vector<16xf32> to vector<1x16xf32>
            tpu.vector_store %arg10[%swap3A_286, %swap3A_287], %swap3A_290 {strides = array<i32>} : memref<40x512xf32, #tpu.memory_space<vmem>>, vector<1x16xf32>,
            %get3A_291 = arith.index_cast %scan3A_88 : i32 to index
            %get3A_292 = arith.constant 272 : index
            %get3A_293 = tpu.vector_load %arg10[%get3A_291, %get3A_292] {strides = array<i32>} : memref<40x512xf32, #tpu.memory_space<vmem>>, vector<1x16xf32>,
            %get3A_294 = vector.shape_cast %get3A_293 : vector<1x16xf32> to vector<16xf32>
            %mul3A_295 = arith.constant 22.6274166 : f32
            %mul3A_296 = vector.broadcast %mul3A_295 : f32 to vector<16xf32>
            %mul3A_297 = arith.mulf %get3A_294, %mul3A_296 : vector<16xf32>
            %swap3A_298 = arith.index_cast %scan3A_88 : i32 to index
            %swap3A_299 = arith.constant 272 : index
            %swap3A_300 = tpu.vector_load %arg10[%swap3A_298, %swap3A_299] {strides = array<i32>} : memref<40x512xf32, #tpu.memory_space<vmem>>, vector<1x16xf32>,
            %swap3A_301 = vector.shape_cast %swap3A_300 : vector<1x16xf32> to vector<16xf32>
            %swap3A_302 = vector.shape_cast %mul3A_297 : vector<16xf32> to vector<1x16xf32>
            tpu.vector_store %arg10[%swap3A_298, %swap3A_299], %swap3A_302 {strides = array<i32>} : memref<40x512xf32, #tpu.memory_space<vmem>>, vector<1x16xf32>,
            %get3A_303 = arith.index_cast %scan3A_88 : i32 to index
            %get3A_304 = arith.constant 288 : index
            %get3A_305 = tpu.vector_load %arg10[%get3A_303, %get3A_304] {strides = array<i32>} : memref<40x512xf32, #tpu.memory_space<vmem>>, vector<1x16xf32>,
            %get3A_306 = vector.shape_cast %get3A_305 : vector<1x16xf32> to vector<16xf32>
            %mul3A_307 = arith.constant 22.6274166 : f32
            %mul3A_308 = vector.broadcast %mul3A_307 : f32 to vector<16xf32>
            %mul3A_309 = arith.mulf %get3A_306, %mul3A_308 : vector<16xf32>
            %swap3A_310 = arith.index_cast %scan3A_88 : i32 to index
            %swap3A_311 = arith.constant 288 : index
            %swap3A_312 = tpu.vector_load %arg10[%swap3A_310, %swap3A_311] {strides = array<i32>} : memref<40x512xf32, #tpu.memory_space<vmem>>, vector<1x16xf32>,
            %swap3A_313 = vector.shape_cast %swap3A_312 : vector<1x16xf32> to vector<16xf32>
            %swap3A_314 = vector.shape_cast %mul3A_309 : vector<16xf32> to vector<1x16xf32>
            tpu.vector_store %arg10[%swap3A_310, %swap3A_311], %swap3A_314 {strides = array<i32>} : memref<40x512xf32, #tpu.memory_space<vmem>>, vector<1x16xf32>,
            %get3A_315 = arith.index_cast %scan3A_88 : i32 to index
            %get3A_316 = arith.constant 304 : index
            %get3A_317 = tpu.vector_load %arg10[%get3A_315, %get3A_316] {strides = array<i32>} : memref<40x512xf32, #tpu.memory_space<vmem>>, vector<1x16xf32>,
            %get3A_318 = vector.shape_cast %get3A_317 : vector<1x16xf32> to vector<16xf32>
            %mul3A_319 = arith.constant 22.6274166 : f32
            %mul3A_320 = vector.broadcast %mul3A_319 : f32 to vector<16xf32>
            %mul3A_321 = arith.mulf %get3A_318, %mul3A_320 : vector<16xf32>
            %swap3A_322 = arith.index_cast %scan3A_88 : i32 to index
            %swap3A_323 = arith.constant 304 : index
            %swap3A_324 = tpu.vector_load %arg10[%swap3A_322, %swap3A_323] {strides = array<i32>} : memref<40x512xf32, #tpu.memory_space<vmem>>, vector<1x16xf32>,
            %swap3A_325 = vector.shape_cast %swap3A_324 : vector<1x16xf32> to vector<16xf32>
            %swap3A_326 = vector.shape_cast %mul3A_321 : vector<16xf32> to vector<1x16xf32>
            tpu.vector_store %arg10[%swap3A_322, %swap3A_323], %swap3A_326 {strides = array<i32>} : memref<40x512xf32, #tpu.memory_space<vmem>>, vector<1x16xf32>,
            %get3A_327 = arith.index_cast %scan3A_88 : i32 to index
            %get3A_328 = arith.constant 320 : index
            %get3A_329 = tpu.vector_load %arg10[%get3A_327, %get3A_328] {strides = array<i32>} : memref<40x512xf32, #tpu.memory_space<vmem>>, vector<1x16xf32>,
            %get3A_330 = vector.shape_cast %get3A_329 : vector<1x16xf32> to vector<16xf32>
            %mul3A_331 = arith.constant 22.6274166 : f32
            %mul3A_332 = vector.broadcast %mul3A_331 : f32 to vector<16xf32>
            %mul3A_333 = arith.mulf %get3A_330, %mul3A_332 : vector<16xf32>
            %swap3A_334 = arith.index_cast %scan3A_88 : i32 to index
            %swap3A_335 = arith.constant 320 : index
            %swap3A_336 = tpu.vector_load %arg10[%swap3A_334, %swap3A_335] {strides = array<i32>} : memref<40x512xf32, #tpu.memory_space<vmem>>, vector<1x16xf32>,
            %swap3A_337 = vector.shape_cast %swap3A_336 : vector<1x16xf32> to vector<16xf32>
            %swap3A_338 = vector.shape_cast %mul3A_333 : vector<16xf32> to vector<1x16xf32>
            tpu.vector_store %arg10[%swap3A_334, %swap3A_335], %swap3A_338 {strides = array<i32>} : memref<40x512xf32, #tpu.memory_space<vmem>>, vector<1x16xf32>,
            %get3A_339 = arith.index_cast %scan3A_88 : i32 to index
            %get3A_340 = arith.constant 336 : index
            %get3A_341 = tpu.vector_load %arg10[%get3A_339, %get3A_340] {strides = array<i32>} : memref<40x512xf32, #tpu.memory_space<vmem>>, vector<1x16xf32>,
            %get3A_342 = vector.shape_cast %get3A_341 : vector<1x16xf32> to vector<16xf32>
            %mul3A_343 = arith.constant 22.6274166 : f32
            %mul3A_344 = vector.broadcast %mul3A_343 : f32 to vector<16xf32>
            %mul3A_345 = arith.mulf %get3A_342, %mul3A_344 : vector<16xf32>
            %swap3A_346 = arith.index_cast %scan3A_88 : i32 to index
            %swap3A_347 = arith.constant 336 : index
            %swap3A_348 = tpu.vector_load %arg10[%swap3A_346, %swap3A_347] {strides = array<i32>} : memref<40x512xf32, #tpu.memory_space<vmem>>, vector<1x16xf32>,
            %swap3A_349 = vector.shape_cast %swap3A_348 : vector<1x16xf32> to vector<16xf32>
            %swap3A_350 = vector.shape_cast %mul3A_345 : vector<16xf32> to vector<1x16xf32>
            tpu.vector_store %arg10[%swap3A_346, %swap3A_347], %swap3A_350 {strides = array<i32>} : memref<40x512xf32, #tpu.memory_space<vmem>>, vector<1x16xf32>,
            %get3A_351 = arith.index_cast %scan3A_88 : i32 to index
            %get3A_352 = arith.constant 352 : index
            %get3A_353 = tpu.vector_load %arg10[%get3A_351, %get3A_352] {strides = array<i32>} : memref<40x512xf32, #tpu.memory_space<vmem>>, vector<1x16xf32>,
            %get3A_354 = vector.shape_cast %get3A_353 : vector<1x16xf32> to vector<16xf32>
            %mul3A_355 = arith.constant 22.6274166 : f32
            %mul3A_356 = vector.broadcast %mul3A_355 : f32 to vector<16xf32>
            %mul3A_357 = arith.mulf %get3A_354, %mul3A_356 : vector<16xf32>
            %swap3A_358 = arith.index_cast %scan3A_88 : i32 to index
            %swap3A_359 = arith.constant 352 : index
            %swap3A_360 = tpu.vector_load %arg10[%swap3A_358, %swap3A_359] {strides = array<i32>} : memref<40x512xf32, #tpu.memory_space<vmem>>, vector<1x16xf32>,
            %swap3A_361 = vector.shape_cast %swap3A_360 : vector<1x16xf32> to vector<16xf32>
            %swap3A_362 = vector.shape_cast %mul3A_357 : vector<16xf32> to vector<1x16xf32>
            tpu.vector_store %arg10[%swap3A_358, %swap3A_359], %swap3A_362 {strides = array<i32>} : memref<40x512xf32, #tpu.memory_space<vmem>>, vector<1x16xf32>,
            %get3A_363 = arith.index_cast %scan3A_88 : i32 to index
            %get3A_364 = arith.constant 368 : index
            %get3A_365 = tpu.vector_load %arg10[%get3A_363, %get3A_364] {strides = array<i32>} : memref<40x512xf32, #tpu.memory_space<vmem>>, vector<1x16xf32>,
            %get3A_366 = vector.shape_cast %get3A_365 : vector<1x16xf32> to vector<16xf32>
            %mul3A_367 = arith.constant 22.6274166 : f32
            %mul3A_368 = vector.broadcast %mul3A_367 : f32 to vector<16xf32>
            %mul3A_369 = arith.mulf %get3A_366, %mul3A_368 : vector<16xf32>
            %swap3A_370 = arith.index_cast %scan3A_88 : i32 to index
            %swap3A_371 = arith.constant 368 : index
            %swap3A_372 = tpu.vector_load %arg10[%swap3A_370, %swap3A_371] {strides = array<i32>} : memref<40x512xf32, #tpu.memory_space<vmem>>, vector<1x16xf32>,
            %swap3A_373 = vector.shape_cast %swap3A_372 : vector<1x16xf32> to vector<16xf32>
            %swap3A_374 = vector.shape_cast %mul3A_369 : vector<16xf32> to vector<1x16xf32>
            tpu.vector_store %arg10[%swap3A_370, %swap3A_371], %swap3A_374 {strides = array<i32>} : memref<40x512xf32, #tpu.memory_space<vmem>>, vector<1x16xf32>,
            %get3A_375 = arith.index_cast %scan3A_88 : i32 to index
            %get3A_376 = arith.constant 384 : index
            %get3A_377 = tpu.vector_load %arg10[%get3A_375, %get3A_376] {strides = array<i32>} : memref<40x512xf32, #tpu.memory_space<vmem>>, vector<1x16xf32>,
            %get3A_378 = vector.shape_cast %get3A_377 : vector<1x16xf32> to vector<16xf32>
            %mul3A_379 = arith.constant 22.6274166 : f32
            %mul3A_380 = vector.broadcast %mul3A_379 : f32 to vector<16xf32>
            %mul3A_381 = arith.mulf %get3A_378, %mul3A_380 : vector<16xf32>
            %swap3A_382 = arith.index_cast %scan3A_88 : i32 to index
            %swap3A_383 = arith.constant 384 : index
            %swap3A_384 = tpu.vector_load %arg10[%swap3A_382, %swap3A_383] {strides = array<i32>} : memref<40x512xf32, #tpu.memory_space<vmem>>, vector<1x16xf32>,
            %swap3A_385 = vector.shape_cast %swap3A_384 : vector<1x16xf32> to vector<16xf32>
            %swap3A_386 = vector.shape_cast %mul3A_381 : vector<16xf32> to vector<1x16xf32>
            tpu.vector_store %arg10[%swap3A_382, %swap3A_383], %swap3A_386 {strides = array<i32>} : memref<40x512xf32, #tpu.memory_space<vmem>>, vector<1x16xf32>,
            %get3A_387 = arith.index_cast %scan3A_88 : i32 to index
            %get3A_388 = arith.constant 400 : index
            %get3A_389 = tpu.vector_load %arg10[%get3A_387, %get3A_388] {strides = array<i32>} : memref<40x512xf32, #tpu.memory_space<vmem>>, vector<1x16xf32>,
            %get3A_390 = vector.shape_cast %get3A_389 : vector<1x16xf32> to vector<16xf32>
            %mul3A_391 = arith.constant 22.6274166 : f32
            %mul3A_392 = vector.broadcast %mul3A_391 : f32 to vector<16xf32>
            %mul3A_393 = arith.mulf %get3A_390, %mul3A_392 : vector<16xf32>
            %swap3A_394 = arith.index_cast %scan3A_88 : i32 to index
            %swap3A_395 = arith.constant 400 : index
            %swap3A_396 = tpu.vector_load %arg10[%swap3A_394, %swap3A_395] {strides = array<i32>} : memref<40x512xf32, #tpu.memory_space<vmem>>, vector<1x16xf32>,
            %swap3A_397 = vector.shape_cast %swap3A_396 : vector<1x16xf32> to vector<16xf32>
            %swap3A_398 = vector.shape_cast %mul3A_393 : vector<16xf32> to vector<1x16xf32>
            tpu.vector_store %arg10[%swap3A_394, %swap3A_395], %swap3A_398 {strides = array<i32>} : memref<40x512xf32, #tpu.memory_space<vmem>>, vector<1x16xf32>,
            %get3A_399 = arith.index_cast %scan3A_88 : i32 to index
            %get3A_400 = arith.constant 416 : index
            %get3A_401 = tpu.vector_load %arg10[%get3A_399, %get3A_400] {strides = array<i32>} : memref<40x512xf32, #tpu.memory_space<vmem>>, vector<1x16xf32>,
            %get3A_402 = vector.shape_cast %get3A_401 : vector<1x16xf32> to vector<16xf32>
            %mul3A_403 = arith.constant 22.6274166 : f32
            %mul3A_404 = vector.broadcast %mul3A_403 : f32 to vector<16xf32>
            %mul3A_405 = arith.mulf %get3A_402, %mul3A_404 : vector<16xf32>
            %swap3A_406 = arith.index_cast %scan3A_88 : i32 to index
            %swap3A_407 = arith.constant 416 : index
            %swap3A_408 = tpu.vector_load %arg10[%swap3A_406, %swap3A_407] {strides = array<i32>} : memref<40x512xf32, #tpu.memory_space<vmem>>, vector<1x16xf32>,
            %swap3A_409 = vector.shape_cast %swap3A_408 : vector<1x16xf32> to vector<16xf32>
            %swap3A_410 = vector.shape_cast %mul3A_405 : vector<16xf32> to vector<1x16xf32>
            tpu.vector_store %arg10[%swap3A_406, %swap3A_407], %swap3A_410 {strides = array<i32>} : memref<40x512xf32, #tpu.memory_space<vmem>>, vector<1x16xf32>,
            %get3A_411 = arith.index_cast %scan3A_88 : i32 to index
            %get3A_412 = arith.constant 432 : index
            %get3A_413 = tpu.vector_load %arg10[%get3A_411, %get3A_412] {strides = array<i32>} : memref<40x512xf32, #tpu.memory_space<vmem>>, vector<1x16xf32>,
            %get3A_414 = vector.shape_cast %get3A_413 : vector<1x16xf32> to vector<16xf32>
            %mul3A_415 = arith.constant 22.6274166 : f32
            %mul3A_416 = vector.broadcast %mul3A_415 : f32 to vector<16xf32>
            %mul3A_417 = arith.mulf %get3A_414, %mul3A_416 : vector<16xf32>
            %swap3A_418 = arith.index_cast %scan3A_88 : i32 to index
            %swap3A_419 = arith.constant 432 : index
            %swap3A_420 = tpu.vector_load %arg10[%swap3A_418, %swap3A_419] {strides = array<i32>} : memref<40x512xf32, #tpu.memory_space<vmem>>, vector<1x16xf32>,
            %swap3A_421 = vector.shape_cast %swap3A_420 : vector<1x16xf32> to vector<16xf32>
            %swap3A_422 = vector.shape_cast %mul3A_417 : vector<16xf32> to vector<1x16xf32>
            tpu.vector_store %arg10[%swap3A_418, %swap3A_419], %swap3A_422 {strides = array<i32>} : memref<40x512xf32, #tpu.memory_space<vmem>>, vector<1x16xf32>,
            %get3A_423 = arith.index_cast %scan3A_88 : i32 to index
            %get3A_424 = arith.constant 448 : index
            %get3A_425 = tpu.vector_load %arg10[%get3A_423, %get3A_424] {strides = array<i32>} : memref<40x512xf32, #tpu.memory_space<vmem>>, vector<1x16xf32>,
            %get3A_426 = vector.shape_cast %get3A_425 : vector<1x16xf32> to vector<16xf32>
            %mul3A_427 = arith.constant 22.6274166 : f32
            %mul3A_428 = vector.broadcast %mul3A_427 : f32 to vector<16xf32>
            %mul3A_429 = arith.mulf %get3A_426, %mul3A_428 : vector<16xf32>
            %swap3A_430 = arith.index_cast %scan3A_88 : i32 to index
            %swap3A_431 = arith.constant 448 : index
            %swap3A_432 = tpu.vector_load %arg10[%swap3A_430, %swap3A_431] {strides = array<i32>} : memref<40x512xf32, #tpu.memory_space<vmem>>, vector<1x16xf32>,
            %swap3A_433 = vector.shape_cast %swap3A_432 : vector<1x16xf32> to vector<16xf32>
            %swap3A_434 = vector.shape_cast %mul3A_429 : vector<16xf32> to vector<1x16xf32>
            tpu.vector_store %arg10[%swap3A_430, %swap3A_431], %swap3A_434 {strides = array<i32>} : memref<40x512xf32, #tpu.memory_space<vmem>>, vector<1x16xf32>,
            %get3A_435 = arith.index_cast %scan3A_88 : i32 to index
            %get3A_436 = arith.constant 464 : index
            %get3A_437 = tpu.vector_load %arg10[%get3A_435, %get3A_436] {strides = array<i32>} : memref<40x512xf32, #tpu.memory_space<vmem>>, vector<1x16xf32>,
            %get3A_438 = vector.shape_cast %get3A_437 : vector<1x16xf32> to vector<16xf32>
            %mul3A_439 = arith.constant 22.6274166 : f32
            %mul3A_440 = vector.broadcast %mul3A_439 : f32 to vector<16xf32>
            %mul3A_441 = arith.mulf %get3A_438, %mul3A_440 : vector<16xf32>
            %swap3A_442 = arith.index_cast %scan3A_88 : i32 to index
            %swap3A_443 = arith.constant 464 : index
            %swap3A_444 = tpu.vector_load %arg10[%swap3A_442, %swap3A_443] {strides = array<i32>} : memref<40x512xf32, #tpu.memory_space<vmem>>, vector<1x16xf32>,
            %swap3A_445 = vector.shape_cast %swap3A_444 : vector<1x16xf32> to vector<16xf32>
            %swap3A_446 = vector.shape_cast %mul3A_441 : vector<16xf32> to vector<1x16xf32>
            tpu.vector_store %arg10[%swap3A_442, %swap3A_443], %swap3A_446 {strides = array<i32>} : memref<40x512xf32, #tpu.memory_space<vmem>>, vector<1x16xf32>,
            %get3A_447 = arith.index_cast %scan3A_88 : i32 to index
            %get3A_448 = arith.constant 480 : index
            %get3A_449 = tpu.vector_load %arg10[%get3A_447, %get3A_448] {strides = array<i32>} : memref<40x512xf32, #tpu.memory_space<vmem>>, vector<1x16xf32>,
            %get3A_450 = vector.shape_cast %get3A_449 : vector<1x16xf32> to vector<16xf32>
            %mul3A_451 = arith.constant 22.6274166 : f32
            %mul3A_452 = vector.broadcast %mul3A_451 : f32 to vector<16xf32>
            %mul3A_453 = arith.mulf %get3A_450, %mul3A_452 : vector<16xf32>
            %swap3A_454 = arith.index_cast %scan3A_88 : i32 to index
            %swap3A_455 = arith.constant 480 : index
            %swap3A_456 = tpu.vector_load %arg10[%swap3A_454, %swap3A_455] {strides = array<i32>} : memref<40x512xf32, #tpu.memory_space<vmem>>, vector<1x16xf32>,
            %swap3A_457 = vector.shape_cast %swap3A_456 : vector<1x16xf32> to vector<16xf32>
            %swap3A_458 = vector.shape_cast %mul3A_453 : vector<16xf32> to vector<1x16xf32>
            tpu.vector_store %arg10[%swap3A_454, %swap3A_455], %swap3A_458 {strides = array<i32>} : memref<40x512xf32, #tpu.memory_space<vmem>>, vector<1x16xf32>,
            %get3A_459 = arith.index_cast %scan3A_88 : i32 to index
            %get3A_460 = arith.constant 496 : index
            %get3A_461 = tpu.vector_load %arg10[%get3A_459, %get3A_460] {strides = array<i32>} : memref<40x512xf32, #tpu.memory_space<vmem>>, vector<1x16xf32>,
            %get3A_462 = vector.shape_cast %get3A_461 : vector<1x16xf32> to vector<16xf32>
            %mul3A_463 = arith.constant 22.6274166 : f32
            %mul3A_464 = vector.broadcast %mul3A_463 : f32 to vector<16xf32>
            %mul3A_465 = arith.mulf %get3A_462, %mul3A_464 : vector<16xf32>
            %swap3A_466 = arith.index_cast %scan3A_88 : i32 to index
            %swap3A_467 = arith.constant 496 : index
            %swap3A_468 = tpu.vector_load %arg10[%swap3A_466, %swap3A_467] {strides = array<i32>} : memref<40x512xf32, #tpu.memory_space<vmem>>, vector<1x16xf32>,
            %swap3A_469 = vector.shape_cast %swap3A_468 : vector<1x16xf32> to vector<16xf32>
            %swap3A_470 = vector.shape_cast %mul3A_465 : vector<16xf32> to vector<1x16xf32>
            tpu.vector_store %arg10[%swap3A_466, %swap3A_467], %swap3A_470 {strides = array<i32>} : memref<40x512xf32, #tpu.memory_space<vmem>>, vector<1x16xf32>,
          }
          %scan3A_81 = arith.constant 40 : i32
          %mul3A_82 = arith.constant 40 : i32
          %mul3A_83 = arith.muli %sub3A_44, %mul3A_82 : i32
          %add3A_84 = arith.addi %mul3A_2, %mul3A_83 : i32
          %dma_start3A = arith.constant 0 : i32
          %dma_start3A_85 = tpu.memref_slice %arg4[%add3A_84, %dma_start3A] : memref<819200x512xf32, #tpu.memory_space<hbm>> -> memref<40x512xf32, #tpu.memory_space<hbm>>
          %dma_start3A_86 = arith.constant 0 : i32
          %dma_start3A_87 = tpu.memref_slice %arg4[%add3A_84, %dma_start3A_86] : memref<819200x512xf32, #tpu.memory_space<hbm>> -> memref<40x512xf32, #tpu.memory_space<hbm>>
          tpu.enqueue_dma source(%arg10 : memref<40x512xf32, #tpu.memory_space<vmem>>) target(%dma_start3A_87 : memref<40x512xf32, #tpu.memory_space<hbm>>) target_semaphore(%arg20 : memref<!tpu.dma_semaphore, #tpu.memory_space<semaphore_mem>>)
        } else {
        }
      } else {
      }
    }
    %scan3A_7 = arith.constant 644 : i32
    %dma_wait3A = arith.constant 0 : i32
    %dma_wait3A_8 = arith.constant 0 : i32
    %dma_wait3A_9 = tpu.memref_slice %arg4[%dma_wait3A, %dma_wait3A_8] : memref<819200x512xf32, #tpu.memory_space<hbm>> -> memref<40x512xf32, #tpu.memory_space<hbm>>
    %dma_wait3A_10 = arith.constant 0 : i32
    %dma_wait3A_11 = arith.constant 0 : i32
    %dma_wait3A_12 = tpu.memref_slice %arg4[%dma_wait3A_10, %dma_wait3A_11] : memref<819200x512xf32, #tpu.memory_space<hbm>> -> memref<40x512xf32, #tpu.memory_space<hbm>>
    tpu.wait_dma2 semaphore(%arg16 : memref<!tpu.dma_semaphore, #tpu.memory_space<semaphore_mem>>) src(%arg6 : memref<40x512xf32, #tpu.memory_space<vmem>>) dst(%dma_wait3A_12 : memref<40x512xf32, #tpu.memory_space<hbm>>)
    %dma_wait3A_13 = arith.constant 0 : i32
    %dma_wait3A_14 = arith.constant 0 : i32
    %dma_wait3A_15 = tpu.memref_slice %arg4[%dma_wait3A_13, %dma_wait3A_14] : memref<819200x512xf32, #tpu.memory_space<hbm>> -> memref<40x512xf32, #tpu.memory_space<hbm>>
    %dma_wait3A_16 = arith.constant 0 : i32
    %dma_wait3A_17 = arith.constant 0 : i32
    %dma_wait3A_18 = tpu.memref_slice %arg4[%dma_wait3A_16, %dma_wait3A_17] : memref<819200x512xf32, #tpu.memory_space<hbm>> -> memref<40x512xf32, #tpu.memory_space<hbm>>
    tpu.wait_dma2 semaphore(%arg17 : memref<!tpu.dma_semaphore, #tpu.memory_space<semaphore_mem>>) src(%arg7 : memref<40x512xf32, #tpu.memory_space<vmem>>) dst(%dma_wait3A_18 : memref<40x512xf32, #tpu.memory_space<hbm>>)
    %dma_wait3A_19 = arith.constant 0 : i32
    %dma_wait3A_20 = arith.constant 0 : i32
    %dma_wait3A_21 = tpu.memref_slice %arg4[%dma_wait3A_19, %dma_wait3A_20] : memref<819200x512xf32, #tpu.memory_space<hbm>> -> memref<40x512xf32, #tpu.memory_space<hbm>>
    %dma_wait3A_22 = arith.constant 0 : i32
    %dma_wait3A_23 = arith.constant 0 : i32
    %dma_wait3A_24 = tpu.memref_slice %arg4[%dma_wait3A_22, %dma_wait3A_23] : memref<819200x512xf32, #tpu.memory_space<hbm>> -> memref<40x512xf32, #tpu.memory_space<hbm>>
    tpu.wait_dma2 semaphore(%arg18 : memref<!tpu.dma_semaphore, #tpu.memory_space<semaphore_mem>>) src(%arg8 : memref<40x512xf32, #tpu.memory_space<vmem>>) dst(%dma_wait3A_24 : memref<40x512xf32, #tpu.memory_space<hbm>>)
    %dma_wait3A_25 = arith.constant 0 : i32
    %dma_wait3A_26 = arith.constant 0 : i32
    %dma_wait3A_27 = tpu.memref_slice %arg4[%dma_wait3A_25, %dma_wait3A_26] : memref<819200x512xf32, #tpu.memory_space<hbm>> -> memref<40x512xf32, #tpu.memory_space<hbm>>
    %dma_wait3A_28 = arith.constant 0 : i32
    %dma_wait3A_29 = arith.constant 0 : i32
    %dma_wait3A_30 = tpu.memref_slice %arg4[%dma_wait3A_28, %dma_wait3A_29] : memref<819200x512xf32, #tpu.memory_space<hbm>> -> memref<40x512xf32, #tpu.memory_space<hbm>>
    tpu.wait_dma2 semaphore(%arg19 : memref<!tpu.dma_semaphore, #tpu.memory_space<semaphore_mem>>) src(%arg9 : memref<40x512xf32, #tpu.memory_space<vmem>>) dst(%dma_wait3A_30 : memref<40x512xf32, #tpu.memory_space<hbm>>)
    %dma_wait3A_31 = arith.constant 0 : i32
    %dma_wait3A_32 = arith.constant 0 : i32
    %dma_wait3A_33 = tpu.memref_slice %arg4[%dma_wait3A_31, %dma_wait3A_32] : memref<819200x512xf32, #tpu.memory_space<hbm>> -> memref<40x512xf32, #tpu.memory_space<hbm>>
    %dma_wait3A_34 = arith.constant 0 : i32
    %dma_wait3A_35 = arith.constant 0 : i32
    %dma_wait3A_36 = tpu.memref_slice %arg4[%dma_wait3A_34, %dma_wait3A_35] : memref<819200x512xf32, #tpu.memory_space<hbm>> -> memref<40x512xf32, #tpu.memory_space<hbm>>
    tpu.wait_dma2 semaphore(%arg20 : memref<!tpu.dma_semaphore, #tpu.memory_space<semaphore_mem>>) src(%arg10 : memref<40x512xf32, #tpu.memory_space<vmem>>) dst(%dma_wait3A_36 : memref<40x512xf32, #tpu.memory_space<hbm>>)
    return
  }
}

</mosaic_0001>

<sc_bundles>
// kernel: kernel.3.cloned.1.call-start
scs
__scs_entry_jumppad:
0x0: {  	(pc) =	sbr.rel $0x88, $3  }
0x1: {  	(tag) =	ssettag $0x0;
	lr =	simm.s32 $0x1  }
0x2: {  	[smem:$0x3F9F] =	sst lr;
	_ =	strace $0xD0000000  }
0x3: {  	_ = 	snop  }
0x4: {  	_ = 	snop  }
0x5: {  	_ = 	snop  }
0x6: {  	_ = 	snop  }
0x7: {  	_ = 	snop  }
__scs_overlays_trampoline_lowered:
0x8: {  	[smem:$0x3FAE] =	sst s0  }
0x9: {  	[smem:$0x3FAF] =	sst s1  }
0xa: {  	[smem:$0x3FB0] =	sst s2  }
0xb: {  	[smem:$0x3FB1] =	sst s3  }
0xc: {  	[smem:$0x3FB2] =	sst s4  }
0xd: {  	[smem:$0x3FB3] =	sst s5  }
0xe: {  	[smem:$0x3FB4] =	sst s6  }
0xf: {  	[smem:$0x3FB5] =	sst s7  }
0x10: {  	[smem:$0x3FB6] =	sst s8  }
0x11: {  	[smem:$0x3FB7] =	sst s9;
	s0 =	simm.s32 @!p0 $0x0  }
0x12: {  	s1 =	sld [smem:$0x3F9D];
	s0 =	simm.s32 @p0 $0x1  }
0x13: {  	[smem:$0x3FB8] =	sst s0;
	s0 =	simm.s32 @!p1 $0x0  }
0x14: {  	s2 =	sld [smem:$0x3F9C];
	s0 =	simm.s32 @p1 $0x1  }
0x15: {  	[smem:$0x3FB9] =	sst s0;
	s0 =	simm.s32 @!p2 $0x0  }
0x16: {  	s3 =	sld [smem:$0x3FDB];
	s0 =	simm.s32 @p2 $0x1  }
0x17: {  	s4 =	simm.s32 $0x1BF5;
	[smem:$0x3FBB] =	sst s0  }
0x18: {  	s0 =	sld [smem:$0x3F9E];
	_ =	swait.ge [sflag:s4], $0x0  }
0x19: {  	s7 =	sld [smem:$0x3F9F]  }
0x1a: {  	s8 =	sadd.s32 $0xFFFFE003, lr  }
0x1b: {  	s9 =	sadd.s32 $0xFFFFFEF7, lr;
	s5 =	simm.s32 $0xFFFFFFFF;
	p2 =	slt.u32 s8, $0xFFFFF086  }
0x1c: {  	p1 =	slt.u32 s9, $0xF7A;
	s5 =	simm.s32 @!p2 $0x0  }
0x1d: {  	s5 =	simm.s32 @p1 $0x1;
	p0 =	seq.s32 s7, s2  }
0x1e: {  	s7 =	smul.u32 @!p0 $0xF7A, s2;
	p2 =	seq.s32 @!p0 s5, $0x0  }
0x1f: {  	s9 =	smul.u32 $0xF7A, s1;
	s8 =	simm.s32 @!p0 $0x1BF5;
	p2 =	por !p2, p0  }
0x20: {  	[sflag:s8] =	ssyncset.s32 @!p0 $0xFFFFF086;
	s6 =	sadd.s32 @!p0 s3, s7;
	s7 =	simm.s32 @!p0 $0x108  }
0x21: {  	s3 =	sadd.s32 s3, s9;
	s6 =	sadd.s32 @!p0 $0x88, s6;
	s7 =	simm.s32 @p2 $0x1082  }
0x22: {  	[simem:s7], [sflag:s8] =	dma.local @!p0 [hbm:s6], $0xF7A  }
0x23: {  	s9 =	sor.u32 $0xD0000000, s2;
	s6 =	simm.s32 $0x108;
	_ =	swait.ge @!p0 [sflag:s8], $0x0  }
0x24: {  	s3 =	sadd.s32 $0x88, s3;
	s6 =	simm.s32 @!p1 $0x1082;
	[sflag:s4] =	ssyncset.s32 $0xFFFFF086  }
0x25: {  	[simem:s6], [sflag:s4] =	dma.local [hbm:s3], $0xF7A  }
0x26: {  	[smem:$0x3F9F] =	sst s1;
	(tag) =	ssettag s2;
	_ =	strace s9  }
0x27: {  	s1 =	sld [smem:$0x3FAF]  }
0x28: {  	s2 =	sld [smem:$0x3FB0]  }
0x29: {  	s4 =	sld [smem:$0x3FB2]  }
0x2a: {  	p0 =	seq.s32 s5, $0x0;
	s5 =	sld [smem:$0x3FB3]  }
0x2b: {  	s6 =	sld [smem:$0x3FB4]  }
0x2c: {  	s7 =	sld [smem:$0x3FB5]  }
0x2d: {  	s3 =	simm.s32 $0x108;
	s8 =	sld [smem:$0x3FB6]  }
0x2e: {  	s3 =	simm.s32 @!p0 $0x1082;
	s9 =	sld [smem:$0x3FB7]  }
0x2f: {  	lr =	sadd.s32 s0, s3;
	s0 =	sld [smem:$0x3FAE]  }
0x30: {  	s3 =	sld [smem:$0x3FB1]  }
0x31: {  	[smem:$0x3FBA] =	sst s10  }
0x32: {  	s10 =	sld [smem:$0x3FB8];
	_ =	sdelay $0x3  }
0x33: {  	p0 =	seq.s32 s10, $0x1;
	s10 =	sld [smem:$0x3FBA];
	_ =	sdelay $0x3  }
0x34: {  	[smem:$0x3FBA] =	sst s10  }
0x35: {  	s10 =	sld [smem:$0x3FB9];
	_ =	sdelay $0x3  }
0x36: {  	p1 =	seq.s32 s10, $0x1;
	s10 =	sld [smem:$0x3FBA];
	_ =	sdelay $0x3  }
0x37: {  	[smem:$0x3FBA] =	sst s10  }
0x38: {  	s10 =	sld [smem:$0x3FBB]  }
0x39: {  	_ = 	snop;
	(pc) =	sbr.ind lr, $3  }
0x3a: {  	_ = 	snop  }
0x3b: {  	_ = 	snop  }
0x3c: {  	p2 =	seq.s32 s10, $0x1;
	s10 =	sld [smem:$0x3FBA]  }
0x3d: {  	_ =	shalt  }
0x3e: {  	_ =	shalt  }
0x3f: {  	_ =	shalt  }
0x40: {  	_ =	shalt  }
0x41: {  	_ =	shalt  }
0x42: {  	_ =	shalt  }
0x43: {  	_ =	shalt  }
0x44: {  	_ =	shalt  }
0x45: {  	_ =	shalt  }
0x46: {  	_ =	shalt  }
0x47: {  	_ =	shalt  }
0x48: {  	_ =	shalt  }
0x49: {  	_ =	shalt  }
0x4a: {  	_ =	shalt  }
0x4b: {  	_ =	shalt  }
0x4c: {  	_ =	shalt  }
0x4d: {  	_ =	shalt  }
0x4e: {  	_ =	shalt  }
0x4f: {  	_ =	shalt  }
0x50: {  	_ =	shalt  }
0x51: {  	_ =	shalt  }
0x52: {  	_ =	shalt  }
0x53: {  	_ =	shalt  }
0x54: {  	_ =	shalt  }
0x55: {  	_ =	shalt  }
0x56: {  	_ =	shalt  }
0x57: {  	_ =	shalt  }
0x58: {  	_ =	shalt  }
0x59: {  	_ =	shalt  }
0x5a: {  	_ =	shalt  }
0x5b: {  	_ =	shalt  }
0x5c: {  	_ =	shalt  }
0x5d: {  	_ =	shalt  }
0x5e: {  	_ =	shalt  }
0x5f: {  	_ =	shalt  }
0x60: {  	_ =	shalt  }
0x61: {  	_ =	shalt  }
0x62: {  	_ =	shalt  }
0x63: {  	_ =	shalt  }
0x64: {  	_ =	shalt  }
0x65: {  	_ =	shalt  }
0x66: {  	_ =	shalt  }
0x67: {  	_ =	shalt  }
0x68: {  	_ =	shalt  }
0x69: {  	_ =	shalt  }
0x6a: {  	_ =	shalt  }
0x6b: {  	_ =	shalt  }
0x6c: {  	_ =	shalt  }
0x6d: {  	_ =	shalt  }
0x6e: {  	_ =	shalt  }
0x6f: {  	_ =	shalt  }
0x70: {  	_ =	shalt  }
0x71: {  	_ =	shalt  }
0x72: {  	_ =	shalt  }
0x73: {  	_ =	shalt  }
0x74: {  	_ =	shalt  }
0x75: {  	_ =	shalt  }
0x76: {  	_ =	shalt  }
0x77: {  	_ =	shalt  }
0x78: {  	_ =	shalt  }
0x79: {  	_ =	shalt  }
0x7a: {  	_ =	shalt  }
0x7b: {  	_ =	shalt  }
0x7c: {  	_ =	shalt  }
0x7d: {  	_ =	shalt  }
0x7e: {  	_ =	shalt  }
0x7f: {  	_ =	shalt  }
0x80: {  	_ =	shalt  }
0x81: {  	_ =	shalt  }
0x82: {  	_ =	shalt  }
0x83: {  	_ =	shalt  }
0x84: {  	_ =	shalt  }
0x85: {  	_ =	shalt  }
0x86: {  	_ =	shalt  }
0x87: {  	_ =	shalt  }
.Lfunc_end0:
.L_simem_size_0:
called_computation_lowered:
.L_overlay_start_0:
0x88: {  	s2 =	sld [smem:$0x3FD9]  }
0x89: {  	s3 =	sld [smem:$0x3FFE];
	_ =	sdelay $0x1  }
0x8a: {  	s1 =	srdreg.scid  }
0x8b: {  	s0 =	sand.u32 $0x1, s1  }
0x8c: {  	s17 =	sshll.u32 s0, $0xA;
	s2 =	sadd.s32 s3, s2  }
0x8d: {  	s2 =	sadd.s32 s2, s17  }
0x8e: {  	[smem:$0x3FC6] =	sst s2  }
0x8f: {  	_ = 	snop  }
0x90: {  	s2 =	sld [smem:$0x3FC8]  }
0x91: {  	s18 =	sld [smem:$0x3FD0];
	(tm) =	ssettm $0x1  }
0x92: {  	s4 =	sld [smem:$0x3FFB];
	_ =	sdelay $0x3  }
0x93: {  	_ =	strace s4  }
0x94: {  	s4 =	sld [smem:$0x3FFC];
	_ =	sdelay $0x3  }
0x95: {  	_ =	strace s4  }
0x96: {  	s4 =	sld [smem:$0x3FFD];
	_ =	sdelay $0x3  }
0x97: {  	_ =	strace s4  }
0x98: {  	_ =	strace $0x8FFFFFFF  }
0x99: {  	s19 =	sld [smem:$0x3FDB];
	_ =	sdelay $0x1  }
0x9a: {  	s5 =	simm.s32 $_scs_section_size  }
0x9b: {  	s6 =	simm.s32 $_size__tile_overlayer_lowered;
	s7 =	simm.s32 $_tile_overlayer_lowered  }
0x9c: {  	s22 =	simm.s32 $0x1BFF;
	s21 =	sshll.u32 s7, $0x1;
	s4 =	sadd.s32 s5, s19  }
0x9d: {  	s8 =	simm.s32 $0x0;
	s20 =	sshll.u32 s6, $0x1;
	s6 =	sadd.s32 s21, s4  }
0x9e: {  	[timem:s8], [sflag:s22] =	dma.local [hbm:s6], s20  }
0x9f: {  	_ =	swait.ge [sflag:s22], s20  }
0xa0: {  	s5 =	ssub.s32 $0x0, s20;
	[sflag:s22] =	ssyncset.done $0x0  }
0xa1: {  	[sflag:s22] =	ssyncadd.s32 s5;
	_ =	sdelay $0x1  }
0xa2: {  	s23 =	simm.s32 $0x1B8B  }
0xa3: {  	_ =	swait.ge [sflag:s23], $0x1  }
0xa4: {  	[sflag:s23] =	ssyncset.done $0x0  }
0xa5: {  	s25 =	simm.s32 $0x1B8E;
	s24 =	sld [smem:$0x3FFE];
	[sflag:s23] =	ssyncadd.s32 $0xFFFFFFFF  }
0xa6: {  	s26 =	simm.s32 $execute0_lowered;
	[smem:$0x3FD2] =	sst s25  }
0xa7: {  	s6 =	sshll.u32 s26, $0x1;
	_ =	strace $0x80000046;
	[dreg:$0x1] =	wrdreg $0xFFFFFFFF  }
0xa8: {  	s28 =	simm.s32 $_size_execute0_lowered;
	s4 =	sadd.s32 s4, s6;
	[dreg:$0x0] =	wrdreg $0x0  }
0xa9: {  	s6 =	sshll.u32 s28, $0x1;
	[dreg:$0x2] =	wrdreg s4  }
0xaa: {  	[dreg:$0x3] =	wrdreg s6  }
0xab: {  	[dreg:$0x4] =	wrdreg $0xC0  }
0xac: {  	_ =	task [dreg:s8], $0x5FFFF  }
0xad: {  	[dreg:$0x1] =	wrdreg $0xFFFFFFFF  }
0xae: {  	[dreg:$0x0] =	wrdreg $0x60  }
0xaf: {  	[dreg:$0x2] =	wrdreg s2  }
0xb0: {  	[dreg:$0x3] =	wrdreg s24  }
0xb1: {  	[dreg:$0x4] =	wrdreg s18  }
0xb2: {  	[dreg:$0x5] =	wrdreg $0x9  }
0xb3: {  	_ =	task.clear_ibuf [dreg:s8], $0x6FFFF;
	_ =	strace $0x90000046  }
0xb4: {  	s29 =	simm.s32 $0x9;
	_ =	strace $0x80000048  }
0xb5: {  	_ =	swait.ge [sflag:s29], $0x1  }
0xb6: {  	[sflag:s29] =	ssyncadd.s32 $0xFFFFFFFF  }
0xb7: {  	_ =	strace $0x90000048  }
0xb8: {  	_ =	sfence  }
0xb9: {  	s30 =	sld [smem:$0x0];
	_ =	sdelay $0x2  }
0xba: {  	s31 =	sshll.u32 s1, $0xD;
	s1 =	sshrl.u32 s1, $0x2  }
0xbb: {  	s3 =	sand.u32 $0x4000, s31;
	s1 =	sadd.s32 s1, s30  }
0xbc: {  	s0 =	sor.u32 s3, s0;
	s1 =	sshll.u32 s1, $0x11  }
0xbd: {  	s0 =	sor.u32 s1, s0  }
0xbe: {  	s0 =	sadd.s32 $0x8F2B, s0  }
0xbf: {  	[sflag:s0] =	ssyncadd.remote.s32 $0x1  }
0xc0: {  	_ =	sfence.sel $0xFFFF  }
0xc1: {  	[dreg:$0x0] =	wrdreg $0xFFFFFFFF;
	(pc) =	sbr.abs _section_cstart, $3  }
0xc2: {  	[dreg:$0x1] =	wrdreg $0xFFFFFFFF  }
0xc3: {  	_ =	task.clear_ibuf [dreg:s8], $0x2FFFF;
	_ =	strace $0x9FFFFFFF  }
0xc4: {  	(tm) =	ssettm $0x7FFFFFFF  }
0xc5: {  	_ =	shalt  }
tec
execute0_lowered:
.L_overlay_start_1:
0x0: {  	(tag) =	ssettag $0x1  }
0x1: {  	s1 =	rddreg [dreg:$0x0]  }
0x2: {  	s0 =	srdreg.scid;
	s6 =	rddreg [dreg:$0x1]  }
0x3: {  	s2 =	stileid.u32;
	s3 =	rddreg [dreg:$0x2];
	s5 =	simm.s32 $0x0  }
0x4: {  	s10 =	simm.s32 $0x10400;
	s12 =	simm.s32 $0x11400;
	s13 =	simm.s32 $0x11C00  }
0x5: {  	s14 =	simm.s32 $0x12400;
	s15 =	simm.s32 $0x12C00;
	s16 =	simm.s32 $0x13400  }
0x6: {  	s17 =	simm.s32 $0x13C00;
	s18 =	simm.s32 $0x14400;
	s19 =	simm.s32 $0x14C00  }
0x7: {  	s20 =	simm.s32 $0x1;
	s21 =	simm.s32 $0x6400;
	s22 =	simm.s32 $0x2  }
0x8: {  	s23 =	simm.s32 $0xB400;
	s0 =	sand.u32 $0x1, s0;
	s2 =	sshll.u32 s2, $0x1  }
0x9: {  	s24 =	simm.s32 $0x3;
	s25 =	simm.s32 $0x4;
	s2 =	sor.u32 s0, s2  }
0xa: {  	s26 =	simm.s32 $0x15400;
	s0 =	ssub.s32 $0x2, s0;
	s4 =	smul.u32 $0x6400, s2  }
.Ltmp0:
0xb: {  	s28 =	simm.s32 $0x5;
	s31 =	sshrl.u32 s0, $0x1;
	(pc) =	sbr.rel .LBB2_1-.Ltmp0, $4  }
0xc: {  	s29 =	simm.s32 $0x1A400;
	s0 =	ssub.s32 s0, s31;
	s2 =	sshrl.u32 s4, $0x3  }
0xd: {  	v2 =	vlaneseq.u32;
	[smem:$0x7FF] =	sst s5;
	s0 =	smax.u32 s0, $0x1;
	s2 =	sadd.s32 s2, s6  }
0xe: {  	vm0 =	vmmov $0xffff;
	v1 =	vshrl.u32 v2, $0x3;
	_ =	strace $0x80000047;
	[dreg:$0x5] =	wrdreg s0;
	s2 =	sadd.s32 $0x400, s2  }
0xf: {  	s8 =	simm.s32 $0x0;
	s7 =	sadd.s32 $0x100, s1;
	v0 =	vand.u32 $0x7, v2;
	v2 =	vor.u32 $0x8, v2;
	v1 =	vmul.u32 $0x8, v1;
	[dreg:$0x4] =	wrdreg s2  }
.LBB2_29:
0x10: {  	s0 =	simm.s32 $0x6  }
0x11: {  	_ =	swait.ge [sflag:s0], $0x5000  }
0x12: {  	[sflag:s0] =	ssyncset.done $0x0  }
0x13: {  	s9 =	simm.s32 $0x7;
	[sflag:s0] =	ssyncadd.s32 $0xFFFFB000  }
0x14: {  	_ =	swait.ge [sflag:s9], $0x5000  }
0x15: {  	[sflag:s9] =	ssyncset.done $0x0  }
0x16: {  	s11 =	simm.s32 $0x8;
	[sflag:s9] =	ssyncadd.s32 $0xFFFFB000  }
0x17: {  	_ =	swait.ge [sflag:s11], $0x5000  }
0x18: {  	[sflag:s11] =	ssyncset.done $0x0  }
0x19: {  	s30 =	simm.s32 $0x9;
	[sflag:s11] =	ssyncadd.s32 $0xFFFFB000  }
0x1a: {  	_ =	swait.ge [sflag:s30], $0x5000  }
0x1b: {  	[sflag:s30] =	ssyncset.done $0x0  }
0x1c: {  	s2 =	simm.s32 $0xA;
	[sflag:s30] =	ssyncadd.s32 $0xFFFFB000  }
0x1d: {  	_ =	swait.ge [sflag:s2], $0x5000  }
0x1e: {  	s8 =	sadd.s32 $0x1, s8;
	s31 =	rddreg [dreg:$0x5]  }
0x1f: {  	p0 =	sne.s32 s8, s31  }
.Ltmp1:
0x20: {  	_ = 	snop;
	(pc) =	sbr.rel @!p0 .LBB2_30-.Ltmp1, $3  }
0x21: {  	_ =	sdelay $0x1  }
0x22: {  	[sflag:s2] =	ssyncset.done $0x0  }
0x23: {  	[sflag:s2] =	ssyncadd.s32 $0xFFFFB000  }
.LBB2_1:
.Ltmp2:
0x24: {  	s0 =	rddreg [dreg:$0x4];
	s31 =	simm.s32 $0xB;
	(pc) =	sbr.rel .LBB2_2-.Ltmp2, $4  }
0x25: {  	[tilespmem:s5], [sflag:$0xB] =	stream.linear.gather [hbm4b:s0+s5], $0x6400, $0x38;
	[tilespmem:$0x1F400] =	vst v63  }
0x26: {  	_ =	swait.ge [sflag:s31], $0x6400  }
0x27: {  	[sflag:s31] =	ssyncset.done $0x0  }
0x28: {  	s9 =	simm.s32 $0x0;
	[sflag:s31] =	ssyncadd.s32 $0xFFFF9C00  }
.LBB2_28:
0x29: {  	s9 =	sadd.s32 $0x1, s9  }
0x2a: {  	p0 =	sne.s32 s9, $0x284  }
.Ltmp3:
0x2b: {  	_ = 	snop;
	(pc) =	sbr.rel @!p0 .LBB2_29-.Ltmp3, $1  }
0x2c: {  	_ =	sdelay $0x3  }
.LBB2_2:
0x2d: {  	p0 =	sgt.u32 s9, $0x27F  }
.Ltmp4:
0x2e: {  	_ = 	snop;
	(pc) =	sbr.rel @p0 .LBB2_9-.Ltmp4, $1  }
0x2f: {  	_ =	sdelay $0x3  }
0x30: {  	s0 =	smul.u32 $0xCCCD, s9;
	_ =	sdelay $0x1  }
0x31: {  	s0 =	sshrl.u32 s0, $0x12  }
0x32: {  	s0 =	smul.u32 $0x5, s0;
	_ =	sdelay $0x1  }
0x33: {  	s0 =	ssub.s32 s9, s0  }
0x34: {  	s0 =	sand.u32 $0xFFFF, s0  }
0x35: {  	p0 =	sgt.s32 s0, $0x1  }
.Ltmp5:
0x36: {  	_ = 	snop;
	(pc) =	sbr.rel @!p0 .LBB2_4-.Ltmp5, $1  }
0x37: {  	_ =	sdelay $0x3  }
0x38: {  	p0 =	seq.s32 s0, $0x2  }
.Ltmp6:
0x39: {  	_ = 	snop;
	(pc) =	sbr.rel @p0 .LBB2_7-.Ltmp6, $1  }
0x3a: {  	_ =	sdelay $0x3  }
0x3b: {  	p0 =	seq.s32 s0, $0x3  }
0x3c: {  	p1 =	slt.u32 @p0 s9, $0x5  }
0x3d: {  	p1 =	por p1, !p0  }
0x3e: {  	s0 =	simm.s32 @!p1 $0x9  }
0x3f: {  	s2 =	smul.u32 @p0 $0xA0, s9;
	_ =	swait.ge @!p1 [sflag:s0], $0x5000  }
0x40: {  	[sflag:s0] =	ssyncset.done @!p1 $0x0  }
0x41: {  	[sflag:s0] =	ssyncadd.s32 @!p1 $0xFFFFB000;
	s0 =	sshra.s32 @p0 s2, $0x2  }
0x42: {  	v3 =	vld @p0 [tilespmem:s0+$0x0];
	_ =	sdelay $0x4  }
0x43: {  	v4 =	vshll.u32 @p0 v3, $0x2  }
0x44: {  	v5 =	vlaneseq.u32 @p0;
	v3 =	vand.u32 @p0 $0x7, v3;
	v4 =	vand.u32 @p0 $0xFFFFFFE0, v4  }
0x45: {  	v6 =	vshrl.u32 @p0 v5, $0x3;
	v3 =	vor.u32 @p0 v3, v4;
	v4 =	vand.u32 @p0 $0x7, v5  }
0x46: {  	v6 =	vmul.u32 @p0 $0x8, v6;
	v7 =	vperm.xlane @p0 v3, v4;
	_ =	sdelay $0x1  }
0x47: {  	v7 =	vadd.s32 @p0 v6, v7  }
0x48: {  	v5 =	vor.u32 @p0 $0x8, v5  }
0x49: {  	v3 =	vperm.xlane @p0 v3, v5;
	_ =	sdelay $0x1  }
0x4a: {  	vm1 =	vmmov @p0 $0xffff;
	s30 =	simm.s32 @p0 $0x15400;
	s2 =	simm.s32 @p0 $0x0;
	v3 =	vadd.s32 @p0 v6, v3  }
0x4b: {  	[tilespmem:s30], [sflag:$0x4] =	stream.indirect_vreg.gather @p0 [hbm4b:s1+s2], $0x80, v7, vm1, $0xb8;
	[tilespmem:$0x1F400] =	vst v63  }
0x4c: {  	s30 =	simm.s32 @p0 $0x15C00  }
0x4d: {  	[tilespmem:s30], [sflag:$0x4] =	stream.indirect_vreg.gather @p0 [hbm4b:s7+s2], $0x80, v7, vm1, $0xb8;
	[tilespmem:$0x1F400] =	vst v63  }
0x4e: {  	s30 =	simm.s32 @p0 $0x16400  }
0x4f: {  	[tilespmem:s30], [sflag:$0x4] =	stream.indirect_vreg.gather @p0 [hbm4b:s1+s2], $0x80, v3, vm1, $0xb8;
	[tilespmem:$0x1F400] =	vst v63  }
0x50: {  	s30 =	simm.s32 @p0 $0x16C00  }
0x51: {  	[tilespmem:s30], [sflag:$0x4] =	stream.indirect_vreg.gather @p0 [hbm4b:s7+s2], $0x80, v3, vm1, $0xb8;
	[tilespmem:$0x1F400] =	vst v63  }
0x52: {  	v3 =	vld @p0 [tilespmem:s0+$0x10];
	_ =	sdelay $0x4  }
0x53: {  	v7 =	vshll.u32 @p0 v3, $0x2  }
0x54: {  	v3 =	vand.u32 @p0 $0x7, v3;
	v7 =	vand.u32 @p0 $0xFFFFFFE0, v7  }
0x55: {  	v3 =	vor.u32 @p0 v3, v7  }
0x56: {  	v7 =	vperm.xlane @p0 v3, v4;
	_ =	sdelay $0x1  }
0x57: {  	v7 =	vadd.s32 @p0 v6, v7;
	_ =	sdelay $0x1  }
0x58: {  	v3 =	vperm.xlane @p0 v3, v5;
	_ =	sdelay $0x1  }
0x59: {  	s30 =	simm.s32 @p0 $0x17400;
	v3 =	vadd.s32 @p0 v6, v3  }
0x5a: {  	[tilespmem:s30], [sflag:$0x4] =	stream.indirect_vreg.gather @p0 [hbm4b:s1+s2], $0x80, v7, vm1, $0xb8;
	[tilespmem:$0x1F400] =	vst v63  }
0x5b: {  	s30 =	simm.s32 @p0 $0x17C00  }
0x5c: {  	[tilespmem:s30], [sflag:$0x4] =	stream.indirect_vreg.gather @p0 [hbm4b:s7+s2], $0x80, v7, vm1, $0xb8;
	[tilespmem:$0x1F400] =	vst v63  }
0x5d: {  	s30 =	simm.s32 @p0 $0x18400  }
0x5e: {  	[tilespmem:s30], [sflag:$0x4] =	stream.indirect_vreg.gather @p0 [hbm4b:s1+s2], $0x80, v3, vm1, $0xb8;
	[tilespmem:$0x1F400] =	vst v63  }
0x5f: {  	s30 =	simm.s32 @p0 $0x18C00  }
0x60: {  	[tilespmem:s30], [sflag:$0x4] =	stream.indirect_vreg.gather @p0 [hbm4b:s7+s2], $0x80, v3, vm1, $0xb8;
	[tilespmem:$0x1F400] =	vst v63  }
0x61: {  	v3 =	vld.msk @p0 [tilespmem:s0+$0x20], $0xff;
	_ =	sdelay $0x4  }
0x62: {  	v5 =	vshll.u32 @p0 v3, $0x2  }
0x63: {  	v3 =	vand.u32 @p0 $0x7, v3;
	v5 =	vand.u32 @p0 $0xFFFFFFE0, v5  }
0x64: {  	v3 =	vor.u32 @p0 v3, v5  }
0x65: {  	v3 =	vperm.xlane @p0 v3, v4;
	_ =	sdelay $0x1  }
0x66: {  	v3 =	vadd.s32 @p0 v6, v3;
	_ =	sdelay $0x3  }
0x67: {  	p1 =	slt.u32 @!p0 s9, $0x5;
	s0 =	simm.s32 @p0 $0x19400  }
0x68: {  	[tilespmem:s0], [sflag:$0x4] =	stream.indirect_vreg.gather @p0 [hbm4b:s1+s2], $0x80, v3, vm1, $0xb8;
	[tilespmem:$0x1F400] =	vst v63  }
0x69: {  	p1 =	por p1, p0;
	s0 =	simm.s32 @p0 $0x19C00  }
0x6a: {  	[tilespmem:s0], [sflag:$0x4] =	stream.indirect_vreg.gather @p0 [hbm4b:s7+s2], $0x80, v3, vm1, $0xb8;
	[tilespmem:$0x1F400] =	vst v63  }
0x6b: {  	s0 =	simm.s32 @!p1 $0xA  }
0x6c: {  	s2 =	smul.u32 @!p0 $0xA0, s9;
	_ =	swait.ge @!p1 [sflag:s0], $0x5000  }
0x6d: {  	[sflag:s0] =	ssyncset.done @!p1 $0x0  }
0x6e: {  	[sflag:s0] =	ssyncadd.s32 @!p1 $0xFFFFB000;
	s0 =	sshra.s32 @!p0 s2, $0x2  }
0x6f: {  	v3 =	vld @!p0 [tilespmem:s0+$0x0];
	_ =	sdelay $0x4  }
0x70: {  	v4 =	vshll.u32 @!p0 v3, $0x2  }
0x71: {  	v5 =	vlaneseq.u32 @!p0;
	v3 =	vand.u32 @!p0 $0x7, v3;
	v4 =	vand.u32 @!p0 $0xFFFFFFE0, v4  }
0x72: {  	v6 =	vshrl.u32 @!p0 v5, $0x3;
	v3 =	vor.u32 @!p0 v3, v4;
	v4 =	vand.u32 @!p0 $0x7, v5  }
0x73: {  	v6 =	vmul.u32 @!p0 $0x8, v6;
	v7 =	vperm.xlane @!p0 v3, v4;
	_ =	sdelay $0x1  }
0x74: {  	v7 =	vadd.s32 @!p0 v6, v7  }
0x75: {  	v5 =	vor.u32 @!p0 $0x8, v5  }
0x76: {  	v3 =	vperm.xlane @!p0 v3, v5;
	_ =	sdelay $0x1  }
0x77: {  	s30 =	simm.s32 @!p0 $0x1A400;
	vm1 =	vmmov @!p0 $0xffff;
	s2 =	simm.s32 @!p0 $0x0;
	v3 =	vadd.s32 @!p0 v6, v3  }
0x78: {  	[tilespmem:s30], [sflag:$0x5] =	stream.indirect_vreg.gather @!p0 [hbm4b:s1+s2], $0x80, v7, vm1, $0xb8;
	[tilespmem:$0x1F400] =	vst v63  }
0x79: {  	s30 =	simm.s32 @!p0 $0x1AC00  }
0x7a: {  	[tilespmem:s30], [sflag:$0x5] =	stream.indirect_vreg.gather @!p0 [hbm4b:s7+s2], $0x80, v7, vm1, $0xb8;
	[tilespmem:$0x1F400] =	vst v63  }
0x7b: {  	s30 =	simm.s32 @!p0 $0x1B400  }
0x7c: {  	[tilespmem:s30], [sflag:$0x5] =	stream.indirect_vreg.gather @!p0 [hbm4b:s1+s2], $0x80, v3, vm1, $0xb8;
	[tilespmem:$0x1F400] =	vst v63  }
0x7d: {  	s30 =	simm.s32 @!p0 $0x1BC00  }
0x7e: {  	[tilespmem:s30], [sflag:$0x5] =	stream.indirect_vreg.gather @!p0 [hbm4b:s7+s2], $0x80, v3, vm1, $0xb8;
	[tilespmem:$0x1F400] =	vst v63  }
0x7f: {  	v3 =	vld @!p0 [tilespmem:s0+$0x10];
	_ =	sdelay $0x4  }
0x80: {  	v7 =	vshll.u32 @!p0 v3, $0x2  }
0x81: {  	v3 =	vand.u32 @!p0 $0x7, v3;
	v7 =	vand.u32 @!p0 $0xFFFFFFE0, v7  }
0x82: {  	v3 =	vor.u32 @!p0 v3, v7  }
0x83: {  	v7 =	vperm.xlane @!p0 v3, v4;
	_ =	sdelay $0x1  }
0x84: {  	v7 =	vadd.s32 @!p0 v6, v7;
	_ =	sdelay $0x1  }
0x85: {  	v3 =	vperm.xlane @!p0 v3, v5;
	_ =	sdelay $0x1  }
0x86: {  	s30 =	simm.s32 @!p0 $0x1C400;
	v3 =	vadd.s32 @!p0 v6, v3  }
0x87: {  	[tilespmem:s30], [sflag:$0x5] =	stream.indirect_vreg.gather @!p0 [hbm4b:s1+s2], $0x80, v7, vm1, $0xb8;
	[tilespmem:$0x1F400] =	vst v63  }
0x88: {  	s30 =	simm.s32 @!p0 $0x1CC00  }
0x89: {  	[tilespmem:s30], [sflag:$0x5] =	stream.indirect_vreg.gather @!p0 [hbm4b:s7+s2], $0x80, v7, vm1, $0xb8;
	[tilespmem:$0x1F400] =	vst v63  }
0x8a: {  	s30 =	simm.s32 @!p0 $0x1D400  }
0x8b: {  	[tilespmem:s30], [sflag:$0x5] =	stream.indirect_vreg.gather @!p0 [hbm4b:s1+s2], $0x80, v3, vm1, $0xb8;
	[tilespmem:$0x1F400] =	vst v63  }
0x8c: {  	s30 =	simm.s32 @!p0 $0x1DC00  }
0x8d: {  	[tilespmem:s30], [sflag:$0x5] =	stream.indirect_vreg.gather @!p0 [hbm4b:s7+s2], $0x80, v3, vm1, $0xb8;
	[tilespmem:$0x1F400] =	vst v63  }
0x8e: {  	v3 =	vld.msk @!p0 [tilespmem:s0+$0x20], $0xff;
	_ =	sdelay $0x4  }
0x8f: {  	v5 =	vshll.u32 @!p0 v3, $0x2  }
0x90: {  	v3 =	vand.u32 @!p0 $0x7, v3;
	v5 =	vand.u32 @!p0 $0xFFFFFFE0, v5  }
0x91: {  	v3 =	vor.u32 @!p0 v3, v5  }
0x92: {  	v3 =	vperm.xlane @!p0 v3, v4;
	_ =	sdelay $0x1  }
0x93: {  	v3 =	vadd.s32 @!p0 v6, v3;
	_ =	sdelay $0x2  }
.Ltmp7:
0x94: {  	_ = 	snop;
	(pc) =	sbr.rel .LBB2_8-.Ltmp7, $4  }
0x95: {  	s0 =	simm.s32 @!p0 $0x1E400  }
0x96: {  	[tilespmem:s0], [sflag:$0x5] =	stream.indirect_vreg.gather @!p0 [hbm4b:s1+s2], $0x80, v3, vm1, $0xb8;
	[tilespmem:$0x1F400] =	vst v63  }
0x97: {  	s0 =	simm.s32 @!p0 $0x1EC00  }
0x98: {  	[tilespmem:s0], [sflag:$0x5] =	stream.indirect_vreg.gather @!p0 [hbm4b:s7+s2], $0x80, v3, vm1, $0xb8;
	[tilespmem:$0x1F400] =	vst v63  }
.LBB2_4:
0x99: {  	p0 =	seq.s32 s0, $0x0  }
0x9a: {  	p1 =	slt.u32 @p0 s9, $0x5  }
0x9b: {  	p1 =	por p1, !p0  }
0x9c: {  	s0 =	simm.s32 @!p1 $0x6  }
0x9d: {  	s2 =	smul.u32 @p0 $0xA0, s9;
	_ =	swait.ge @!p1 [sflag:s0], $0x5000  }
0x9e: {  	[sflag:s0] =	ssyncset.done @!p1 $0x0  }
0x9f: {  	[sflag:s0] =	ssyncadd.s32 @!p1 $0xFFFFB000;
	s0 =	sshra.s32 @p0 s2, $0x2  }
0xa0: {  	v3 =	vld @p0 [tilespmem:s0+$0x0];
	_ =	sdelay $0x4  }
0xa1: {  	v4 =	vshll.u32 @p0 v3, $0x2  }
0xa2: {  	v5 =	vlaneseq.u32 @p0;
	v3 =	vand.u32 @p0 $0x7, v3;
	v4 =	vand.u32 @p0 $0xFFFFFFE0, v4  }
0xa3: {  	v6 =	vshrl.u32 @p0 v5, $0x3;
	v3 =	vor.u32 @p0 v3, v4;
	v4 =	vand.u32 @p0 $0x7, v5  }
0xa4: {  	v6 =	vmul.u32 @p0 $0x8, v6;
	v7 =	vperm.xlane @p0 v3, v4;
	_ =	sdelay $0x1  }
0xa5: {  	v7 =	vadd.s32 @p0 v6, v7  }
0xa6: {  	v5 =	vor.u32 @p0 $0x8, v5  }
0xa7: {  	v3 =	vperm.xlane @p0 v3, v5;
	_ =	sdelay $0x1  }
0xa8: {  	vm1 =	vmmov @p0 $0xffff;
	s30 =	simm.s32 @p0 $0x6400;
	s2 =	simm.s32 @p0 $0x0;
	v3 =	vadd.s32 @p0 v6, v3  }
0xa9: {  	[tilespmem:s30], [sflag:$0x1] =	stream.indirect_vreg.gather @p0 [hbm4b:s1+s2], $0x80, v7, vm1, $0xb8;
	[tilespmem:$0x1F400] =	vst v63  }
0xaa: {  	s30 =	simm.s32 @p0 $0x6C00  }
0xab: {  	[tilespmem:s30], [sflag:$0x1] =	stream.indirect_vreg.gather @p0 [hbm4b:s7+s2], $0x80, v7, vm1, $0xb8;
	[tilespmem:$0x1F400] =	vst v63  }
0xac: {  	s30 =	simm.s32 @p0 $0x7400  }
0xad: {  	[tilespmem:s30], [sflag:$0x1] =	stream.indirect_vreg.gather @p0 [hbm4b:s1+s2], $0x80, v3, vm1, $0xb8;
	[tilespmem:$0x1F400] =	vst v63  }
0xae: {  	s30 =	simm.s32 @p0 $0x7C00  }
0xaf: {  	[tilespmem:s30], [sflag:$0x1] =	stream.indirect_vreg.gather @p0 [hbm4b:s7+s2], $0x80, v3, vm1, $0xb8;
	[tilespmem:$0x1F400] =	vst v63  }
0xb0: {  	v3 =	vld @p0 [tilespmem:s0+$0x10];
	_ =	sdelay $0x4  }
0xb1: {  	v7 =	vshll.u32 @p0 v3, $0x2  }
0xb2: {  	v3 =	vand.u32 @p0 $0x7, v3;
	v7 =	vand.u32 @p0 $0xFFFFFFE0, v7  }
0xb3: {  	v3 =	vor.u32 @p0 v3, v7  }
0xb4: {  	v7 =	vperm.xlane @p0 v3, v4;
	_ =	sdelay $0x1  }
0xb5: {  	v7 =	vadd.s32 @p0 v6, v7;
	_ =	sdelay $0x1  }
0xb6: {  	v3 =	vperm.xlane @p0 v3, v5;
	_ =	sdelay $0x1  }
0xb7: {  	s30 =	simm.s32 @p0 $0x8400;
	v3 =	vadd.s32 @p0 v6, v3  }
0xb8: {  	[tilespmem:s30], [sflag:$0x1] =	stream.indirect_vreg.gather @p0 [hbm4b:s1+s2], $0x80, v7, vm1, $0xb8;
	[tilespmem:$0x1F400] =	vst v63  }
0xb9: {  	s30 =	simm.s32 @p0 $0x8C00  }
0xba: {  	[tilespmem:s30], [sflag:$0x1] =	stream.indirect_vreg.gather @p0 [hbm4b:s7+s2], $0x80, v7, vm1, $0xb8;
	[tilespmem:$0x1F400] =	vst v63  }
0xbb: {  	s30 =	simm.s32 @p0 $0x9400  }
0xbc: {  	[tilespmem:s30], [sflag:$0x1] =	stream.indirect_vreg.gather @p0 [hbm4b:s1+s2], $0x80, v3, vm1, $0xb8;
	[tilespmem:$0x1F400] =	vst v63  }
0xbd: {  	s30 =	simm.s32 @p0 $0x9C00  }
0xbe: {  	[tilespmem:s30], [sflag:$0x1] =	stream.indirect_vreg.gather @p0 [hbm4b:s7+s2], $0x80, v3, vm1, $0xb8;
	[tilespmem:$0x1F400] =	vst v63  }
0xbf: {  	v3 =	vld.msk @p0 [tilespmem:s0+$0x20], $0xff;
	_ =	sdelay $0x4  }
0xc0: {  	v5 =	vshll.u32 @p0 v3, $0x2  }
0xc1: {  	v3 =	vand.u32 @p0 $0x7, v3;
	v5 =	vand.u32 @p0 $0xFFFFFFE0, v5  }
0xc2: {  	v3 =	vor.u32 @p0 v3, v5  }
0xc3: {  	v3 =	vperm.xlane @p0 v3, v4;
	_ =	sdelay $0x1  }
0xc4: {  	v3 =	vadd.s32 @p0 v6, v3;
	_ =	sdelay $0x3  }
0xc5: {  	p1 =	slt.u32 @!p0 s9, $0x5;
	s0 =	simm.s32 @p0 $0xA400  }
0xc6: {  	[tilespmem:s0], [sflag:$0x1] =	stream.indirect_vreg.gather @p0 [hbm4b:s1+s2], $0x80, v3, vm1, $0xb8;
	[tilespmem:$0x1F400] =	vst v63  }
0xc7: {  	p1 =	por p1, p0;
	s0 =	simm.s32 @p0 $0xAC00  }
0xc8: {  	[tilespmem:s0], [sflag:$0x1] =	stream.indirect_vreg.gather @p0 [hbm4b:s7+s2], $0x80, v3, vm1, $0xb8;
	[tilespmem:$0x1F400] =	vst v63  }
0xc9: {  	s0 =	simm.s32 @!p1 $0x7  }
0xca: {  	s2 =	smul.u32 @!p0 $0xA0, s9;
	_ =	swait.ge @!p1 [sflag:s0], $0x5000  }
0xcb: {  	[sflag:s0] =	ssyncset.done @!p1 $0x0  }
0xcc: {  	[sflag:s0] =	ssyncadd.s32 @!p1 $0xFFFFB000;
	s0 =	sshra.s32 @!p0 s2, $0x2  }
0xcd: {  	v3 =	vld @!p0 [tilespmem:s0+$0x0];
	_ =	sdelay $0x4  }
0xce: {  	v4 =	vshll.u32 @!p0 v3, $0x2  }
0xcf: {  	v5 =	vlaneseq.u32 @!p0;
	v3 =	vand.u32 @!p0 $0x7, v3;
	v4 =	vand.u32 @!p0 $0xFFFFFFE0, v4  }
0xd0: {  	v6 =	vshrl.u32 @!p0 v5, $0x3;
	v3 =	vor.u32 @!p0 v3, v4;
	v4 =	vand.u32 @!p0 $0x7, v5  }
0xd1: {  	v6 =	vmul.u32 @!p0 $0x8, v6;
	v7 =	vperm.xlane @!p0 v3, v4;
	_ =	sdelay $0x1  }
0xd2: {  	v7 =	vadd.s32 @!p0 v6, v7  }
0xd3: {  	v5 =	vor.u32 @!p0 $0x8, v5  }
0xd4: {  	v3 =	vperm.xlane @!p0 v3, v5;
	_ =	sdelay $0x1  }
0xd5: {  	s30 =	simm.s32 @!p0 $0xB400;
	vm1 =	vmmov @!p0 $0xffff;
	s2 =	simm.s32 @!p0 $0x0;
	v3 =	vadd.s32 @!p0 v6, v3  }
0xd6: {  	[tilespmem:s30], [sflag:$0x2] =	stream.indirect_vreg.gather @!p0 [hbm4b:s1+s2], $0x80, v7, vm1, $0xb8;
	[tilespmem:$0x1F400] =	vst v63  }
0xd7: {  	s30 =	simm.s32 @!p0 $0xBC00  }
0xd8: {  	[tilespmem:s30], [sflag:$0x2] =	stream.indirect_vreg.gather @!p0 [hbm4b:s7+s2], $0x80, v7, vm1, $0xb8;
	[tilespmem:$0x1F400] =	vst v63  }
0xd9: {  	s30 =	simm.s32 @!p0 $0xC400  }
0xda: {  	[tilespmem:s30], [sflag:$0x2] =	stream.indirect_vreg.gather @!p0 [hbm4b:s1+s2], $0x80, v3, vm1, $0xb8;
	[tilespmem:$0x1F400] =	vst v63  }
0xdb: {  	s30 =	simm.s32 @!p0 $0xCC00  }
0xdc: {  	[tilespmem:s30], [sflag:$0x2] =	stream.indirect_vreg.gather @!p0 [hbm4b:s7+s2], $0x80, v3, vm1, $0xb8;
	[tilespmem:$0x1F400] =	vst v63  }
0xdd: {  	v3 =	vld @!p0 [tilespmem:s0+$0x10];
	_ =	sdelay $0x4  }
0xde: {  	v7 =	vshll.u32 @!p0 v3, $0x2  }
0xdf: {  	v3 =	vand.u32 @!p0 $0x7, v3;
	v7 =	vand.u32 @!p0 $0xFFFFFFE0, v7  }
0xe0: {  	v3 =	vor.u32 @!p0 v3, v7  }
0xe1: {  	v7 =	vperm.xlane @!p0 v3, v4;
	_ =	sdelay $0x1  }
0xe2: {  	v7 =	vadd.s32 @!p0 v6, v7;
	_ =	sdelay $0x1  }
0xe3: {  	v3 =	vperm.xlane @!p0 v3, v5;
	_ =	sdelay $0x1  }
0xe4: {  	s30 =	simm.s32 @!p0 $0xD400;
	v3 =	vadd.s32 @!p0 v6, v3  }
0xe5: {  	[tilespmem:s30], [sflag:$0x2] =	stream.indirect_vreg.gather @!p0 [hbm4b:s1+s2], $0x80, v7, vm1, $0xb8;
	[tilespmem:$0x1F400] =	vst v63  }
0xe6: {  	s30 =	simm.s32 @!p0 $0xDC00  }
0xe7: {  	[tilespmem:s30], [sflag:$0x2] =	stream.indirect_vreg.gather @!p0 [hbm4b:s7+s2], $0x80, v7, vm1, $0xb8;
	[tilespmem:$0x1F400] =	vst v63  }
0xe8: {  	s30 =	simm.s32 @!p0 $0xE400  }
0xe9: {  	[tilespmem:s30], [sflag:$0x2] =	stream.indirect_vreg.gather @!p0 [hbm4b:s1+s2], $0x80, v3, vm1, $0xb8;
	[tilespmem:$0x1F400] =	vst v63  }
0xea: {  	s30 =	simm.s32 @!p0 $0xEC00  }
0xeb: {  	[tilespmem:s30], [sflag:$0x2] =	stream.indirect_vreg.gather @!p0 [hbm4b:s7+s2], $0x80, v3, vm1, $0xb8;
	[tilespmem:$0x1F400] =	vst v63  }
0xec: {  	v3 =	vld.msk @!p0 [tilespmem:s0+$0x20], $0xff;
	_ =	sdelay $0x4  }
0xed: {  	v5 =	vshll.u32 @!p0 v3, $0x2  }
0xee: {  	v3 =	vand.u32 @!p0 $0x7, v3;
	v5 =	vand.u32 @!p0 $0xFFFFFFE0, v5  }
0xef: {  	v3 =	vor.u32 @!p0 v3, v5  }
0xf0: {  	v3 =	vperm.xlane @!p0 v3, v4;
	_ =	sdelay $0x1  }
0xf1: {  	v3 =	vadd.s32 @!p0 v6, v3;
	_ =	sdelay $0x2  }
.Ltmp8:
0xf2: {  	_ = 	snop;
	(pc) =	sbr.rel .LBB2_8-.Ltmp8, $4  }
0xf3: {  	s0 =	simm.s32 @!p0 $0xF400  }
0xf4: {  	[tilespmem:s0], [sflag:$0x2] =	stream.indirect_vreg.gather @!p0 [hbm4b:s1+s2], $0x80, v3, vm1, $0xb8;
	[tilespmem:$0x1F400] =	vst v63  }
0xf5: {  	s0 =	simm.s32 @!p0 $0xFC00  }
0xf6: {  	[tilespmem:s0], [sflag:$0x2] =	stream.indirect_vreg.gather @!p0 [hbm4b:s7+s2], $0x80, v3, vm1, $0xb8;
	[tilespmem:$0x1F400] =	vst v63  }
.LBB2_7:
0xf7: {  	p0 =	slt.u32 s9, $0x5  }
0xf8: {  	s0 =	simm.s32 @!p0 $0x8  }
0xf9: {  	s2 =	smul.u32 $0xA0, s9;
	_ =	swait.ge @!p0 [sflag:s0], $0x5000  }
0xfa: {  	[sflag:s0] =	ssyncset.done @!p0 $0x0  }
0xfb: {  	s30 =	sshra.s32 s2, $0x2;
	[sflag:s0] =	ssyncadd.s32 @!p0 $0xFFFFB000  }
0xfc: {  	v3 =	vld [tilespmem:s30+$0x0];
	_ =	sdelay $0x4  }
0xfd: {  	v4 =	vshll.u32 v3, $0x2  }
0xfe: {  	v3 =	vand.u32 $0x7, v3;
	v4 =	vand.u32 $0xFFFFFFE0, v4  }
0xff: {  	v3 =	vor.u32 v3, v4  }
0x100: {  	v4 =	vperm.xlane v3, v0;
	_ =	sdelay $0x1  }
0x101: {  	v4 =	vadd.s32 v1, v4;
	_ =	sdelay $0x1  }
0x102: {  	v3 =	vperm.xlane v3, v2;
	_ =	sdelay $0x1  }
0x103: {  	v3 =	vadd.s32 v1, v3  }
0x104: {  	[tilespmem:s10], [sflag:$0x3] =	stream.indirect_vreg.gather [hbm4b:s1+s5], $0x80, v4, vm0, $0xb8;
	[tilespmem:$0x1F400] =	vst v63  }
0x105: {  	s31 =	simm.s32 $0x10C00  }
0x106: {  	[tilespmem:s31], [sflag:$0x3] =	stream.indirect_vreg.gather [hbm4b:s7+s5], $0x80, v4, vm0, $0xb8;
	[tilespmem:$0x1F400] =	vst v63  }
0x107: {  	_ = 	snop  }
0x108: {  	[tilespmem:s12], [sflag:$0x3] =	stream.indirect_vreg.gather [hbm4b:s1+s5], $0x80, v3, vm0, $0xb8;
	[tilespmem:$0x1F400] =	vst v63  }
0x109: {  	_ = 	snop  }
0x10a: {  	[tilespmem:s13], [sflag:$0x3] =	stream.indirect_vreg.gather [hbm4b:s7+s5], $0x80, v3, vm0, $0xb8;
	[tilespmem:$0x1F400] =	vst v63  }
0x10b: {  	v3 =	vld [tilespmem:s30+$0x10];
	_ =	sdelay $0x4  }
0x10c: {  	v62 =	vshll.u32 v3, $0x2  }
0x10d: {  	v3 =	vand.u32 $0x7, v3;
	v4 =	vand.u32 $0xFFFFFFE0, v62  }
0x10e: {  	v3 =	vor.u32 v3, v4  }
0x10f: {  	v4 =	vperm.xlane v3, v0;
	_ =	sdelay $0x1  }
0x110: {  	v4 =	vadd.s32 v1, v4;
	_ =	sdelay $0x1  }
0x111: {  	v3 =	vperm.xlane v3, v2;
	_ =	sdelay $0x1  }
0x112: {  	v3 =	vadd.s32 v1, v3  }
0x113: {  	[tilespmem:s14], [sflag:$0x3] =	stream.indirect_vreg.gather [hbm4b:s1+s5], $0x80, v4, vm0, $0xb8;
	[tilespmem:$0x1F400] =	vst v63  }
0x114: {  	_ = 	snop  }
0x115: {  	[tilespmem:s15], [sflag:$0x3] =	stream.indirect_vreg.gather [hbm4b:s7+s5], $0x80, v4, vm0, $0xb8;
	[tilespmem:$0x1F400] =	vst v63  }
0x116: {  	_ = 	snop  }
0x117: {  	[tilespmem:s16], [sflag:$0x3] =	stream.indirect_vreg.gather [hbm4b:s1+s5], $0x80, v3, vm0, $0xb8;
	[tilespmem:$0x1F400] =	vst v63  }
0x118: {  	_ = 	snop  }
0x119: {  	[tilespmem:s17], [sflag:$0x3] =	stream.indirect_vreg.gather [hbm4b:s7+s5], $0x80, v3, vm0, $0xb8;
	[tilespmem:$0x1F400] =	vst v63  }
0x11a: {  	v3 =	vld.msk [tilespmem:s30+$0x20], $0xff;
	_ =	sdelay $0x4  }
0x11b: {  	v63 =	vshll.u32 v3, $0x2  }
0x11c: {  	v3 =	vand.u32 $0x7, v3;
	v4 =	vand.u32 $0xFFFFFFE0, v63  }
0x11d: {  	v3 =	vor.u32 v3, v4  }
0x11e: {  	v3 =	vperm.xlane v3, v0;
	_ =	sdelay $0x1  }
0x11f: {  	v3 =	vadd.s32 v1, v3;
	_ =	sdelay $0x4  }
0x120: {  	[tilespmem:s18], [sflag:$0x3] =	stream.indirect_vreg.gather [hbm4b:s1+s5], $0x80, v3, vm0, $0xb8;
	[tilespmem:$0x1F400] =	vst v63  }
0x121: {  	_ = 	snop  }
0x122: {  	[tilespmem:s19], [sflag:$0x3] =	stream.indirect_vreg.gather [hbm4b:s7+s5], $0x80, v3, vm0, $0xb8;
	[tilespmem:$0x1F400] =	vst v63  }
.LBB2_8:
0x123: {  	p0 =	slt.u32 s9, $0x4  }
.Ltmp9:
0x124: {  	_ = 	snop;
	(pc) =	sbr.rel @p0 .LBB2_28-.Ltmp9, $1  }
0x125: {  	_ =	sdelay $0x3  }
.LBB2_9:
0x126: {  	s30 =	sadd.s32 $0xFFFFFFFC, s9  }
0x127: {  	s0 =	sand.u32 $0xFFFF, s30  }
0x128: {  	s0 =	smul.u32 $0xCCCD, s0;
	_ =	sdelay $0x1  }
0x129: {  	s0 =	sshrl.u32 s0, $0x12  }
0x12a: {  	s0 =	smul.u32 $0x5, s0;
	_ =	sdelay $0x1  }
0x12b: {  	s0 =	ssub.s32 s30, s0  }
0x12c: {  	s0 =	sand.u32 $0xFFFF, s0  }
0x12d: {  	p0 =	sgt.s32 s0, $0x1  }
.Ltmp10:
0x12e: {  	_ = 	snop;
	(pc) =	sbr.rel @!p0 .LBB2_10-.Ltmp10, $1  }
0x12f: {  	_ =	sdelay $0x3  }
0x130: {  	p0 =	seq.s32 s0, $0x2  }
.Ltmp11:
0x131: {  	_ = 	snop;
	(pc) =	sbr.rel @p0 .LBB2_22-.Ltmp11, $1  }
0x132: {  	_ =	sdelay $0x3  }
0x133: {  	p0 =	seq.s32 s0, $0x3  }
.Ltmp12:
0x134: {  	_ = 	snop;
	(pc) =	sbr.rel @!p0 .LBB2_25-.Ltmp12, $1  }
0x135: {  	_ =	sdelay $0x3  }
0x136: {  	_ =	swait.ge [sflag:s25], $0x5000;
	s0 =	simm.s32 $0x0  }
0x137: {  	[sflag:s25] =	ssyncset.done $0x0;
	s2 =	sand.u32 $0x7000, s0;
	s0 =	sand.u32 $0x380, s0  }
0x138: {  	[sflag:s25] =	ssyncadd.s32 $0xFFFFB000;
	s0 =	sor.u32 s0, s2  }
0x139: {  	s31 =	sadd.s32 $0x15400, s0;
	v3 =	vld [tilespmem:s0+$0x15400]  }
0x13a: {  	v4 =	vld [tilespmem:s31+$0x810]  }
0x13b: {  	v5 =	vld [tilespmem:s31+$0x800]  }
0x13c: {  	v6 =	vld [tilespmem:s31+$0x470]  }
0x13d: {  	v7 =	vld [tilespmem:s31+$0x450]  }
0x13e: {  	v8 =	vld [tilespmem:s31+$0x440]  }
0x13f: {  	v9 =	vld [tilespmem:s31+$0x430]  }
0x140: {  	v10 =	vld [tilespmem:s31+$0x420]  }
0x141: {  	v11 =	vld [tilespmem:s31+$0x410]  }
0x142: {  	v12 =	vld [tilespmem:s31+$0xC70]  }
0x143: {  	v13 =	vld [tilespmem:s31+$0x400]  }
0x144: {  	v14 =	vld [tilespmem:s31+$0xC20]  }
0x145: {  	v15 =	vld [tilespmem:s31+$0xC40];
	v3 =	vmul.f32 $2.262741660e+01, v3  }
0x146: {  	v17 =	vld [tilespmem:s31+$0x460];
	v10 =	vmul.f32 $2.262741660e+01, v10  }
0x147: {  	v18 =	vld [tilespmem:s31+$0x830];
	v11 =	vmul.f32 $2.262741660e+01, v11;
	[tilespmem:s0+$0x15400] =	vst v3  }
0x148: {  	v13 =	vmul.f32 $2.262741660e+01, v13;
	v3 =	vld [tilespmem:s31+$0x70];
	[tilespmem:s31+$0x420] =	vst v10  }
0x149: {  	v14 =	vmul.f32 $2.262741660e+01, v14;
	v16 =	vld [tilespmem:s31+$0x30];
	[tilespmem:s31+$0x410] =	vst v11  }
0x14a: {  	v9 =	vmul.f32 $2.262741660e+01, v9;
	v10 =	vmul.f32 $2.262741660e+01, v12;
	v12 =	vld [tilespmem:s31+$0x20];
	[tilespmem:s31+$0x400] =	vst v13  }
0x14b: {  	v8 =	vmul.f32 $2.262741660e+01, v8;
	v11 =	vld [tilespmem:s31+$0x10];
	[tilespmem:s31+$0xC20] =	vst v14  }
0x14c: {  	v20 =	vld [tilespmem:s31+$0x40];
	[tilespmem:s31+$0x430] =	vst v9  }
0x14d: {  	v14 =	vld [tilespmem:s31+$0x840];
	[tilespmem:s31+$0x440] =	vst v8;
	v3 =	vmul.f32 $2.262741660e+01, v3  }
0x14e: {  	[tilespmem:s31+$0xC70] =	vst v10;
	v10 =	vld [tilespmem:s31+$0x820];
	v13 =	vmul.f32 $2.262741660e+01, v16  }
0x14f: {  	v12 =	vmul.f32 $2.262741660e+01, v12;
	[tilespmem:s31+$0x70] =	vst v3;
	v3 =	vld [tilespmem:s31+$0x850]  }
0x150: {  	v11 =	vmul.f32 $2.262741660e+01, v11;
	[tilespmem:s31+$0x30] =	vst v13;
	v13 =	vmul.f32 $2.262741660e+01, v15;
	v15 =	vld [tilespmem:s31+$0x860]  }
0x151: {  	v19 =	vmul.f32 $2.262741660e+01, v7;
	v17 =	vmul.f32 $2.262741660e+01, v17;
	[tilespmem:s31+$0x20] =	vst v12;
	v12 =	vld [tilespmem:s31+$0x870]  }
0x152: {  	v21 =	vmul.f32 $2.262741660e+01, v6;
	v7 =	vmul.f32 $2.262741660e+01, v5;
	[tilespmem:s31+$0x10] =	vst v11;
	v11 =	vld [tilespmem:s31+$0xC00]  }
0x153: {  	v6 =	vmul.f32 $2.262741660e+01, v4;
	v8 =	vmul.f32 $2.262741660e+01, v18;
	[tilespmem:s31+$0xC40] =	vst v13;
	v13 =	vld [tilespmem:s31+$0x50]  }
0x154: {  	[tilespmem:s31+$0x450] =	vst v19;
	v5 =	vmul.f32 $2.262741660e+01, v14;
	v16 =	vld [tilespmem:s31+$0x60];
	v4 =	vmul.f32 $2.262741660e+01, v10  }
0x155: {  	[tilespmem:s31+$0x460] =	vst v17;
	v14 =	vld [tilespmem:s31+$0xC10];
	v9 =	vmul.f32 $2.262741660e+01, v3;
	v10 =	vmul.f32 $2.262741660e+01, v15  }
0x156: {  	s2 =	simm.s32 $0x200;
	s0 =	simm.s32 $0x80;
	[tilespmem:s31+$0x470] =	vst v21;
	v3 =	vmul.f32 $2.262741660e+01, v12;
	v12 =	vmul.f32 $2.262741660e+01, v20;
	v15 =	vld [tilespmem:s31+$0xC30]  }
.LBB2_17:
0x157: {  	s6 =	sand.u32 $0x7000, s2;
	s11 =	sand.u32 $0x380, s0;
	[tilespmem:s31+$0x800] =	vst v7;
	v7 =	vmul.f32 $2.262741660e+01, v11;
	v11 =	vld [tilespmem:s31+$0xC50]  }
0x158: {  	p0 =	sne.s32 s2, $0x4E00;
	s2 =	sadd.s32 $0x200, s2;
	s6 =	sor.u32 s11, s6;
	v13 =	vmul.f32 $2.262741660e+01, v13;
	[tilespmem:s31+$0x810] =	vst v6;
	v6 =	vld [tilespmem:s31+$0xC60]  }
0x159: {  	s11 =	sadd.s32 $0x15400, s6;
	v17 =	vld [tilespmem:s6+$0x15400];
	v16 =	vmul.f32 $2.262741660e+01, v16;
	[tilespmem:s31+$0x820] =	vst v4  }
0x15a: {  	v4 =	vld [tilespmem:s11+$0x810];
	[tilespmem:s31+$0x830] =	vst v8;
	v8 =	vmul.f32 $2.262741660e+01, v14  }
0x15b: {  	v14 =	vld [tilespmem:s11+$0x800];
	[tilespmem:s31+$0x840] =	vst v5;
	v5 =	vmul.f32 $2.262741660e+01, v15  }
0x15c: {  	v15 =	vld [tilespmem:s11+$0x470];
	[tilespmem:s31+$0x850] =	vst v9;
	v9 =	vmul.f32 $2.262741660e+01, v11  }
0x15d: {  	v11 =	vld [tilespmem:s11+$0x460];
	[tilespmem:s31+$0x860] =	vst v10;
	v6 =	vmul.f32 $2.262741660e+01, v6  }
0x15e: {  	v10 =	vmul.f32 $2.262741660e+01, v17;
	v17 =	vld [tilespmem:s11+$0x450];
	[tilespmem:s31+$0x40] =	vst v12  }
0x15f: {  	v12 =	vld [tilespmem:s11+$0x440];
	[tilespmem:s31+$0xC60] =	vst v6  }
0x160: {  	v6 =	vld [tilespmem:s11+$0x430];
	[tilespmem:s31+$0x60] =	vst v16  }
0x161: {  	v16 =	vld [tilespmem:s11+$0x420];
	[tilespmem:s31+$0x50] =	vst v13  }
0x162: {  	v13 =	vld [tilespmem:s11+$0x410];
	[tilespmem:s31+$0xC50] =	vst v9  }
0x163: {  	v9 =	vld [tilespmem:s11+$0xC70];
	[tilespmem:s31+$0xC00] =	vst v7  }
0x164: {  	v7 =	vld [tilespmem:s11+$0x400];
	[tilespmem:s31+$0x870] =	vst v3  }
0x165: {  	v3 =	vld [tilespmem:s11+$0xC20];
	[tilespmem:s31+$0xC10] =	vst v8  }
0x166: {  	v8 =	vmul.f32 $2.262741660e+01, v16;
	v16 =	vld [tilespmem:s11+$0xC40];
	[tilespmem:s31+$0xC30] =	vst v5;
	s31 =	smov.u32 s11  }
0x167: {  	[tilespmem:s6+$0x15400] =	vst v10;
	v5 =	vld [tilespmem:s31+$0x70];
	v10 =	vmul.f32 $2.262741660e+01, v13  }
0x168: {  	v13 =	vld [tilespmem:s31+$0x30];
	[tilespmem:s31+$0x420] =	vst v8;
	v8 =	vmul.f32 $2.262741660e+01, v9  }
0x169: {  	v9 =	vld [tilespmem:s31+$0x20];
	v7 =	vmul.f32 $2.262741660e+01, v7;
	[tilespmem:s31+$0x410] =	vst v10;
	v10 =	vmul.f32 $2.262741660e+01, v6  }
0x16a: {  	v12 =	vmul.f32 $2.262741660e+01, v12;
	v6 =	vld [tilespmem:s31+$0x10];
	v3 =	vmul.f32 $2.262741660e+01, v3;
	[tilespmem:s31+$0xC70] =	vst v8  }
0x16b: {  	v17 =	vmul.f32 $2.262741660e+01, v17;
	[tilespmem:s31+$0x400] =	vst v7;
	v8 =	vld [tilespmem:s31+$0x820];
	v7 =	vmul.f32 $2.262741660e+01, v16  }
0x16c: {  	v18 =	vmul.f32 $2.262741660e+01, v11;
	v5 =	vmul.f32 $2.262741660e+01, v5;
	v11 =	vld [tilespmem:s31+$0x830];
	[tilespmem:s31+$0xC20] =	vst v3  }
0x16d: {  	v15 =	vmul.f32 $2.262741660e+01, v15;
	v3 =	vmul.f32 $2.262741660e+01, v13;
	v13 =	vld [tilespmem:s31+$0x840];
	[tilespmem:s31+$0xC40] =	vst v7  }
0x16e: {  	v7 =	vmul.f32 $2.262741660e+01, v14;
	v9 =	vmul.f32 $2.262741660e+01, v9;
	[tilespmem:s31+$0x70] =	vst v5;
	v14 =	vld [tilespmem:s31+$0x850]  }
0x16f: {  	v5 =	vmul.f32 $2.262741660e+01, v6;
	[tilespmem:s31+$0x30] =	vst v3;
	v6 =	vmul.f32 $2.262741660e+01, v4;
	v3 =	vld [tilespmem:s31+$0x860]  }
0x170: {  	[tilespmem:s31+$0x20] =	vst v9;
	v4 =	vmul.f32 $2.262741660e+01, v8;
	v19 =	vld [tilespmem:s31+$0x870]  }
0x171: {  	[tilespmem:s31+$0x10] =	vst v5;
	v20 =	vld [tilespmem:s31+$0x40];
	v8 =	vmul.f32 $2.262741660e+01, v11  }
.Ltmp13:
0x172: {  	[tilespmem:s31+$0x430] =	vst v10;
	v5 =	vmul.f32 $2.262741660e+01, v13;
	v11 =	vld [tilespmem:s31+$0xC00];
	(pc) =	sbr.rel @p0 .LBB2_17-.Ltmp13, $4  }
0x173: {  	v13 =	vld [tilespmem:s31+$0x50];
	[tilespmem:s31+$0x440] =	vst v12;
	v9 =	vmul.f32 $2.262741660e+01, v14  }
0x174: {  	v16 =	vld [tilespmem:s31+$0x60];
	[tilespmem:s31+$0x450] =	vst v17;
	v10 =	vmul.f32 $2.262741660e+01, v3  }
0x175: {  	[tilespmem:s31+$0x460] =	vst v18;
	v3 =	vmul.f32 $2.262741660e+01, v19;
	v14 =	vld [tilespmem:s31+$0xC10]  }
0x176: {  	s0 =	sadd.s32 $0x80, s0;
	v12 =	vmul.f32 $2.262741660e+01, v20;
	[tilespmem:s31+$0x470] =	vst v15;
	v15 =	vld [tilespmem:s31+$0xC30]  }
0x177: {  	[tilespmem:s31+$0x800] =	vst v7  }
0x178: {  	[tilespmem:s31+$0x810] =	vst v6  }
0x179: {  	[tilespmem:s31+$0x820] =	vst v4  }
0x17a: {  	[tilespmem:s31+$0x830] =	vst v8  }
0x17b: {  	[tilespmem:s31+$0x840] =	vst v5  }
0x17c: {  	[tilespmem:s31+$0x850] =	vst v9  }
0x17d: {  	[tilespmem:s31+$0x860] =	vst v10  }
0x17e: {  	v56 =	vld [tilespmem:s31+$0xC60];
	v61 =	vmul.f32 $2.262741660e+01, v11;
	[tilespmem:s31+$0x870] =	vst v3  }
0x17f: {  	v57 =	vld [tilespmem:s31+$0xC50];
	[tilespmem:s31+$0x40] =	vst v12;
	v60 =	vmul.f32 $2.262741660e+01, v13  }
0x180: {  	v59 =	vmul.f32 $2.262741660e+01, v16;
	[tilespmem:s31+$0xC00] =	vst v61  }
0x181: {  	[tilespmem:s31+$0x50] =	vst v60;
	v62 =	vmul.f32 $2.262741660e+01, v14  }
0x182: {  	s0 =	smul.u32 $0x28, s30;
	[tilespmem:s31+$0x60] =	vst v59;
	v63 =	vmul.f32 $2.262741660e+01, v15  }
.Ltmp14:
0x183: {  	v58 =	vmul.f32 $2.262741660e+01, v56;
	[tilespmem:s31+$0xC10] =	vst v62;
	(pc) =	sbr.rel .LBB2_28-.Ltmp14, $4  }
0x184: {  	s0 =	sadd.s32 s4, s0;
	v4 =	vmul.f32 $2.262741660e+01, v57;
	[tilespmem:s31+$0xC30] =	vst v63  }
0x185: {  	s0 =	sshll.u32 s0, $0x6;
	[tilespmem:s31+$0xC60] =	vst v58  }
0x186: {  	s0 =	sadd.s32 s3, s0;
	[tilespmem:s31+$0xC50] =	vst v4  }
0x187: {  	[hbm4b:s0+s5] =	stream.linear.scatter [tilespmem:s26], [sflag:$0x9], $0x5000, $0x38;
	[tilespmem:$0x1F400] =	vst v63  }
.LBB2_10:
0x188: {  	p0 =	seq.s32 s0, $0x0  }
.Ltmp15:
0x189: {  	_ = 	snop;
	(pc) =	sbr.rel @!p0 .LBB2_19-.Ltmp15, $1  }
0x18a: {  	_ =	sdelay $0x3  }
0x18b: {  	_ =	swait.ge [sflag:s20], $0x5000;
	s0 =	simm.s32 $0x0  }
0x18c: {  	[sflag:s20] =	ssyncset.done $0x0;
	s2 =	sand.u32 $0x7000, s0;
	s0 =	sand.u32 $0x380, s0  }
0x18d: {  	[sflag:s20] =	ssyncadd.s32 $0xFFFFB000;
	s31 =	sor.u32 s0, s2  }
0x18e: {  	v3 =	vld [tilespmem:s31+$0x6870]  }
0x18f: {  	v4 =	vld [tilespmem:s31+$0x6C00]  }
0x190: {  	v5 =	vld [tilespmem:s31+$0x6C10]  }
0x191: {  	v6 =	vld [tilespmem:s31+$0x6860]  }
0x192: {  	v7 =	vld [tilespmem:s31+$0x6850]  }
0x193: {  	v8 =	vld [tilespmem:s31+$0x6C20]  }
0x194: {  	v9 =	vld [tilespmem:s31+$0x6840]  }
0x195: {  	v10 =	vld [tilespmem:s31+$0x7070]  }
0x196: {  	v11 =	vld [tilespmem:s31+$0x7010]  }
0x197: {  	v12 =	vld [tilespmem:s31+$0x7050]  }
0x198: {  	v16 =	vld [tilespmem:s31+$0x6C30]  }
0x199: {  	v17 =	vld [tilespmem:s31+$0x6C40]  }
0x19a: {  	v14 =	vld [tilespmem:s31+$0x7000]  }
0x19b: {  	v13 =	vld [tilespmem:s31+$0x7040]  }
0x19c: {  	v15 =	vld [tilespmem:s31+$0x6830];
	v11 =	vmul.f32 $2.262741660e+01, v11  }
0x19d: {  	v18 =	vld [tilespmem:s31+$0x6820];
	v10 =	vmul.f32 $2.262741660e+01, v10  }
0x19e: {  	v19 =	vld [tilespmem:s31+$0x6810];
	v12 =	vmul.f32 $2.262741660e+01, v12;
	[tilespmem:s31+$0x7010] =	vst v11  }
0x19f: {  	v20 =	vld [tilespmem:s31+$0x6460];
	v14 =	vmul.f32 $2.262741660e+01, v14;
	[tilespmem:s31+$0x7070] =	vst v10  }
0x1a0: {  	v24 =	vld [tilespmem:s31+$0x6400];
	v11 =	vmul.f32 $2.262741660e+01, v13;
	[tilespmem:s31+$0x7050] =	vst v12  }
0x1a1: {  	v15 =	vmul.f32 $2.262741660e+01, v15;
	v10 =	vld [tilespmem:s31+$0x7020];
	[tilespmem:s31+$0x7000] =	vst v14  }
0x1a2: {  	v13 =	vld [tilespmem:s31+$0x6800];
	[tilespmem:s31+$0x7040] =	vst v11;
	v11 =	vmul.f32 $2.262741660e+01, v18  }
0x1a3: {  	v12 =	vld [tilespmem:s31+$0x6470];
	[tilespmem:s31+$0x6830] =	vst v15;
	v18 =	vmul.f32 $2.262741660e+01, v9;
	v9 =	vmul.f32 $2.262741660e+01, v19  }
0x1a4: {  	v22 =	vld [tilespmem:s31+$0x6C60];
	v21 =	vmul.f32 $2.262741660e+01, v7;
	v20 =	vmul.f32 $2.262741660e+01, v20;
	[tilespmem:s31+$0x6820] =	vst v11  }
0x1a5: {  	v19 =	vld [tilespmem:s31+$0x6C50];
	v11 =	vmul.f32 $2.262741660e+01, v6;
	[tilespmem:s31+$0x6810] =	vst v9;
	v9 =	vmul.f32 $2.262741660e+01, v8  }
0x1a6: {  	v23 =	vld [tilespmem:s31+$0x6C70];
	[tilespmem:s31+$0x6460] =	vst v20;
	v8 =	vmul.f32 $2.262741660e+01, v24;
	v7 =	vmul.f32 $2.262741660e+01, v10  }
0x1a7: {  	v14 =	vld [tilespmem:s31+$0x6410];
	[tilespmem:s31+$0x6850] =	vst v21;
	v6 =	vmul.f32 $2.262741660e+01, v13;
	v10 =	vmul.f32 $2.262741660e+01, v3  }
0x1a8: {  	v15 =	vld [tilespmem:s31+$0x6440];
	[tilespmem:s31+$0x6840] =	vst v18;
	v3 =	vmul.f32 $2.262741660e+01, v12;
	v12 =	vmul.f32 $2.262741660e+01, v4  }
0x1a9: {  	v13 =	vmul.f32 $2.262741660e+01, v5;
	v4 =	vmul.f32 $2.262741660e+01, v16;
	v16 =	vld [tilespmem:s31+$0x6420];
	[tilespmem:s31+$0x7020] =	vst v7  }
0x1aa: {  	[tilespmem:s31+$0x6800] =	vst v6;
	v7 =	vmul.f32 $2.262741660e+01, v17;
	v5 =	vmul.f32 $2.262741660e+01, v19;
	v17 =	vld [tilespmem:s31+$0x6430]  }
0x1ab: {  	s2 =	simm.s32 $0x200;
	s0 =	simm.s32 $0x80;
	v18 =	vld [tilespmem:s31+$0x7030];
	[tilespmem:s31+$0x6470] =	vst v3;
	v6 =	vmul.f32 $2.262741660e+01, v22;
	v3 =	vmul.f32 $2.262741660e+01, v23  }
.LBB2_12:
0x1ac: {  	s6 =	sand.u32 $0x7000, s2;
	s11 =	sand.u32 $0x380, s0;
	v14 =	vmul.f32 $2.262741660e+01, v14;
	[tilespmem:s31+$0x6860] =	vst v11;
	v11 =	vld [tilespmem:s31+$0x7060]  }
0x1ad: {  	p0 =	sne.s32 s2, $0x4E00;
	s2 =	sadd.s32 $0x200, s2;
	s6 =	sor.u32 s11, s6;
	v15 =	vmul.f32 $2.262741660e+01, v15;
	v19 =	vld [tilespmem:s31+$0x6450];
	[tilespmem:s31+$0x6870] =	vst v10  }
0x1ae: {  	v10 =	vld [tilespmem:s6+$0x6870];
	v16 =	vmul.f32 $2.262741660e+01, v16;
	[tilespmem:s31+$0x6C00] =	vst v12  }
0x1af: {  	v12 =	vld [tilespmem:s6+$0x6C00];
	v17 =	vmul.f32 $2.262741660e+01, v17;
	[tilespmem:s31+$0x6C10] =	vst v13  }
0x1b0: {  	v13 =	vld [tilespmem:s6+$0x6C10];
	[tilespmem:s31+$0x6420] =	vst v16;
	v16 =	vmul.f32 $2.262741660e+01, v18  }
0x1b1: {  	v18 =	vld [tilespmem:s6+$0x6860];
	[tilespmem:s31+$0x6430] =	vst v17;
	v11 =	vmul.f32 $2.262741660e+01, v11  }
0x1b2: {  	v17 =	vld [tilespmem:s6+$0x6850];
	v19 =	vmul.f32 $2.262741660e+01, v19;
	[tilespmem:s31+$0x6C20] =	vst v9  }
0x1b3: {  	v9 =	vld [tilespmem:s6+$0x6C20];
	[tilespmem:s31+$0x7030] =	vst v16  }
0x1b4: {  	v16 =	vld [tilespmem:s6+$0x6840];
	[tilespmem:s31+$0x6450] =	vst v19  }
0x1b5: {  	v19 =	vld [tilespmem:s6+$0x7070];
	[tilespmem:s31+$0x6440] =	vst v15  }
0x1b6: {  	v15 =	vld [tilespmem:s6+$0x7010];
	[tilespmem:s31+$0x7060] =	vst v11  }
0x1b7: {  	v11 =	vld [tilespmem:s6+$0x7050];
	[tilespmem:s31+$0x6C30] =	vst v4  }
0x1b8: {  	v4 =	vld [tilespmem:s6+$0x6C30];
	[tilespmem:s31+$0x6C40] =	vst v7  }
0x1b9: {  	v7 =	vld [tilespmem:s6+$0x6C40];
	[tilespmem:s31+$0x6410] =	vst v14  }
0x1ba: {  	v14 =	vld [tilespmem:s6+$0x7040];
	[tilespmem:s31+$0x6C50] =	vst v5  }
0x1bb: {  	v19 =	vmul.f32 $2.262741660e+01, v19;
	v5 =	vld [tilespmem:s6+$0x7000];
	[tilespmem:s31+$0x6C60] =	vst v6  }
0x1bc: {  	v6 =	vld [tilespmem:s6+$0x6830];
	[tilespmem:s31+$0x6400] =	vst v8  }
0x1bd: {  	v15 =	vmul.f32 $2.262741660e+01, v15;
	v8 =	vld [tilespmem:s6+$0x6820];
	[tilespmem:s31+$0x6C70] =	vst v3;
	s31 =	smov.u32 s6  }
0x1be: {  	v11 =	vmul.f32 $2.262741660e+01, v11;
	v3 =	vld [tilespmem:s31+$0x6810];
	[tilespmem:s31+$0x7070] =	vst v19  }
0x1bf: {  	v19 =	vmul.f32 $2.262741660e+01, v16;
	[tilespmem:s31+$0x7010] =	vst v15;
	v15 =	vld [tilespmem:s31+$0x7020];
	v14 =	vmul.f32 $2.262741660e+01, v14  }
0x1c0: {  	v20 =	vmul.f32 $2.262741660e+01, v17;
	v16 =	vld [tilespmem:s31+$0x6800];
	v5 =	vmul.f32 $2.262741660e+01, v5;
	[tilespmem:s31+$0x7050] =	vst v11  }
0x1c1: {  	v11 =	vmul.f32 $2.262741660e+01, v18;
	v17 =	vld [tilespmem:s31+$0x6470];
	v6 =	vmul.f32 $2.262741660e+01, v6;
	[tilespmem:s31+$0x7040] =	vst v14  }
0x1c2: {  	v10 =	vmul.f32 $2.262741660e+01, v10;
	v18 =	vld [tilespmem:s31+$0x6460];
	v8 =	vmul.f32 $2.262741660e+01, v8;
	[tilespmem:s31+$0x7000] =	vst v5  }
0x1c3: {  	v12 =	vmul.f32 $2.262741660e+01, v12;
	v3 =	vmul.f32 $2.262741660e+01, v3;
	[tilespmem:s31+$0x6830] =	vst v6;
	v5 =	vld [tilespmem:s31+$0x6C50]  }
0x1c4: {  	v13 =	vmul.f32 $2.262741660e+01, v13;
	[tilespmem:s31+$0x6820] =	vst v8;
	v6 =	vld [tilespmem:s31+$0x6C60];
	v8 =	vmul.f32 $2.262741660e+01, v15  }
0x1c5: {  	v9 =	vmul.f32 $2.262741660e+01, v9;
	v15 =	vmul.f32 $2.262741660e+01, v16;
	[tilespmem:s31+$0x6810] =	vst v3;
	v3 =	vld [tilespmem:s31+$0x6C70]  }
0x1c6: {  	v4 =	vmul.f32 $2.262741660e+01, v4;
	v21 =	vld [tilespmem:s31+$0x6400];
	v16 =	vmul.f32 $2.262741660e+01, v17;
	[tilespmem:s31+$0x7020] =	vst v8  }
.Ltmp16:
0x1c7: {  	v7 =	vmul.f32 $2.262741660e+01, v7;
	v14 =	vld [tilespmem:s31+$0x6410];
	v8 =	vmul.f32 $2.262741660e+01, v18;
	[tilespmem:s31+$0x6800] =	vst v15;
	(pc) =	sbr.rel @p0 .LBB2_12-.Ltmp16, $4  }
0x1c8: {  	v15 =	vld [tilespmem:s31+$0x6440];
	[tilespmem:s31+$0x6470] =	vst v16;
	v5 =	vmul.f32 $2.262741660e+01, v5  }
0x1c9: {  	v16 =	vld [tilespmem:s31+$0x6420];
	[tilespmem:s31+$0x6460] =	vst v8;
	v6 =	vmul.f32 $2.262741660e+01, v6  }
0x1ca: {  	v17 =	vld [tilespmem:s31+$0x6430];
	[tilespmem:s31+$0x6840] =	vst v19;
	v3 =	vmul.f32 $2.262741660e+01, v3  }
0x1cb: {  	s0 =	sadd.s32 $0x80, s0;
	v8 =	vmul.f32 $2.262741660e+01, v21;
	[tilespmem:s31+$0x6850] =	vst v20;
	v18 =	vld [tilespmem:s31+$0x7030]  }
0x1cc: {  	[tilespmem:s31+$0x6860] =	vst v11  }
0x1cd: {  	[tilespmem:s31+$0x6870] =	vst v10  }
0x1ce: {  	[tilespmem:s31+$0x6C00] =	vst v12  }
0x1cf: {  	[tilespmem:s31+$0x6C10] =	vst v13  }
0x1d0: {  	[tilespmem:s31+$0x6C20] =	vst v9  }
0x1d1: {  	[tilespmem:s31+$0x6C30] =	vst v4  }
0x1d2: {  	[tilespmem:s31+$0x6C40] =	vst v7  }
0x1d3: {  	[tilespmem:s31+$0x6C50] =	vst v5  }
0x1d4: {  	[tilespmem:s31+$0x6C60] =	vst v6  }
0x1d5: {  	v56 =	vld [tilespmem:s31+$0x6450];
	v63 =	vmul.f32 $2.262741660e+01, v14;
	[tilespmem:s31+$0x6C70] =	vst v3  }
0x1d6: {  	v58 =	vld [tilespmem:s31+$0x7060];
	v61 =	vmul.f32 $2.262741660e+01, v15;
	[tilespmem:s31+$0x6400] =	vst v8  }
0x1d7: {  	v57 =	vmul.f32 $2.262741660e+01, v16;
	[tilespmem:s31+$0x6410] =	vst v63  }
0x1d8: {  	v59 =	vmul.f32 $2.262741660e+01, v17;
	[tilespmem:s31+$0x6440] =	vst v61  }
0x1d9: {  	s0 =	smul.u32 $0x28, s30;
	[tilespmem:s31+$0x6420] =	vst v57;
	v60 =	vmul.f32 $2.262741660e+01, v18  }
.Ltmp17:
0x1da: {  	[tilespmem:s31+$0x6430] =	vst v59;
	v11 =	vmul.f32 $2.262741660e+01, v56;
	(pc) =	sbr.rel .LBB2_28-.Ltmp17, $4  }
0x1db: {  	s0 =	sadd.s32 s4, s0;
	v62 =	vmul.f32 $2.262741660e+01, v58;
	[tilespmem:s31+$0x7030] =	vst v60  }
0x1dc: {  	s0 =	sshll.u32 s0, $0x6;
	[tilespmem:s31+$0x6450] =	vst v11  }
0x1dd: {  	s0 =	sadd.s32 s3, s0;
	[tilespmem:s31+$0x7060] =	vst v62  }
0x1de: {  	[hbm4b:s0+s5] =	stream.linear.scatter [tilespmem:s21], [sflag:$0x6], $0x5000, $0x38;
	[tilespmem:$0x1F400] =	vst v63  }
.LBB2_22:
0x1df: {  	_ =	swait.ge [sflag:s24], $0x5000;
	s0 =	simm.s32 $0x0  }
0x1e0: {  	[sflag:s24] =	ssyncset.done $0x0;
	s2 =	sand.u32 $0x7000, s0;
	s0 =	sand.u32 $0x380, s0  }
0x1e1: {  	[sflag:s24] =	ssyncadd.s32 $0xFFFFB000;
	s31 =	sor.u32 s0, s2  }
0x1e2: {  	v3 =	vld [tilespmem:s31+$0x10870]  }
0x1e3: {  	v4 =	vld [tilespmem:s31+$0x10C00]  }
0x1e4: {  	v5 =	vld [tilespmem:s31+$0x10C10]  }
0x1e5: {  	v6 =	vld [tilespmem:s31+$0x10860]  }
0x1e6: {  	v7 =	vld [tilespmem:s31+$0x10850]  }
0x1e7: {  	v8 =	vld [tilespmem:s31+$0x10C20]  }
0x1e8: {  	v9 =	vld [tilespmem:s31+$0x10840]  }
0x1e9: {  	v10 =	vld [tilespmem:s31+$0x11070]  }
0x1ea: {  	v11 =	vld [tilespmem:s31+$0x11010]  }
0x1eb: {  	v12 =	vld [tilespmem:s31+$0x11050]  }
0x1ec: {  	v16 =	vld [tilespmem:s31+$0x10C30]  }
0x1ed: {  	v17 =	vld [tilespmem:s31+$0x10C40]  }
0x1ee: {  	v14 =	vld [tilespmem:s31+$0x11000]  }
0x1ef: {  	v13 =	vld [tilespmem:s31+$0x11040]  }
0x1f0: {  	v15 =	vld [tilespmem:s31+$0x10830];
	v11 =	vmul.f32 $2.262741660e+01, v11  }
0x1f1: {  	v18 =	vld [tilespmem:s31+$0x10820];
	v10 =	vmul.f32 $2.262741660e+01, v10  }
0x1f2: {  	v19 =	vld [tilespmem:s31+$0x10810];
	v12 =	vmul.f32 $2.262741660e+01, v12;
	[tilespmem:s31+$0x11010] =	vst v11  }
0x1f3: {  	v20 =	vld [tilespmem:s31+$0x10460];
	v14 =	vmul.f32 $2.262741660e+01, v14;
	[tilespmem:s31+$0x11070] =	vst v10  }
0x1f4: {  	v24 =	vld [tilespmem:s31+$0x10400];
	v11 =	vmul.f32 $2.262741660e+01, v13;
	[tilespmem:s31+$0x11050] =	vst v12  }
0x1f5: {  	v15 =	vmul.f32 $2.262741660e+01, v15;
	v10 =	vld [tilespmem:s31+$0x11020];
	[tilespmem:s31+$0x11000] =	vst v14  }
0x1f6: {  	v13 =	vld [tilespmem:s31+$0x10800];
	[tilespmem:s31+$0x11040] =	vst v11;
	v11 =	vmul.f32 $2.262741660e+01, v18  }
0x1f7: {  	v12 =	vld [tilespmem:s31+$0x10470];
	[tilespmem:s31+$0x10830] =	vst v15;
	v18 =	vmul.f32 $2.262741660e+01, v9;
	v9 =	vmul.f32 $2.262741660e+01, v19  }
0x1f8: {  	v22 =	vld [tilespmem:s31+$0x10C60];
	v21 =	vmul.f32 $2.262741660e+01, v7;
	v20 =	vmul.f32 $2.262741660e+01, v20;
	[tilespmem:s31+$0x10820] =	vst v11  }
0x1f9: {  	v19 =	vld [tilespmem:s31+$0x10C50];
	v11 =	vmul.f32 $2.262741660e+01, v6;
	[tilespmem:s31+$0x10810] =	vst v9;
	v9 =	vmul.f32 $2.262741660e+01, v8  }
0x1fa: {  	v23 =	vld [tilespmem:s31+$0x10C70];
	[tilespmem:s31+$0x10460] =	vst v20;
	v8 =	vmul.f32 $2.262741660e+01, v24;
	v7 =	vmul.f32 $2.262741660e+01, v10  }
0x1fb: {  	v14 =	vld [tilespmem:s31+$0x10410];
	[tilespmem:s31+$0x10850] =	vst v21;
	v6 =	vmul.f32 $2.262741660e+01, v13;
	v10 =	vmul.f32 $2.262741660e+01, v3  }
0x1fc: {  	v15 =	vld [tilespmem:s31+$0x10440];
	[tilespmem:s31+$0x10840] =	vst v18;
	v3 =	vmul.f32 $2.262741660e+01, v12;
	v12 =	vmul.f32 $2.262741660e+01, v4  }
0x1fd: {  	v13 =	vmul.f32 $2.262741660e+01, v5;
	v4 =	vmul.f32 $2.262741660e+01, v16;
	v16 =	vld [tilespmem:s31+$0x10420];
	[tilespmem:s31+$0x11020] =	vst v7  }
0x1fe: {  	[tilespmem:s31+$0x10800] =	vst v6;
	v7 =	vmul.f32 $2.262741660e+01, v17;
	v5 =	vmul.f32 $2.262741660e+01, v19;
	v17 =	vld [tilespmem:s31+$0x10430]  }
0x1ff: {  	s2 =	simm.s32 $0x200;
	s0 =	simm.s32 $0x80;
	v18 =	vld [tilespmem:s31+$0x11030];
	[tilespmem:s31+$0x10470] =	vst v3;
	v6 =	vmul.f32 $2.262741660e+01, v22;
	v3 =	vmul.f32 $2.262741660e+01, v23  }
.LBB2_23:
0x200: {  	s6 =	sand.u32 $0x7000, s2;
	s11 =	sand.u32 $0x380, s0;
	v14 =	vmul.f32 $2.262741660e+01, v14;
	[tilespmem:s31+$0x10860] =	vst v11;
	v11 =	vld [tilespmem:s31+$0x11060]  }
0x201: {  	p0 =	sne.s32 s2, $0x4E00;
	s2 =	sadd.s32 $0x200, s2;
	s6 =	sor.u32 s11, s6;
	v15 =	vmul.f32 $2.262741660e+01, v15;
	v19 =	vld [tilespmem:s31+$0x10450];
	[tilespmem:s31+$0x10870] =	vst v10  }
0x202: {  	v10 =	vld [tilespmem:s6+$0x10870];
	v16 =	vmul.f32 $2.262741660e+01, v16;
	[tilespmem:s31+$0x10C00] =	vst v12  }
0x203: {  	v12 =	vld [tilespmem:s6+$0x10C00];
	v17 =	vmul.f32 $2.262741660e+01, v17;
	[tilespmem:s31+$0x10C10] =	vst v13  }
0x204: {  	v13 =	vld [tilespmem:s6+$0x10C10];
	[tilespmem:s31+$0x10420] =	vst v16;
	v16 =	vmul.f32 $2.262741660e+01, v18  }
0x205: {  	v18 =	vld [tilespmem:s6+$0x10860];
	[tilespmem:s31+$0x10430] =	vst v17;
	v11 =	vmul.f32 $2.262741660e+01, v11  }
0x206: {  	v17 =	vld [tilespmem:s6+$0x10850];
	v19 =	vmul.f32 $2.262741660e+01, v19;
	[tilespmem:s31+$0x10C20] =	vst v9  }
0x207: {  	v9 =	vld [tilespmem:s6+$0x10C20];
	[tilespmem:s31+$0x11030] =	vst v16  }
0x208: {  	v16 =	vld [tilespmem:s6+$0x10840];
	[tilespmem:s31+$0x10450] =	vst v19  }
0x209: {  	v19 =	vld [tilespmem:s6+$0x11070];
	[tilespmem:s31+$0x10440] =	vst v15  }
0x20a: {  	v15 =	vld [tilespmem:s6+$0x11010];
	[tilespmem:s31+$0x11060] =	vst v11  }
0x20b: {  	v11 =	vld [tilespmem:s6+$0x11050];
	[tilespmem:s31+$0x10C30] =	vst v4  }
0x20c: {  	v4 =	vld [tilespmem:s6+$0x10C30];
	[tilespmem:s31+$0x10C40] =	vst v7  }
0x20d: {  	v7 =	vld [tilespmem:s6+$0x10C40];
	[tilespmem:s31+$0x10410] =	vst v14  }
0x20e: {  	v14 =	vld [tilespmem:s6+$0x11040];
	[tilespmem:s31+$0x10C50] =	vst v5  }
0x20f: {  	v19 =	vmul.f32 $2.262741660e+01, v19;
	v5 =	vld [tilespmem:s6+$0x11000];
	[tilespmem:s31+$0x10C60] =	vst v6  }
0x210: {  	v6 =	vld [tilespmem:s6+$0x10830];
	[tilespmem:s31+$0x10400] =	vst v8  }
0x211: {  	v15 =	vmul.f32 $2.262741660e+01, v15;
	v8 =	vld [tilespmem:s6+$0x10820];
	[tilespmem:s31+$0x10C70] =	vst v3;
	s31 =	smov.u32 s6  }
0x212: {  	v11 =	vmul.f32 $2.262741660e+01, v11;
	v3 =	vld [tilespmem:s31+$0x10810];
	[tilespmem:s31+$0x11070] =	vst v19  }
0x213: {  	v19 =	vmul.f32 $2.262741660e+01, v16;
	[tilespmem:s31+$0x11010] =	vst v15;
	v15 =	vld [tilespmem:s31+$0x11020];
	v14 =	vmul.f32 $2.262741660e+01, v14  }
0x214: {  	v20 =	vmul.f32 $2.262741660e+01, v17;
	v16 =	vld [tilespmem:s31+$0x10800];
	v5 =	vmul.f32 $2.262741660e+01, v5;
	[tilespmem:s31+$0x11050] =	vst v11  }
0x215: {  	v11 =	vmul.f32 $2.262741660e+01, v18;
	v17 =	vld [tilespmem:s31+$0x10470];
	v6 =	vmul.f32 $2.262741660e+01, v6;
	[tilespmem:s31+$0x11040] =	vst v14  }
0x216: {  	v10 =	vmul.f32 $2.262741660e+01, v10;
	v18 =	vld [tilespmem:s31+$0x10460];
	v8 =	vmul.f32 $2.262741660e+01, v8;
	[tilespmem:s31+$0x11000] =	vst v5  }
0x217: {  	v12 =	vmul.f32 $2.262741660e+01, v12;
	v3 =	vmul.f32 $2.262741660e+01, v3;
	[tilespmem:s31+$0x10830] =	vst v6;
	v5 =	vld [tilespmem:s31+$0x10C50]  }
0x218: {  	v13 =	vmul.f32 $2.262741660e+01, v13;
	[tilespmem:s31+$0x10820] =	vst v8;
	v6 =	vld [tilespmem:s31+$0x10C60];
	v8 =	vmul.f32 $2.262741660e+01, v15  }
0x219: {  	v9 =	vmul.f32 $2.262741660e+01, v9;
	v15 =	vmul.f32 $2.262741660e+01, v16;
	[tilespmem:s31+$0x10810] =	vst v3;
	v3 =	vld [tilespmem:s31+$0x10C70]  }
0x21a: {  	v4 =	vmul.f32 $2.262741660e+01, v4;
	v21 =	vld [tilespmem:s31+$0x10400];
	v16 =	vmul.f32 $2.262741660e+01, v17;
	[tilespmem:s31+$0x11020] =	vst v8  }
.Ltmp18:
0x21b: {  	v7 =	vmul.f32 $2.262741660e+01, v7;
	v14 =	vld [tilespmem:s31+$0x10410];
	v8 =	vmul.f32 $2.262741660e+01, v18;
	[tilespmem:s31+$0x10800] =	vst v15;
	(pc) =	sbr.rel @p0 .LBB2_23-.Ltmp18, $4  }
0x21c: {  	v15 =	vld [tilespmem:s31+$0x10440];
	[tilespmem:s31+$0x10470] =	vst v16;
	v5 =	vmul.f32 $2.262741660e+01, v5  }
0x21d: {  	v16 =	vld [tilespmem:s31+$0x10420];
	[tilespmem:s31+$0x10460] =	vst v8;
	v6 =	vmul.f32 $2.262741660e+01, v6  }
0x21e: {  	v17 =	vld [tilespmem:s31+$0x10430];
	[tilespmem:s31+$0x10840] =	vst v19;
	v3 =	vmul.f32 $2.262741660e+01, v3  }
0x21f: {  	s0 =	sadd.s32 $0x80, s0;
	v8 =	vmul.f32 $2.262741660e+01, v21;
	[tilespmem:s31+$0x10850] =	vst v20;
	v18 =	vld [tilespmem:s31+$0x11030]  }
0x220: {  	[tilespmem:s31+$0x10860] =	vst v11  }
0x221: {  	[tilespmem:s31+$0x10870] =	vst v10  }
0x222: {  	[tilespmem:s31+$0x10C00] =	vst v12  }
0x223: {  	[tilespmem:s31+$0x10C10] =	vst v13  }
0x224: {  	[tilespmem:s31+$0x10C20] =	vst v9  }
0x225: {  	[tilespmem:s31+$0x10C30] =	vst v4  }
0x226: {  	[tilespmem:s31+$0x10C40] =	vst v7  }
0x227: {  	[tilespmem:s31+$0x10C50] =	vst v5  }
0x228: {  	[tilespmem:s31+$0x10C60] =	vst v6  }
0x229: {  	v56 =	vld [tilespmem:s31+$0x10450];
	v63 =	vmul.f32 $2.262741660e+01, v14;
	[tilespmem:s31+$0x10C70] =	vst v3  }
0x22a: {  	v58 =	vld [tilespmem:s31+$0x11060];
	v61 =	vmul.f32 $2.262741660e+01, v15;
	[tilespmem:s31+$0x10400] =	vst v8  }
0x22b: {  	v57 =	vmul.f32 $2.262741660e+01, v16;
	[tilespmem:s31+$0x10410] =	vst v63  }
0x22c: {  	v59 =	vmul.f32 $2.262741660e+01, v17;
	[tilespmem:s31+$0x10440] =	vst v61  }
0x22d: {  	s0 =	smul.u32 $0x28, s30;
	[tilespmem:s31+$0x10420] =	vst v57;
	v60 =	vmul.f32 $2.262741660e+01, v18  }
.Ltmp19:
0x22e: {  	[tilespmem:s31+$0x10430] =	vst v59;
	v11 =	vmul.f32 $2.262741660e+01, v56;
	(pc) =	sbr.rel .LBB2_28-.Ltmp19, $4  }
0x22f: {  	s0 =	sadd.s32 s4, s0;
	v62 =	vmul.f32 $2.262741660e+01, v58;
	[tilespmem:s31+$0x11030] =	vst v60  }
0x230: {  	s0 =	sshll.u32 s0, $0x6;
	[tilespmem:s31+$0x10450] =	vst v11  }
0x231: {  	s0 =	sadd.s32 s3, s0;
	[tilespmem:s31+$0x11060] =	vst v62  }
0x232: {  	[hbm4b:s0+s5] =	stream.linear.scatter [tilespmem:s10], [sflag:$0x8], $0x5000, $0x38;
	[tilespmem:$0x1F400] =	vst v63  }
.LBB2_25:
0x233: {  	_ =	swait.ge [sflag:s28], $0x5000;
	s0 =	simm.s32 $0x0  }
0x234: {  	[sflag:s28] =	ssyncset.done $0x0;
	s2 =	sand.u32 $0x7000, s0;
	s0 =	sand.u32 $0x380, s0  }
0x235: {  	[sflag:s28] =	ssyncadd.s32 $0xFFFFB000;
	s0 =	sor.u32 s0, s2  }
0x236: {  	s31 =	sadd.s32 $0x1A400, s0;
	v3 =	vld [tilespmem:s0+$0x1A400]  }
0x237: {  	v4 =	vld [tilespmem:s31+$0x810]  }
0x238: {  	v5 =	vld [tilespmem:s31+$0x800]  }
0x239: {  	v6 =	vld [tilespmem:s31+$0x470]  }
0x23a: {  	v7 =	vld [tilespmem:s31+$0x450]  }
0x23b: {  	v8 =	vld [tilespmem:s31+$0x440]  }
0x23c: {  	v9 =	vld [tilespmem:s31+$0x430]  }
0x23d: {  	v10 =	vld [tilespmem:s31+$0x420]  }
0x23e: {  	v11 =	vld [tilespmem:s31+$0x410]  }
0x23f: {  	v12 =	vld [tilespmem:s31+$0xC70]  }
0x240: {  	v13 =	vld [tilespmem:s31+$0x400]  }
0x241: {  	v14 =	vld [tilespmem:s31+$0xC20]  }
0x242: {  	v15 =	vld [tilespmem:s31+$0xC40];
	v3 =	vmul.f32 $2.262741660e+01, v3  }
0x243: {  	v17 =	vld [tilespmem:s31+$0x460];
	v10 =	vmul.f32 $2.262741660e+01, v10  }
0x244: {  	v18 =	vld [tilespmem:s31+$0x830];
	v11 =	vmul.f32 $2.262741660e+01, v11;
	[tilespmem:s0+$0x1A400] =	vst v3  }
0x245: {  	v13 =	vmul.f32 $2.262741660e+01, v13;
	v3 =	vld [tilespmem:s31+$0x70];
	[tilespmem:s31+$0x420] =	vst v10  }
0x246: {  	v14 =	vmul.f32 $2.262741660e+01, v14;
	v16 =	vld [tilespmem:s31+$0x30];
	[tilespmem:s31+$0x410] =	vst v11  }
0x247: {  	v9 =	vmul.f32 $2.262741660e+01, v9;
	v10 =	vmul.f32 $2.262741660e+01, v12;
	v12 =	vld [tilespmem:s31+$0x20];
	[tilespmem:s31+$0x400] =	vst v13  }
0x248: {  	v8 =	vmul.f32 $2.262741660e+01, v8;
	v11 =	vld [tilespmem:s31+$0x10];
	[tilespmem:s31+$0xC20] =	vst v14  }
0x249: {  	v20 =	vld [tilespmem:s31+$0x40];
	[tilespmem:s31+$0x430] =	vst v9  }
0x24a: {  	v14 =	vld [tilespmem:s31+$0x840];
	[tilespmem:s31+$0x440] =	vst v8;
	v3 =	vmul.f32 $2.262741660e+01, v3  }
0x24b: {  	[tilespmem:s31+$0xC70] =	vst v10;
	v10 =	vld [tilespmem:s31+$0x820];
	v13 =	vmul.f32 $2.262741660e+01, v16  }
0x24c: {  	v12 =	vmul.f32 $2.262741660e+01, v12;
	[tilespmem:s31+$0x70] =	vst v3;
	v3 =	vld [tilespmem:s31+$0x850]  }
0x24d: {  	v11 =	vmul.f32 $2.262741660e+01, v11;
	[tilespmem:s31+$0x30] =	vst v13;
	v13 =	vmul.f32 $2.262741660e+01, v15;
	v15 =	vld [tilespmem:s31+$0x860]  }
0x24e: {  	v19 =	vmul.f32 $2.262741660e+01, v7;
	v17 =	vmul.f32 $2.262741660e+01, v17;
	[tilespmem:s31+$0x20] =	vst v12;
	v12 =	vld [tilespmem:s31+$0x870]  }
0x24f: {  	v21 =	vmul.f32 $2.262741660e+01, v6;
	v7 =	vmul.f32 $2.262741660e+01, v5;
	[tilespmem:s31+$0x10] =	vst v11;
	v11 =	vld [tilespmem:s31+$0xC00]  }
0x250: {  	v6 =	vmul.f32 $2.262741660e+01, v4;
	v8 =	vmul.f32 $2.262741660e+01, v18;
	[tilespmem:s31+$0xC40] =	vst v13;
	v13 =	vld [tilespmem:s31+$0x50]  }
0x251: {  	[tilespmem:s31+$0x450] =	vst v19;
	v5 =	vmul.f32 $2.262741660e+01, v14;
	v16 =	vld [tilespmem:s31+$0x60];
	v4 =	vmul.f32 $2.262741660e+01, v10  }
0x252: {  	[tilespmem:s31+$0x460] =	vst v17;
	v14 =	vld [tilespmem:s31+$0xC10];
	v9 =	vmul.f32 $2.262741660e+01, v3;
	v10 =	vmul.f32 $2.262741660e+01, v15  }
0x253: {  	s2 =	simm.s32 $0x200;
	s0 =	simm.s32 $0x80;
	[tilespmem:s31+$0x470] =	vst v21;
	v3 =	vmul.f32 $2.262741660e+01, v12;
	v12 =	vmul.f32 $2.262741660e+01, v20;
	v15 =	vld [tilespmem:s31+$0xC30]  }
.LBB2_26:
0x254: {  	s6 =	sand.u32 $0x7000, s2;
	s11 =	sand.u32 $0x380, s0;
	[tilespmem:s31+$0x800] =	vst v7;
	v7 =	vmul.f32 $2.262741660e+01, v11;
	v11 =	vld [tilespmem:s31+$0xC50]  }
0x255: {  	p0 =	sne.s32 s2, $0x4E00;
	s2 =	sadd.s32 $0x200, s2;
	s6 =	sor.u32 s11, s6;
	v13 =	vmul.f32 $2.262741660e+01, v13;
	[tilespmem:s31+$0x810] =	vst v6;
	v6 =	vld [tilespmem:s31+$0xC60]  }
0x256: {  	s11 =	sadd.s32 $0x1A400, s6;
	v17 =	vld [tilespmem:s6+$0x1A400];
	v16 =	vmul.f32 $2.262741660e+01, v16;
	[tilespmem:s31+$0x820] =	vst v4  }
0x257: {  	v4 =	vld [tilespmem:s11+$0x810];
	[tilespmem:s31+$0x830] =	vst v8;
	v8 =	vmul.f32 $2.262741660e+01, v14  }
0x258: {  	v14 =	vld [tilespmem:s11+$0x800];
	[tilespmem:s31+$0x840] =	vst v5;
	v5 =	vmul.f32 $2.262741660e+01, v15  }
0x259: {  	v15 =	vld [tilespmem:s11+$0x470];
	[tilespmem:s31+$0x850] =	vst v9;
	v9 =	vmul.f32 $2.262741660e+01, v11  }
0x25a: {  	v11 =	vld [tilespmem:s11+$0x460];
	[tilespmem:s31+$0x860] =	vst v10;
	v6 =	vmul.f32 $2.262741660e+01, v6  }
0x25b: {  	v10 =	vmul.f32 $2.262741660e+01, v17;
	v17 =	vld [tilespmem:s11+$0x450];
	[tilespmem:s31+$0x40] =	vst v12  }
0x25c: {  	v12 =	vld [tilespmem:s11+$0x440];
	[tilespmem:s31+$0xC60] =	vst v6  }
0x25d: {  	v6 =	vld [tilespmem:s11+$0x430];
	[tilespmem:s31+$0x60] =	vst v16  }
0x25e: {  	v16 =	vld [tilespmem:s11+$0x420];
	[tilespmem:s31+$0x50] =	vst v13  }
0x25f: {  	v13 =	vld [tilespmem:s11+$0x410];
	[tilespmem:s31+$0xC50] =	vst v9  }
0x260: {  	v9 =	vld [tilespmem:s11+$0xC70];
	[tilespmem:s31+$0xC00] =	vst v7  }
0x261: {  	v7 =	vld [tilespmem:s11+$0x400];
	[tilespmem:s31+$0x870] =	vst v3  }
0x262: {  	v3 =	vld [tilespmem:s11+$0xC20];
	[tilespmem:s31+$0xC10] =	vst v8  }
0x263: {  	v8 =	vmul.f32 $2.262741660e+01, v16;
	v16 =	vld [tilespmem:s11+$0xC40];
	[tilespmem:s31+$0xC30] =	vst v5;
	s31 =	smov.u32 s11  }
0x264: {  	[tilespmem:s6+$0x1A400] =	vst v10;
	v5 =	vld [tilespmem:s31+$0x70];
	v10 =	vmul.f32 $2.262741660e+01, v13  }
0x265: {  	v13 =	vld [tilespmem:s31+$0x30];
	[tilespmem:s31+$0x420] =	vst v8;
	v8 =	vmul.f32 $2.262741660e+01, v9  }
0x266: {  	v9 =	vld [tilespmem:s31+$0x20];
	v7 =	vmul.f32 $2.262741660e+01, v7;
	[tilespmem:s31+$0x410] =	vst v10;
	v10 =	vmul.f32 $2.262741660e+01, v6  }
0x267: {  	v12 =	vmul.f32 $2.262741660e+01, v12;
	v6 =	vld [tilespmem:s31+$0x10];
	v3 =	vmul.f32 $2.262741660e+01, v3;
	[tilespmem:s31+$0xC70] =	vst v8  }
0x268: {  	v17 =	vmul.f32 $2.262741660e+01, v17;
	[tilespmem:s31+$0x400] =	vst v7;
	v8 =	vld [tilespmem:s31+$0x820];
	v7 =	vmul.f32 $2.262741660e+01, v16  }
0x269: {  	v18 =	vmul.f32 $2.262741660e+01, v11;
	v5 =	vmul.f32 $2.262741660e+01, v5;
	v11 =	vld [tilespmem:s31+$0x830];
	[tilespmem:s31+$0xC20] =	vst v3  }
0x26a: {  	v15 =	vmul.f32 $2.262741660e+01, v15;
	v3 =	vmul.f32 $2.262741660e+01, v13;
	v13 =	vld [tilespmem:s31+$0x840];
	[tilespmem:s31+$0xC40] =	vst v7  }
0x26b: {  	v7 =	vmul.f32 $2.262741660e+01, v14;
	v9 =	vmul.f32 $2.262741660e+01, v9;
	[tilespmem:s31+$0x70] =	vst v5;
	v14 =	vld [tilespmem:s31+$0x850]  }
0x26c: {  	v5 =	vmul.f32 $2.262741660e+01, v6;
	[tilespmem:s31+$0x30] =	vst v3;
	v6 =	vmul.f32 $2.262741660e+01, v4;
	v3 =	vld [tilespmem:s31+$0x860]  }
0x26d: {  	[tilespmem:s31+$0x20] =	vst v9;
	v4 =	vmul.f32 $2.262741660e+01, v8;
	v19 =	vld [tilespmem:s31+$0x870]  }
0x26e: {  	[tilespmem:s31+$0x10] =	vst v5;
	v20 =	vld [tilespmem:s31+$0x40];
	v8 =	vmul.f32 $2.262741660e+01, v11  }
.Ltmp20:
0x26f: {  	[tilespmem:s31+$0x430] =	vst v10;
	v5 =	vmul.f32 $2.262741660e+01, v13;
	v11 =	vld [tilespmem:s31+$0xC00];
	(pc) =	sbr.rel @p0 .LBB2_26-.Ltmp20, $4  }
0x270: {  	v13 =	vld [tilespmem:s31+$0x50];
	[tilespmem:s31+$0x440] =	vst v12;
	v9 =	vmul.f32 $2.262741660e+01, v14  }
0x271: {  	v16 =	vld [tilespmem:s31+$0x60];
	[tilespmem:s31+$0x450] =	vst v17;
	v10 =	vmul.f32 $2.262741660e+01, v3  }
0x272: {  	[tilespmem:s31+$0x460] =	vst v18;
	v3 =	vmul.f32 $2.262741660e+01, v19;
	v14 =	vld [tilespmem:s31+$0xC10]  }
0x273: {  	s0 =	sadd.s32 $0x80, s0;
	v12 =	vmul.f32 $2.262741660e+01, v20;
	[tilespmem:s31+$0x470] =	vst v15;
	v15 =	vld [tilespmem:s31+$0xC30]  }
0x274: {  	[tilespmem:s31+$0x800] =	vst v7  }
0x275: {  	[tilespmem:s31+$0x810] =	vst v6  }
0x276: {  	[tilespmem:s31+$0x820] =	vst v4  }
0x277: {  	[tilespmem:s31+$0x830] =	vst v8  }
0x278: {  	[tilespmem:s31+$0x840] =	vst v5  }
0x279: {  	[tilespmem:s31+$0x850] =	vst v9  }
0x27a: {  	[tilespmem:s31+$0x860] =	vst v10  }
0x27b: {  	v56 =	vld [tilespmem:s31+$0xC60];
	v61 =	vmul.f32 $2.262741660e+01, v11;
	[tilespmem:s31+$0x870] =	vst v3  }
0x27c: {  	v57 =	vld [tilespmem:s31+$0xC50];
	[tilespmem:s31+$0x40] =	vst v12;
	v60 =	vmul.f32 $2.262741660e+01, v13  }
0x27d: {  	v59 =	vmul.f32 $2.262741660e+01, v16;
	[tilespmem:s31+$0xC00] =	vst v61  }
0x27e: {  	[tilespmem:s31+$0x50] =	vst v60;
	v62 =	vmul.f32 $2.262741660e+01, v14  }
0x27f: {  	s0 =	smul.u32 $0x28, s30;
	[tilespmem:s31+$0x60] =	vst v59;
	v63 =	vmul.f32 $2.262741660e+01, v15  }
.Ltmp21:
0x280: {  	v58 =	vmul.f32 $2.262741660e+01, v56;
	[tilespmem:s31+$0xC10] =	vst v62;
	(pc) =	sbr.rel .LBB2_28-.Ltmp21, $4  }
0x281: {  	s0 =	sadd.s32 s4, s0;
	v4 =	vmul.f32 $2.262741660e+01, v57;
	[tilespmem:s31+$0xC30] =	vst v63  }
0x282: {  	s0 =	sshll.u32 s0, $0x6;
	[tilespmem:s31+$0xC60] =	vst v58  }
0x283: {  	s0 =	sadd.s32 s3, s0;
	[tilespmem:s31+$0xC50] =	vst v4  }
0x284: {  	[hbm4b:s0+s5] =	stream.linear.scatter [tilespmem:s29], [sflag:$0xA], $0x5000, $0x38;
	[tilespmem:$0x1F400] =	vst v63  }
.LBB2_19:
0x285: {  	_ =	swait.ge [sflag:s22], $0x5000;
	s0 =	simm.s32 $0x0  }
0x286: {  	[sflag:s22] =	ssyncset.done $0x0;
	s2 =	sand.u32 $0x7000, s0;
	s0 =	sand.u32 $0x380, s0  }
0x287: {  	[sflag:s22] =	ssyncadd.s32 $0xFFFFB000;
	s31 =	sor.u32 s0, s2  }
0x288: {  	v3 =	vld [tilespmem:s31+$0xB870]  }
0x289: {  	v4 =	vld [tilespmem:s31+$0xBC00]  }
0x28a: {  	v5 =	vld [tilespmem:s31+$0xBC10]  }
0x28b: {  	v6 =	vld [tilespmem:s31+$0xB860]  }
0x28c: {  	v7 =	vld [tilespmem:s31+$0xB850]  }
0x28d: {  	v8 =	vld [tilespmem:s31+$0xBC20]  }
0x28e: {  	v9 =	vld [tilespmem:s31+$0xB840]  }
0x28f: {  	v10 =	vld [tilespmem:s31+$0xC070]  }
0x290: {  	v11 =	vld [tilespmem:s31+$0xC010]  }
0x291: {  	v12 =	vld [tilespmem:s31+$0xC050]  }
0x292: {  	v16 =	vld [tilespmem:s31+$0xBC30]  }
0x293: {  	v17 =	vld [tilespmem:s31+$0xBC40]  }
0x294: {  	v14 =	vld [tilespmem:s31+$0xC000]  }
0x295: {  	v13 =	vld [tilespmem:s31+$0xC040]  }
0x296: {  	v15 =	vld [tilespmem:s31+$0xB830];
	v11 =	vmul.f32 $2.262741660e+01, v11  }
0x297: {  	v18 =	vld [tilespmem:s31+$0xB820];
	v10 =	vmul.f32 $2.262741660e+01, v10  }
0x298: {  	v19 =	vld [tilespmem:s31+$0xB810];
	v12 =	vmul.f32 $2.262741660e+01, v12;
	[tilespmem:s31+$0xC010] =	vst v11  }
0x299: {  	v20 =	vld [tilespmem:s31+$0xB460];
	v14 =	vmul.f32 $2.262741660e+01, v14;
	[tilespmem:s31+$0xC070] =	vst v10  }
0x29a: {  	v24 =	vld [tilespmem:s31+$0xB400];
	v11 =	vmul.f32 $2.262741660e+01, v13;
	[tilespmem:s31+$0xC050] =	vst v12  }
0x29b: {  	v15 =	vmul.f32 $2.262741660e+01, v15;
	v10 =	vld [tilespmem:s31+$0xC020];
	[tilespmem:s31+$0xC000] =	vst v14  }
0x29c: {  	v13 =	vld [tilespmem:s31+$0xB800];
	[tilespmem:s31+$0xC040] =	vst v11;
	v11 =	vmul.f32 $2.262741660e+01, v18  }
0x29d: {  	v12 =	vld [tilespmem:s31+$0xB470];
	[tilespmem:s31+$0xB830] =	vst v15;
	v18 =	vmul.f32 $2.262741660e+01, v9;
	v9 =	vmul.f32 $2.262741660e+01, v19  }
0x29e: {  	v22 =	vld [tilespmem:s31+$0xBC60];
	v21 =	vmul.f32 $2.262741660e+01, v7;
	v20 =	vmul.f32 $2.262741660e+01, v20;
	[tilespmem:s31+$0xB820] =	vst v11  }
0x29f: {  	v19 =	vld [tilespmem:s31+$0xBC50];
	v11 =	vmul.f32 $2.262741660e+01, v6;
	[tilespmem:s31+$0xB810] =	vst v9;
	v9 =	vmul.f32 $2.262741660e+01, v8  }
0x2a0: {  	v23 =	vld [tilespmem:s31+$0xBC70];
	[tilespmem:s31+$0xB460] =	vst v20;
	v8 =	vmul.f32 $2.262741660e+01, v24;
	v7 =	vmul.f32 $2.262741660e+01, v10  }
0x2a1: {  	v14 =	vld [tilespmem:s31+$0xB410];
	[tilespmem:s31+$0xB850] =	vst v21;
	v6 =	vmul.f32 $2.262741660e+01, v13;
	v10 =	vmul.f32 $2.262741660e+01, v3  }
0x2a2: {  	v15 =	vld [tilespmem:s31+$0xB440];
	[tilespmem:s31+$0xB840] =	vst v18;
	v3 =	vmul.f32 $2.262741660e+01, v12;
	v12 =	vmul.f32 $2.262741660e+01, v4  }
0x2a3: {  	v13 =	vmul.f32 $2.262741660e+01, v5;
	v4 =	vmul.f32 $2.262741660e+01, v16;
	v16 =	vld [tilespmem:s31+$0xB420];
	[tilespmem:s31+$0xC020] =	vst v7  }
0x2a4: {  	[tilespmem:s31+$0xB800] =	vst v6;
	v7 =	vmul.f32 $2.262741660e+01, v17;
	v5 =	vmul.f32 $2.262741660e+01, v19;
	v17 =	vld [tilespmem:s31+$0xB430]  }
0x2a5: {  	s2 =	simm.s32 $0x200;
	s0 =	simm.s32 $0x80;
	v18 =	vld [tilespmem:s31+$0xC030];
	[tilespmem:s31+$0xB470] =	vst v3;
	v6 =	vmul.f32 $2.262741660e+01, v22;
	v3 =	vmul.f32 $2.262741660e+01, v23  }
.LBB2_20:
0x2a6: {  	s6 =	sand.u32 $0x7000, s2;
	s11 =	sand.u32 $0x380, s0;
	v14 =	vmul.f32 $2.262741660e+01, v14;
	[tilespmem:s31+$0xB860] =	vst v11;
	v11 =	vld [tilespmem:s31+$0xC060]  }
0x2a7: {  	p0 =	sne.s32 s2, $0x4E00;
	s2 =	sadd.s32 $0x200, s2;
	s6 =	sor.u32 s11, s6;
	v15 =	vmul.f32 $2.262741660e+01, v15;
	v19 =	vld [tilespmem:s31+$0xB450];
	[tilespmem:s31+$0xB870] =	vst v10  }
0x2a8: {  	v10 =	vld [tilespmem:s6+$0xB870];
	v16 =	vmul.f32 $2.262741660e+01, v16;
	[tilespmem:s31+$0xBC00] =	vst v12  }
0x2a9: {  	v12 =	vld [tilespmem:s6+$0xBC00];
	v17 =	vmul.f32 $2.262741660e+01, v17;
	[tilespmem:s31+$0xBC10] =	vst v13  }
0x2aa: {  	v13 =	vld [tilespmem:s6+$0xBC10];
	[tilespmem:s31+$0xB420] =	vst v16;
	v16 =	vmul.f32 $2.262741660e+01, v18  }
0x2ab: {  	v18 =	vld [tilespmem:s6+$0xB860];
	[tilespmem:s31+$0xB430] =	vst v17;
	v11 =	vmul.f32 $2.262741660e+01, v11  }
0x2ac: {  	v17 =	vld [tilespmem:s6+$0xB850];
	v19 =	vmul.f32 $2.262741660e+01, v19;
	[tilespmem:s31+$0xBC20] =	vst v9  }
0x2ad: {  	v9 =	vld [tilespmem:s6+$0xBC20];
	[tilespmem:s31+$0xC030] =	vst v16  }
0x2ae: {  	v16 =	vld [tilespmem:s6+$0xB840];
	[tilespmem:s31+$0xB450] =	vst v19  }
0x2af: {  	v19 =	vld [tilespmem:s6+$0xC070];
	[tilespmem:s31+$0xB440] =	vst v15  }
0x2b0: {  	v15 =	vld [tilespmem:s6+$0xC010];
	[tilespmem:s31+$0xC060] =	vst v11  }
0x2b1: {  	v11 =	vld [tilespmem:s6+$0xC050];
	[tilespmem:s31+$0xBC30] =	vst v4  }
0x2b2: {  	v4 =	vld [tilespmem:s6+$0xBC30];
	[tilespmem:s31+$0xBC40] =	vst v7  }
0x2b3: {  	v7 =	vld [tilespmem:s6+$0xBC40];
	[tilespmem:s31+$0xB410] =	vst v14  }
0x2b4: {  	v14 =	vld [tilespmem:s6+$0xC040];
	[tilespmem:s31+$0xBC50] =	vst v5  }
0x2b5: {  	v19 =	vmul.f32 $2.262741660e+01, v19;
	v5 =	vld [tilespmem:s6+$0xC000];
	[tilespmem:s31+$0xBC60] =	vst v6  }
0x2b6: {  	v6 =	vld [tilespmem:s6+$0xB830];
	[tilespmem:s31+$0xB400] =	vst v8  }
0x2b7: {  	v15 =	vmul.f32 $2.262741660e+01, v15;
	v8 =	vld [tilespmem:s6+$0xB820];
	[tilespmem:s31+$0xBC70] =	vst v3;
	s31 =	smov.u32 s6  }
0x2b8: {  	v11 =	vmul.f32 $2.262741660e+01, v11;
	v3 =	vld [tilespmem:s31+$0xB810];
	[tilespmem:s31+$0xC070] =	vst v19  }
0x2b9: {  	v19 =	vmul.f32 $2.262741660e+01, v16;
	[tilespmem:s31+$0xC010] =	vst v15;
	v15 =	vld [tilespmem:s31+$0xC020];
	v14 =	vmul.f32 $2.262741660e+01, v14  }
0x2ba: {  	v20 =	vmul.f32 $2.262741660e+01, v17;
	v16 =	vld [tilespmem:s31+$0xB800];
	v5 =	vmul.f32 $2.262741660e+01, v5;
	[tilespmem:s31+$0xC050] =	vst v11  }
0x2bb: {  	v11 =	vmul.f32 $2.262741660e+01, v18;
	v17 =	vld [tilespmem:s31+$0xB470];
	v6 =	vmul.f32 $2.262741660e+01, v6;
	[tilespmem:s31+$0xC040] =	vst v14  }
0x2bc: {  	v10 =	vmul.f32 $2.262741660e+01, v10;
	v18 =	vld [tilespmem:s31+$0xB460];
	v8 =	vmul.f32 $2.262741660e+01, v8;
	[tilespmem:s31+$0xC000] =	vst v5  }
0x2bd: {  	v12 =	vmul.f32 $2.262741660e+01, v12;
	v3 =	vmul.f32 $2.262741660e+01, v3;
	[tilespmem:s31+$0xB830] =	vst v6;
	v5 =	vld [tilespmem:s31+$0xBC50]  }
0x2be: {  	v13 =	vmul.f32 $2.262741660e+01, v13;
	[tilespmem:s31+$0xB820] =	vst v8;
	v6 =	vld [tilespmem:s31+$0xBC60];
	v8 =	vmul.f32 $2.262741660e+01, v15  }
0x2bf: {  	v9 =	vmul.f32 $2.262741660e+01, v9;
	v15 =	vmul.f32 $2.262741660e+01, v16;
	[tilespmem:s31+$0xB810] =	vst v3;
	v3 =	vld [tilespmem:s31+$0xBC70]  }
0x2c0: {  	v4 =	vmul.f32 $2.262741660e+01, v4;
	v21 =	vld [tilespmem:s31+$0xB400];
	v16 =	vmul.f32 $2.262741660e+01, v17;
	[tilespmem:s31+$0xC020] =	vst v8  }
.Ltmp22:
0x2c1: {  	v7 =	vmul.f32 $2.262741660e+01, v7;
	v14 =	vld [tilespmem:s31+$0xB410];
	v8 =	vmul.f32 $2.262741660e+01, v18;
	[tilespmem:s31+$0xB800] =	vst v15;
	(pc) =	sbr.rel @p0 .LBB2_20-.Ltmp22, $4  }
0x2c2: {  	v15 =	vld [tilespmem:s31+$0xB440];
	[tilespmem:s31+$0xB470] =	vst v16;
	v5 =	vmul.f32 $2.262741660e+01, v5  }
0x2c3: {  	v16 =	vld [tilespmem:s31+$0xB420];
	[tilespmem:s31+$0xB460] =	vst v8;
	v6 =	vmul.f32 $2.262741660e+01, v6  }
0x2c4: {  	v17 =	vld [tilespmem:s31+$0xB430];
	[tilespmem:s31+$0xB840] =	vst v19;
	v3 =	vmul.f32 $2.262741660e+01, v3  }
0x2c5: {  	s0 =	sadd.s32 $0x80, s0;
	v8 =	vmul.f32 $2.262741660e+01, v21;
	[tilespmem:s31+$0xB850] =	vst v20;
	v18 =	vld [tilespmem:s31+$0xC030]  }
0x2c6: {  	[tilespmem:s31+$0xB860] =	vst v11  }
0x2c7: {  	[tilespmem:s31+$0xB870] =	vst v10  }
0x2c8: {  	[tilespmem:s31+$0xBC00] =	vst v12  }
0x2c9: {  	[tilespmem:s31+$0xBC10] =	vst v13  }
0x2ca: {  	[tilespmem:s31+$0xBC20] =	vst v9  }
0x2cb: {  	[tilespmem:s31+$0xBC30] =	vst v4  }
0x2cc: {  	[tilespmem:s31+$0xBC40] =	vst v7  }
0x2cd: {  	[tilespmem:s31+$0xBC50] =	vst v5  }
0x2ce: {  	[tilespmem:s31+$0xBC60] =	vst v6  }
0x2cf: {  	v56 =	vld [tilespmem:s31+$0xB450];
	v63 =	vmul.f32 $2.262741660e+01, v14;
	[tilespmem:s31+$0xBC70] =	vst v3  }
0x2d0: {  	v58 =	vld [tilespmem:s31+$0xC060];
	v61 =	vmul.f32 $2.262741660e+01, v15;
	[tilespmem:s31+$0xB400] =	vst v8  }
0x2d1: {  	v57 =	vmul.f32 $2.262741660e+01, v16;
	[tilespmem:s31+$0xB410] =	vst v63  }
0x2d2: {  	v59 =	vmul.f32 $2.262741660e+01, v17;
	[tilespmem:s31+$0xB440] =	vst v61  }
0x2d3: {  	s0 =	smul.u32 $0x28, s30;
	[tilespmem:s31+$0xB420] =	vst v57;
	v60 =	vmul.f32 $2.262741660e+01, v18  }
.Ltmp23:
0x2d4: {  	[tilespmem:s31+$0xB430] =	vst v59;
	v11 =	vmul.f32 $2.262741660e+01, v56;
	(pc) =	sbr.rel .LBB2_28-.Ltmp23, $4  }
0x2d5: {  	s0 =	sadd.s32 s4, s0;
	v62 =	vmul.f32 $2.262741660e+01, v58;
	[tilespmem:s31+$0xC030] =	vst v60  }
0x2d6: {  	s0 =	sshll.u32 s0, $0x6;
	[tilespmem:s31+$0xB450] =	vst v11  }
0x2d7: {  	s0 =	sadd.s32 s3, s0;
	[tilespmem:s31+$0xC060] =	vst v62  }
0x2d8: {  	[hbm4b:s0+s5] =	stream.linear.scatter [tilespmem:s23], [sflag:$0x7], $0x5000, $0x38;
	[tilespmem:$0x1F400] =	vst v63  }
.LBB2_30:
0x2d9: {  	_ =	sfence.sel $0x180000  }
0x2da: {  	[bflag:$0x0] =	sbarrier.arrive $0xFFFF  }
0x2db: {  	_ =	strace $0x90000047  }
0x2dc: {  	s0 =	stileid.u32;
	[bflag:$0x2] =	sbarrier.arrive $0xFFFF  }
0x2dd: {  	p0 =	sne.s32 s0, $0x0;
	s0 =	rddreg [dreg:$0x3]  }
0x2de: {  	s0 =	sadd.s32 @!p0 $0x100000, s0  }
0x2df: {  	[sflag:s0] =	ssyncadd.tile.s32 @!p0 $0x1;
	_ =	shalt  }
.Lfunc_end2:
_tile_overlayer_lowered:
.L_overlay_start_2:
0x2e0: {  	(tag) =	ssettag $0x2  }
0x2e1: {  	s0 =	rddreg [dreg:$0x0];
	s2 =	stileid.u32  }
0x2e2: {  	s1 =	rddreg [dreg:$0x1];
	p0 =	sne.s32 s2, $0x0  }
0x2e3: {  	s3 =	rddreg [dreg:$0x2];
	[bflag:$0x3] =	sbarrier.arrive $0xFFFF;
	s2 =	simm.s32 @!p0 $0x1C0B  }
0x2e4: {  	[timem:s3], [sflag:s2] =	dma.local @!p0 [hbm:s0], s1  }
0x2e5: {  	s0 =	simm.s32 @!p0 $0xB  }
0x2e6: {  	_ =	swait.ge @!p0 [sflag:s0], s1  }
0x2e7: {  	s1 =	ssub.s32 @!p0 $0x0, s1;
	[sflag:s0] =	ssyncset.done @!p0 $0x0  }
0x2e8: {  	[sflag:s0] =	ssyncadd.s32 @!p0 s1  }
0x2e9: {  	[bflag:$0x3] =	sbarrier.arrive $0xFFFF  }
0x2ea: {  	_ =	shalt  }

</sc_bundles>
